<compile_context>
chip_gen: v7x
topology: tpu7x:2x2x1
jax: 0.10.2.dev20260603
libtpu: 0.0.44.dev20260713+nightly
codegen_flags: <defaults>
</compile_context>

<pallas_src>
import jax
import jax.numpy as jnp
from jax import lax
from jax.experimental import pallas as pl
from jax.experimental.pallas import tpu as pltpu
from jax.experimental.pallas import tpu_sc as plsc

N = 50000
E = 1600000
H = 4
D = 128
N_PAD = 50176
QN = N_PAD // 4
CK = N_PAD // 8
CHUNK = E // 8
B = 8000
NB = CHUNK // B
BB = 8000
NBB = CHUNK // BB
L = 16

_mesh = plsc.VectorSubcoreMesh(core_axis_name="c", subcore_axis_name="s")


def _tile_coords():
    c = lax.axis_index("c")
    s = lax.axis_index("s")
    h = s % H
    q = s // H
    base = c * (E // 2) + q * CHUNK
    return c, s, h, q, base


def _logits_body(x_ref, w_ref, o_ref):
    o_ref[...] = jnp.dot(x_ref[...], w_ref[...],
                         preferred_element_type=jnp.float32,
                         precision=jax.lax.Precision.HIGHEST)


def _node_logits(X, attn_kernel_self, attn_kernel_adjc):
    X2 = X.reshape(N, H * D)
    ws = attn_kernel_self[:, :, 0]
    wa = attn_kernel_adjc[:, :, 0]
    eye = jnp.eye(H, dtype=X.dtype)
    Wself = (eye[:, None, :] * ws.T[:, :, None]).reshape(H * D, H)
    Wadjc = (eye[:, None, :] * wa.T[:, :, None]).reshape(H * D, H)
    W = jnp.concatenate([Wself, Wadjc], axis=1)
    BN = 1000
    return pl.pallas_call(
        _logits_body,
        grid=(N // BN,),
        in_specs=[
            pl.BlockSpec((BN, H * D), lambda i: (i, 0)),
            pl.BlockSpec((H * D, 2 * H), lambda i: (0, 0)),
        ],
        out_specs=pl.BlockSpec((BN, 2 * H), lambda i: (i, 0)),
        out_shape=jax.ShapeDtypeStruct((N, 2 * H), jnp.float32),
    )(X2, W)


def _phase_a_body(lsT, laT, tg, sr, eT, ls_tab, la_tab, t_buf, s_buf, e_buf):
    _, _, h, _, base = _tile_coords()
    pltpu.sync_copy(lsT.at[pl.ds(h * N, N)], ls_tab)
    pltpu.sync_copy(laT.at[pl.ds(h * N, N)], la_tab)

    def block(b, carry):
        off = base + b * B
        pltpu.sync_copy(tg.at[pl.ds(off, B)], t_buf)
        pltpu.sync_copy(sr.at[pl.ds(off, B)], s_buf)

        @plsc.parallel_loop(0, B // L, unroll=4)
        def grp(g):
            ti = t_buf[pl.ds(g * L, L)]
            si = s_buf[pl.ds(g * L, L)]
            ev = plsc.load_gather(ls_tab, [ti]) + plsc.load_gather(la_tab, [si])
            e_buf[pl.ds(g * L, L)] = jnp.where(ev >= 0.0, ev, 0.2 * ev)

        pltpu.sync_copy(e_buf, eT.at[pl.ds(h * E + off, B)])
        return carry

    lax.fori_loop(0, NB, block, 0)


_phase_a = pl.kernel(
    _phase_a_body,
    out_type=jax.ShapeDtypeStruct((H * E,), jnp.float32),
    mesh=_mesh,
    compiler_params=pltpu.CompilerParams(needs_layout_passes=False),
    scratch_types=[
        pltpu.VMEM((N,), jnp.float32),
        pltpu.VMEM((N,), jnp.float32),
        pltpu.VMEM((B,), jnp.int32),
        pltpu.VMEM((B,), jnp.int32),
        pltpu.VMEM((B,), jnp.float32),
    ],
)


def _phase_b_body(eT, tg, m_part, tab, t_buf, e_buf, tmp, shared):
    c, s, h, q, base = _tile_coords()

    @plsc.parallel_loop(0, N_PAD // L, unroll=8)
    def ini(g):
        tab[pl.ds(g * L, L)] = jnp.full((L,), -jnp.inf, jnp.float32)

    def block(b, carry):
        off = base + b * BB
        pltpu.sync_copy(tg.at[pl.ds(off, BB)], t_buf)
        pltpu.sync_copy(eT.at[pl.ds(h * E + off, BB)], e_buf)

        def grp(g, c2):
            ti = t_buf[pl.ds(g * L, L)]
            ev = e_buf[pl.ds(g * L, L)]

            def wbody(_):
                chk = plsc.load_gather(tab, [ti])
                bad = ev > chk
                plsc.store_scatter(tab, [ti], jnp.maximum(chk, ev), mask=bad)
                chk2 = plsc.load_gather(tab, [ti])
                return jnp.sum((ev > chk2).astype(jnp.int32))

            lax.while_loop(lambda n: n > 0, wbody, jnp.int32(1))
            return c2

        lax.fori_loop(0, BB // L, grp, 0)
        return carry

    lax.fori_loop(0, NBB, block, 0)

    pltpu.sync_copy(tab, shared.at[pl.ds(s * N_PAD, N_PAD)])
    plsc.subcore_barrier()
    roff = q * QN
    for j in (1, 2, 3):
        jj = (q + j) % 4
        pltpu.sync_copy(shared.at[pl.ds((h + H * jj) * N_PAD + roff, QN)],
                        tmp)

        @plsc.parallel_loop(0, QN // L, unroll=8)
        def mg(g):
            sl = pl.ds(roff + g * L, L)
            tab[sl] = jnp.maximum(tab[sl], tmp[pl.ds(g * L, L)])

    pltpu.sync_copy(tab.at[pl.ds(roff, QN)],
                    m_part.at[pl.ds((c * H + h) * N_PAD + roff, QN)])


_phase_b = pl.kernel(
    _phase_b_body,
    out_type=jax.ShapeDtypeStruct((2 * H * N_PAD,), jnp.float32),
    mesh=_mesh,
    compiler_params=pltpu.CompilerParams(needs_layout_passes=False),
    scratch_types=[
        pltpu.VMEM((N_PAD,), jnp.float32),
        pltpu.VMEM((BB,), jnp.int32),
        pltpu.VMEM((BB,), jnp.float32),
        pltpu.VMEM((QN,), jnp.float32),
        pltpu.VMEM_SHARED((16 * N_PAD,), jnp.float32),
    ],
)


def _phase_c_body(eT, tg, m_part, scT, outT,
                  m_tab, tmp, t_buf, e_buf, sc_buf, o_buf):
    _, _, h, _, base = _tile_coords()
    pltpu.sync_copy(m_part.at[pl.ds(h * N_PAD, N_PAD)], m_tab)
    for k in range(8):
        pltpu.sync_copy(m_part.at[pl.ds((H + h) * N_PAD + k * CK, CK)], tmp)

        @plsc.parallel_loop(0, CK // L, unroll=8)
        def mg(g):
            sl = pl.ds(k * CK + g * L, L)
            m_tab[sl] = jnp.maximum(m_tab[sl], tmp[pl.ds(g * L, L)])

    def block(b, carry):
        off = base + b * B
        pltpu.sync_copy(tg.at[pl.ds(off, B)], t_buf)
        pltpu.sync_copy(eT.at[pl.ds(h * E + off, B)], e_buf)
        pltpu.sync_copy(scT.at[pl.ds(h * E + off, B)], sc_buf)

        @plsc.parallel_loop(0, B // L, unroll=4)
        def grp(g):
            ti = t_buf[pl.ds(g * L, L)]
            ev = e_buf[pl.ds(g * L, L)]
            sv = sc_buf[pl.ds(g * L, L)]
            mv = plsc.load_gather(m_tab, [ti])
            o_buf[pl.ds(g * L, L)] = jnp.exp(ev - mv) * sv

        pltpu.sync_copy(o_buf, outT.at[pl.ds(h * E + off, B)])
        return carry

    lax.fori_loop(0, NB, block, 0)


_phase_c = pl.kernel(
    _phase_c_body,
    out_type=jax.ShapeDtypeStruct((H * E,), jnp.float32),
    mesh=_mesh,
    compiler_params=pltpu.CompilerParams(needs_layout_passes=False),
    scratch_types=[
        pltpu.VMEM((N_PAD,), jnp.float32),
        pltpu.VMEM((CK,), jnp.float32),
        pltpu.VMEM((B,), jnp.int32),
        pltpu.VMEM((B,), jnp.float32),
        pltpu.VMEM((B,), jnp.float32),
        pltpu.VMEM((B,), jnp.float32),
    ],
)


def kernel(X, N_arg, targets, sources, degree, attn_kernel_self,
           attn_kernel_adjc):
    del N_arg, degree
    logits = _node_logits(X, attn_kernel_self, attn_kernel_adjc)
    logitsT = logits.T
    lsT = logitsT[:H].reshape(-1)
    laT = logitsT[H:].reshape(-1)
    t = targets.reshape(-1)
    s = sources.reshape(-1)
    keep = jax.random.bernoulli(jax.random.key(42), 0.5, (E * H,))
    scF = jnp.where(keep, jnp.float32(2.0), jnp.float32(0.0))
    scT = scF.reshape(E, H).T.reshape(-1)

    eT = _phase_a(lsT, laT, t, s)
    m_part = _phase_b(eT, t)
    outT = _phase_c(eT, t, m_part, scT)
    return jnp.transpose(outT.reshape(1, H, 1, E), (0, 3, 1, 2))

# --- scband reference (transcript-rebuilt; emitter-appended) ---
"""Pipeline reference for scband-attention-gat-30709016166928 (READ-ONLY COPY).

The authoritative reference and input builder live on the scoring server;
editing this copy changes nothing except your own understanding.
"""

import jax, jax.numpy as jnp
import numpy as np


def setup_inputs(seed: int = 0) -> dict:
    key = jax.random.key(seed)
    ks = jax.random.split(key, 6)
    N = 50000
    E = 1600000
    H = 4
    D = 128
    X = jax.random.normal(ks[0], (1, N, H, D), dtype=jnp.float32)
    targets = jax.random.randint(ks[1], (1, E), 0, N, dtype=jnp.int32)
    sources = jax.random.randint(ks[2], (1, E), 0, N, dtype=jnp.int32)
    degree = jax.random.uniform(ks[3], (1, N), dtype=jnp.float32)
    # glorot-uniform style init for attention kernels [state_dim, attn_heads, 1]
    limit = float(np.sqrt(6.0 / (D + H)))
    attn_kernel_self = jax.random.uniform(ks[4], (D, H, 1), minval=-limit, maxval=limit, dtype=jnp.float32)
    attn_kernel_adjc = jax.random.uniform(ks[5], (D, H, 1), minval=-limit, maxval=limit, dtype=jnp.float32)
    return {
        'X': X,
        'N': N,
        'targets': targets,
        'sources': sources,
        'degree': degree,
        'attn_kernel_self': attn_kernel_self,
        'attn_kernel_adjc': attn_kernel_adjc,
    }


def reference(X, N, targets, sources, degree, attn_kernel_self, attn_kernel_adjc):
    H = attn_kernel_self.shape[1]
    N_static = X.shape[1]
    # tf.transpose(kernel, (2,1,0)) -> [1, H, D]
    aks = jnp.transpose(attn_kernel_self, (2, 1, 0))
    aka = jnp.transpose(attn_kernel_adjc, (2, 1, 0))
    # attn_for_self: [B, N, H]
    attn_for_self = jnp.sum(X * aks[None, ...], axis=-1)
    # tf.gather(..., targets, batch_dims=1) -> [B, E, H]
    attn_for_self = jnp.take_along_axis(attn_for_self, targets[..., None], axis=1)
    attn_for_adjc = jnp.sum(X * aka[None, ...], axis=-1)
    attn_for_adjc = jnp.take_along_axis(attn_for_adjc, sources[..., None], axis=1)
    attn_coef = attn_for_self + attn_for_adjc
    attn_coef = jax.nn.leaky_relu(attn_coef, negative_slope=0.2)
    attn_coef = attn_coef + jnp.zeros((), attn_coef.dtype) * N
    flat_ids = targets.reshape(-1)
    # tf.math.unsorted_segment_max(data [B,E,H], ids [B,E], N) -> [N, H]
    seg_max1 = jax.ops.segment_max(attn_coef.reshape(-1, H), flat_ids, num_segments=N_static)
    attn_coef = jnp.exp(attn_coef - seg_max1[targets])
    seg_max2 = jax.ops.segment_max(attn_coef.reshape(-1, H), flat_ids, num_segments=N_static)
    attn_coef = attn_coef / (seg_max2[targets] + 1e-09)
    # tf.nn.dropout(rate=0.5): deterministic mask with fixed key
    keep = jax.random.bernoulli(jax.random.key(42), 0.5, attn_coef.shape)
    attn_coef = jnp.where(keep, attn_coef / 0.5, jnp.zeros_like(attn_coef))
    return attn_coef[..., None]

if __name__ == "__main__":
    import jax
    _d = setup_inputs()
    print(jax.jit(kernel)(*tuple(_d.values())))

</pallas_src>

<mosaic_0001>
#map = affine_map<(d0, d1) -> (0)>
module attributes {stable_mosaic.version = 14 : i64} {
  func.func @_phase_b_body(%arg0: i32, %arg1: i32, %arg2: memref<6400000xf32, #tpu.memory_space<hbm>>, %arg3: memref<1600000xi32, #tpu.memory_space<hbm>>, %arg4: memref<401408xf32, #tpu.memory_space<hbm>>, %arg5: memref<50176xf32, #tpu.memory_space<vmem>>, %arg6: memref<8000xi32, #tpu.memory_space<vmem>>, %arg7: memref<8000xf32, #tpu.memory_space<vmem>>, %arg8: memref<12544xf32, #tpu.memory_space<vmem>>, %arg9: memref<802816xf32, #tpu.memory_space<vmem_shared>>) attributes {dimension_semantics = [#tpu.dimension_semantics<core_parallel>, #tpu.dimension_semantics<subcore_parallel>], iteration_bounds = array<i64: 2, 16>, scalar_prefetch = 0 : i64, scratch_operands = 5 : i64, tpu.core_type = #tpu.core_type<sc_vector_subcore>, window_params = [{transform_indices = #map}, {transform_indices = #map}, {transform_indices = #map}]} {
    %jit3A = arith.constant 4 : i32
    %eq3A = arith.constant 0 : i32
    %eq3A_0 = arith.cmpi eq, %jit3A, %eq3A : i32
    %jit3A_1 = arith.constant 1 : i32
    %select_n3A = arith.select %eq3A_0, %jit3A_1, %jit3A : i32
    %rem3A = arith.remsi %arg1, %select_n3A : i32
    %ne3A = arith.constant 0 : i32
    %ne3A_2 = arith.cmpi ne, %rem3A, %ne3A : i32
    %lt3A = arith.constant 0 : i32
    %lt3A_3 = arith.cmpi slt, %rem3A, %lt3A : i32
    %lt3A_4 = arith.constant 0 : i32
    %lt3A_5 = arith.cmpi slt, %select_n3A, %lt3A_4 : i32
    %ne3A_6 = arith.xori %lt3A_3, %lt3A_5 : i1
    %and3A = arith.andi %ne3A_6, %ne3A_2 : i1
    %add3A = arith.addi %rem3A, %select_n3A : i32
    %select_n3A_7 = arith.select %and3A, %add3A, %rem3A : i32
    %jit3A_8 = arith.constant 4 : i32
    %div3A = arith.divsi %arg1, %jit3A_8 : i32
    %sign3A = arith.constant 0 : i32
    %sign3A_9 = arith.cmpi sgt, %arg1, %sign3A : i32
    %sign3A_10 = arith.extui %sign3A_9 : i1 to i32
    %sign3A_11 = arith.constant 0 : i32
    %sign3A_12 = arith.cmpi slt, %arg1, %sign3A_11 : i32
    %sign3A_13 = arith.extui %sign3A_12 : i1 to i32
    %sign3A_14 = arith.subi %sign3A_10, %sign3A_13 : i32
    %sign3A_15 = arith.constant 0 : i32
    %sign3A_16 = arith.cmpi sgt, %jit3A_8, %sign3A_15 : i32
    %sign3A_17 = arith.extui %sign3A_16 : i1 to i32
    %sign3A_18 = arith.constant 0 : i32
    %sign3A_19 = arith.cmpi slt, %jit3A_8, %sign3A_18 : i32
    %sign3A_20 = arith.extui %sign3A_19 : i1 to i32
    %sign3A_21 = arith.subi %sign3A_17, %sign3A_20 : i32
    %ne3A_22 = arith.cmpi ne, %sign3A_14, %sign3A_21 : i32
    %rem3A_23 = arith.remsi %arg1, %jit3A_8 : i32
    %ne3A_24 = arith.constant 0 : i32
    %ne3A_25 = arith.cmpi ne, %rem3A_23, %ne3A_24 : i32
    %and3A_26 = arith.andi %ne3A_22, %ne3A_25 : i1
    %sub3A = arith.constant 1 : i32
    %sub3A_27 = arith.subi %div3A, %sub3A : i32
    %select_n3A_28 = arith.select %and3A_26, %sub3A_27, %div3A : i32
    %mul3A = arith.constant 800000 : i32
    %mul3A_29 = arith.muli %arg0, %mul3A : i32
    %mul3A_30 = arith.constant 200000 : i32
    %mul3A_31 = arith.muli %select_n3A_28, %mul3A_30 : i32
    %add3A_32 = arith.addi %mul3A_29, %mul3A_31 : i32
    %parallel_loop3A = arith.constant 0 : i32
    %parallel_loop3A_33 = arith.constant 3136 : i32
    %parallel_loop3A_34 = arith.constant 1 : i32
    scf.for %parallel_loop3A_131 = %parallel_loop3A to %parallel_loop3A_33 step %parallel_loop3A_34  : i32 {
      %parallel_loop3A_132 = arith.constant 0xFF800000 : f32
      %parallel_loop3A_133 = vector.broadcast %parallel_loop3A_132 : f32 to vector<16xf32>
      %parallel_loop3A_134 = arith.constant 16 : i32
      %parallel_loop3A_135 = arith.muli %parallel_loop3A_131, %parallel_loop3A_134 : i32
      %parallel_loop3A_136 = arith.index_cast %parallel_loop3A_135 : i32 to index
      %parallel_loop3A_137 = tpu.vector_load %arg5[%parallel_loop3A_136] {strides = array<i32>} : memref<50176xf32, #tpu.memory_space<vmem>>, vector<16xf32>,
      tpu.vector_store %arg5[%parallel_loop3A_136], %parallel_loop3A_133 {strides = array<i32>} : memref<50176xf32, #tpu.memory_space<vmem>>, vector<16xf32>,
    } {sc.loop_unroll_factor = 8 : i64, sc.parallel_access}
    %scan3A = arith.constant 0 : i32
    %scan3A_35 = arith.constant 0 : i32
    %scan3A_36 = arith.constant 25 : i32
    %scan3A_37 = arith.addi %scan3A_35, %scan3A_36 : i32
    %scan3A_38 = arith.constant 1 : i32
    scf.for %scan3A_131 = %scan3A_35 to %scan3A_37 step %scan3A_38  : i32 {
      %mul3A_132 = arith.constant 8000 : i32
      %mul3A_133 = arith.muli %scan3A_131, %mul3A_132 : i32
      %add3A_134 = arith.addi %add3A_32, %mul3A_133 : i32
      "tpu.region"() ({
        %run_scoped3A = tpu.sem_alloc : memref<!tpu.dma_semaphore, #tpu.memory_space<semaphore_mem>>
        %dma_start3A = tpu.memref_slice %arg3[%add3A_134] : memref<1600000xi32, #tpu.memory_space<hbm>> -> memref<8000xi32, #tpu.memory_space<hbm>>
        %dma_start3A_144 = tpu.memref_slice %arg3[%add3A_134] : memref<1600000xi32, #tpu.memory_space<hbm>> -> memref<8000xi32, #tpu.memory_space<hbm>>
        tpu.enqueue_dma source(%dma_start3A_144 : memref<8000xi32, #tpu.memory_space<hbm>>) target(%arg6 : memref<8000xi32, #tpu.memory_space<vmem>>) target_semaphore(%run_scoped3A : memref<!tpu.dma_semaphore, #tpu.memory_space<semaphore_mem>>)
        %dma_wait3A = tpu.memref_slice %arg3[%add3A_134] : memref<1600000xi32, #tpu.memory_space<hbm>> -> memref<8000xi32, #tpu.memory_space<hbm>>
        %dma_wait3A_145 = tpu.memref_slice %arg3[%add3A_134] : memref<1600000xi32, #tpu.memory_space<hbm>> -> memref<8000xi32, #tpu.memory_space<hbm>>
        tpu.wait_dma2 semaphore(%run_scoped3A : memref<!tpu.dma_semaphore, #tpu.memory_space<semaphore_mem>>) src(%dma_wait3A_145 : memref<8000xi32, #tpu.memory_space<hbm>>) dst(%arg6 : memref<8000xi32, #tpu.memory_space<vmem>>)
        tpu.yield
      }) : () -> ()
      %mul3A_135 = arith.constant 1600000 : i32
      %mul3A_136 = arith.muli %select_n3A_7, %mul3A_135 : i32
      %add3A_137 = arith.addi %mul3A_136, %add3A_134 : i32
      "tpu.region"() ({
        %run_scoped3A = tpu.sem_alloc : memref<!tpu.dma_semaphore, #tpu.memory_space<semaphore_mem>>
        %dma_start3A = tpu.memref_slice %arg2[%add3A_137] : memref<6400000xf32, #tpu.memory_space<hbm>> -> memref<8000xf32, #tpu.memory_space<hbm>>
        %dma_start3A_144 = tpu.memref_slice %arg2[%add3A_137] : memref<6400000xf32, #tpu.memory_space<hbm>> -> memref<8000xf32, #tpu.memory_space<hbm>>
        tpu.enqueue_dma source(%dma_start3A_144 : memref<8000xf32, #tpu.memory_space<hbm>>) target(%arg7 : memref<8000xf32, #tpu.memory_space<vmem>>) target_semaphore(%run_scoped3A : memref<!tpu.dma_semaphore, #tpu.memory_space<semaphore_mem>>)
        %dma_wait3A = tpu.memref_slice %arg2[%add3A_137] : memref<6400000xf32, #tpu.memory_space<hbm>> -> memref<8000xf32, #tpu.memory_space<hbm>>
        %dma_wait3A_145 = tpu.memref_slice %arg2[%add3A_137] : memref<6400000xf32, #tpu.memory_space<hbm>> -> memref<8000xf32, #tpu.memory_space<hbm>>
        tpu.wait_dma2 semaphore(%run_scoped3A : memref<!tpu.dma_semaphore, #tpu.memory_space<semaphore_mem>>) src(%dma_wait3A_145 : memref<8000xf32, #tpu.memory_space<hbm>>) dst(%arg7 : memref<8000xf32, #tpu.memory_space<vmem>>)
        tpu.yield
      }) : () -> ()
      %scan3A_138 = arith.constant 0 : i32
      %scan3A_139 = arith.constant 0 : i32
      %scan3A_140 = arith.constant 500 : i32
      %scan3A_141 = arith.addi %scan3A_139, %scan3A_140 : i32
      %scan3A_142 = arith.constant 1 : i32
      scf.for %scan3A_144 = %scan3A_139 to %scan3A_141 step %scan3A_142  : i32 {
        %mul3A_145 = arith.constant 16 : i32
        %mul3A_146 = arith.muli %scan3A_144, %mul3A_145 : i32
        %get3A = arith.index_cast %mul3A_146 : i32 to index
        %get3A_147 = tpu.vector_load %arg6[%get3A] {strides = array<i32>} : memref<8000xi32, #tpu.memory_space<vmem>>, vector<16xi32>,
        %mul3A_148 = arith.constant 16 : i32
        %mul3A_149 = arith.muli %scan3A_144, %mul3A_148 : i32
        %get3A_150 = arith.index_cast %mul3A_149 : i32 to index
        %get3A_151 = tpu.vector_load %arg7[%get3A_150] {strides = array<i32>} : memref<8000xf32, #tpu.memory_space<vmem>>, vector<16xf32>,
        %while3A = arith.constant 1 : i32
        %while3A_152 = scf.while (%while3A_153 = %while3A) : (i32) -> i32 {
          %gt3A = arith.constant 0 : i32
          %gt3A_154 = arith.cmpi sgt, %while3A_153, %gt3A : i32
          scf.condition(%gt3A_154) %while3A_153 : i32
        } do {
        ^bb0(%while3A_153: i32):
          %gather3A = tpu.vector_load_idx %arg5[%get3A_147] : memref<50176xf32, #tpu.memory_space<vmem>>[vector<16xi32>], vector<16xf32>,
          %gt3A = arith.cmpf ogt, %get3A_151, %gather3A : vector<16xf32>
          %max3A = arith.maximumf %gather3A, %get3A_151 : vector<16xf32>
          tpu.vector_store_idx %arg5[%get3A_147], %max3A masked %gt3A : memref<50176xf32, #tpu.memory_space<vmem>>[vector<16xi32>], vector<16xf32>, vector<16xi1>
          %gather3A_154 = tpu.vector_load_idx %arg5[%get3A_147] : memref<50176xf32, #tpu.memory_space<vmem>>[vector<16xi32>], vector<16xf32>,
          %gt3A_155 = arith.cmpf ogt, %get3A_151, %gather3A_154 : vector<16xf32>
          %convert_element_type3A = arith.extui %gt3A_155 : vector<16xi1> to vector<16xi32>
          %reduce_sum3A = arith.constant true
          %reduce_sum3A_156 = vector.broadcast %reduce_sum3A : i1 to vector<16xi1>
          %reduce_sum3A_157 = tpu.scan <sum>, %convert_element_type3A masked %reduce_sum3A_156 : vector<16xi32>, vector<16xi1> -> vector<16xi32>
          %reduce_sum3A_158 = vector.extract %reduce_sum3A_157[15] : i32 from vector<16xi32>
          scf.yield %reduce_sum3A_158 : i32
        }
      }
      %scan3A_143 = arith.constant 500 : i32
    }
    %scan3A_39 = arith.constant 25 : i32
    %mul3A_40 = arith.constant 50176 : i32
    %mul3A_41 = arith.muli %arg1, %mul3A_40 : i32
    "tpu.region"() ({
      %run_scoped3A = tpu.sem_alloc : memref<!tpu.dma_semaphore, #tpu.memory_space<semaphore_mem>>
      %dma_start3A = tpu.memref_slice %arg9[%mul3A_41] : memref<802816xf32, #tpu.memory_space<vmem_shared>> -> memref<50176xf32, #tpu.memory_space<vmem_shared>>
      %dma_start3A_131 = tpu.memref_slice %arg9[%mul3A_41] : memref<802816xf32, #tpu.memory_space<vmem_shared>> -> memref<50176xf32, #tpu.memory_space<vmem_shared>>
      tpu.enqueue_dma source(%arg5 : memref<50176xf32, #tpu.memory_space<vmem>>) target(%dma_start3A_131 : memref<50176xf32, #tpu.memory_space<vmem_shared>>) target_semaphore(%run_scoped3A : memref<!tpu.dma_semaphore, #tpu.memory_space<semaphore_mem>>)
      %dma_wait3A = tpu.memref_slice %arg9[%mul3A_41] : memref<802816xf32, #tpu.memory_space<vmem_shared>> -> memref<50176xf32, #tpu.memory_space<vmem_shared>>
      %dma_wait3A_132 = tpu.memref_slice %arg9[%mul3A_41] : memref<802816xf32, #tpu.memory_space<vmem_shared>> -> memref<50176xf32, #tpu.memory_space<vmem_shared>>
      tpu.wait_dma2 semaphore(%run_scoped3A : memref<!tpu.dma_semaphore, #tpu.memory_space<semaphore_mem>>) src(%arg5 : memref<50176xf32, #tpu.memory_space<vmem>>) dst(%dma_wait3A_132 : memref<50176xf32, #tpu.memory_space<vmem_shared>>)
      tpu.yield
    }) : () -> ()
    %barrier3A = arith.constant 0 : index
    tpu.barrier barrier_id(%barrier3A)
    %mul3A_42 = arith.constant 12544 : i32
    %mul3A_43 = arith.muli %select_n3A_28, %mul3A_42 : i32
    %add3A_44 = arith.constant 1 : i32
    %add3A_45 = arith.addi %select_n3A_28, %add3A_44 : i32
    %jit3A_46 = arith.constant 4 : i32
    %eq3A_47 = arith.constant 0 : i32
    %eq3A_48 = arith.cmpi eq, %jit3A_46, %eq3A_47 : i32
    %jit3A_49 = arith.constant 1 : i32
    %select_n3A_50 = arith.select %eq3A_48, %jit3A_49, %jit3A_46 : i32
    %rem3A_51 = arith.remsi %add3A_45, %select_n3A_50 : i32
    %ne3A_52 = arith.constant 0 : i32
    %ne3A_53 = arith.cmpi ne, %rem3A_51, %ne3A_52 : i32
    %lt3A_54 = arith.constant 0 : i32
    %lt3A_55 = arith.cmpi slt, %rem3A_51, %lt3A_54 : i32
    %lt3A_56 = arith.constant 0 : i32
    %lt3A_57 = arith.cmpi slt, %select_n3A_50, %lt3A_56 : i32
    %ne3A_58 = arith.xori %lt3A_55, %lt3A_57 : i1
    %and3A_59 = arith.andi %ne3A_58, %ne3A_53 : i1
    %add3A_60 = arith.addi %rem3A_51, %select_n3A_50 : i32
    %select_n3A_61 = arith.select %and3A_59, %add3A_60, %rem3A_51 : i32
    %mul3A_62 = arith.constant 4 : i32
    %mul3A_63 = arith.muli %mul3A_62, %select_n3A_61 : i32
    %add3A_64 = arith.addi %select_n3A_7, %mul3A_63 : i32
    %mul3A_65 = arith.constant 50176 : i32
    %mul3A_66 = arith.muli %add3A_64, %mul3A_65 : i32
    %add3A_67 = arith.addi %mul3A_66, %mul3A_43 : i32
    "tpu.region"() ({
      %run_scoped3A = tpu.sem_alloc : memref<!tpu.dma_semaphore, #tpu.memory_space<semaphore_mem>>
      %dma_start3A = tpu.memref_slice %arg9[%add3A_67] : memref<802816xf32, #tpu.memory_space<vmem_shared>> -> memref<12544xf32, #tpu.memory_space<vmem_shared>>
      %dma_start3A_131 = tpu.memref_slice %arg9[%add3A_67] : memref<802816xf32, #tpu.memory_space<vmem_shared>> -> memref<12544xf32, #tpu.memory_space<vmem_shared>>
      tpu.enqueue_dma source(%dma_start3A_131 : memref<12544xf32, #tpu.memory_space<vmem_shared>>) target(%arg8 : memref<12544xf32, #tpu.memory_space<vmem>>) target_semaphore(%run_scoped3A : memref<!tpu.dma_semaphore, #tpu.memory_space<semaphore_mem>>)
      %dma_wait3A = tpu.memref_slice %arg9[%add3A_67] : memref<802816xf32, #tpu.memory_space<vmem_shared>> -> memref<12544xf32, #tpu.memory_space<vmem_shared>>
      %dma_wait3A_132 = tpu.memref_slice %arg9[%add3A_67] : memref<802816xf32, #tpu.memory_space<vmem_shared>> -> memref<12544xf32, #tpu.memory_space<vmem_shared>>
      tpu.wait_dma2 semaphore(%run_scoped3A : memref<!tpu.dma_semaphore, #tpu.memory_space<semaphore_mem>>) src(%dma_wait3A_132 : memref<12544xf32, #tpu.memory_space<vmem_shared>>) dst(%arg8 : memref<12544xf32, #tpu.memory_space<vmem>>)
      tpu.yield
    }) : () -> ()
    %parallel_loop3A_68 = arith.constant 0 : i32
    %parallel_loop3A_69 = arith.constant 784 : i32
    %parallel_loop3A_70 = arith.constant 1 : i32
    scf.for %parallel_loop3A_131 = %parallel_loop3A_68 to %parallel_loop3A_69 step %parallel_loop3A_70  : i32 {
      %parallel_loop3A_132 = arith.constant 16 : i32
      %parallel_loop3A_133 = arith.muli %parallel_loop3A_131, %parallel_loop3A_132 : i32
      %parallel_loop3A_134 = arith.addi %mul3A_43, %parallel_loop3A_133 : i32
      %parallel_loop3A_135 = arith.index_cast %parallel_loop3A_134 : i32 to index
      %parallel_loop3A_136 = tpu.vector_load %arg5[%parallel_loop3A_135] {strides = array<i32>} : memref<50176xf32, #tpu.memory_space<vmem>>, vector<16xf32>,
      %parallel_loop3A_137 = arith.constant 16 : i32
      %parallel_loop3A_138 = arith.muli %parallel_loop3A_131, %parallel_loop3A_137 : i32
      %parallel_loop3A_139 = arith.index_cast %parallel_loop3A_138 : i32 to index
      %parallel_loop3A_140 = tpu.vector_load %arg8[%parallel_loop3A_139] {strides = array<i32>} : memref<12544xf32, #tpu.memory_space<vmem>>, vector<16xf32>,
      %parallel_loop3A_141 = arith.maximumf %parallel_loop3A_136, %parallel_loop3A_140 : vector<16xf32>
      %parallel_loop3A_142 = arith.index_cast %parallel_loop3A_134 : i32 to index
      %parallel_loop3A_143 = tpu.vector_load %arg5[%parallel_loop3A_142] {strides = array<i32>} : memref<50176xf32, #tpu.memory_space<vmem>>, vector<16xf32>,
      tpu.vector_store %arg5[%parallel_loop3A_142], %parallel_loop3A_141 {strides = array<i32>} : memref<50176xf32, #tpu.memory_space<vmem>>, vector<16xf32>,
    } {sc.loop_unroll_factor = 8 : i64, sc.parallel_access}
    %add3A_71 = arith.constant 2 : i32
    %add3A_72 = arith.addi %select_n3A_28, %add3A_71 : i32
    %jit3A_73 = arith.constant 4 : i32
    %eq3A_74 = arith.constant 0 : i32
    %eq3A_75 = arith.cmpi eq, %jit3A_73, %eq3A_74 : i32
    %jit3A_76 = arith.constant 1 : i32
    %select_n3A_77 = arith.select %eq3A_75, %jit3A_76, %jit3A_73 : i32
    %rem3A_78 = arith.remsi %add3A_72, %select_n3A_77 : i32
    %ne3A_79 = arith.constant 0 : i32
    %ne3A_80 = arith.cmpi ne, %rem3A_78, %ne3A_79 : i32
    %lt3A_81 = arith.constant 0 : i32
    %lt3A_82 = arith.cmpi slt, %rem3A_78, %lt3A_81 : i32
    %lt3A_83 = arith.constant 0 : i32
    %lt3A_84 = arith.cmpi slt, %select_n3A_77, %lt3A_83 : i32
    %ne3A_85 = arith.xori %lt3A_82, %lt3A_84 : i1
    %and3A_86 = arith.andi %ne3A_85, %ne3A_80 : i1
    %add3A_87 = arith.addi %rem3A_78, %select_n3A_77 : i32
    %select_n3A_88 = arith.select %and3A_86, %add3A_87, %rem3A_78 : i32
    %mul3A_89 = arith.constant 4 : i32
    %mul3A_90 = arith.muli %mul3A_89, %select_n3A_88 : i32
    %add3A_91 = arith.addi %select_n3A_7, %mul3A_90 : i32
    %mul3A_92 = arith.constant 50176 : i32
    %mul3A_93 = arith.muli %add3A_91, %mul3A_92 : i32
    %add3A_94 = arith.addi %mul3A_93, %mul3A_43 : i32
    "tpu.region"() ({
      %run_scoped3A = tpu.sem_alloc : memref<!tpu.dma_semaphore, #tpu.memory_space<semaphore_mem>>
      %dma_start3A = tpu.memref_slice %arg9[%add3A_94] : memref<802816xf32, #tpu.memory_space<vmem_shared>> -> memref<12544xf32, #tpu.memory_space<vmem_shared>>
      %dma_start3A_131 = tpu.memref_slice %arg9[%add3A_94] : memref<802816xf32, #tpu.memory_space<vmem_shared>> -> memref<12544xf32, #tpu.memory_space<vmem_shared>>
      tpu.enqueue_dma source(%dma_start3A_131 : memref<12544xf32, #tpu.memory_space<vmem_shared>>) target(%arg8 : memref<12544xf32, #tpu.memory_space<vmem>>) target_semaphore(%run_scoped3A : memref<!tpu.dma_semaphore, #tpu.memory_space<semaphore_mem>>)
      %dma_wait3A = tpu.memref_slice %arg9[%add3A_94] : memref<802816xf32, #tpu.memory_space<vmem_shared>> -> memref<12544xf32, #tpu.memory_space<vmem_shared>>
      %dma_wait3A_132 = tpu.memref_slice %arg9[%add3A_94] : memref<802816xf32, #tpu.memory_space<vmem_shared>> -> memref<12544xf32, #tpu.memory_space<vmem_shared>>
      tpu.wait_dma2 semaphore(%run_scoped3A : memref<!tpu.dma_semaphore, #tpu.memory_space<semaphore_mem>>) src(%dma_wait3A_132 : memref<12544xf32, #tpu.memory_space<vmem_shared>>) dst(%arg8 : memref<12544xf32, #tpu.memory_space<vmem>>)
      tpu.yield
    }) : () -> ()
    %parallel_loop3A_95 = arith.constant 0 : i32
    %parallel_loop3A_96 = arith.constant 784 : i32
    %parallel_loop3A_97 = arith.constant 1 : i32
    scf.for %parallel_loop3A_131 = %parallel_loop3A_95 to %parallel_loop3A_96 step %parallel_loop3A_97  : i32 {
      %parallel_loop3A_132 = arith.constant 16 : i32
      %parallel_loop3A_133 = arith.muli %parallel_loop3A_131, %parallel_loop3A_132 : i32
      %parallel_loop3A_134 = arith.addi %mul3A_43, %parallel_loop3A_133 : i32
      %parallel_loop3A_135 = arith.index_cast %parallel_loop3A_134 : i32 to index
      %parallel_loop3A_136 = tpu.vector_load %arg5[%parallel_loop3A_135] {strides = array<i32>} : memref<50176xf32, #tpu.memory_space<vmem>>, vector<16xf32>,
      %parallel_loop3A_137 = arith.constant 16 : i32
      %parallel_loop3A_138 = arith.muli %parallel_loop3A_131, %parallel_loop3A_137 : i32
      %parallel_loop3A_139 = arith.index_cast %parallel_loop3A_138 : i32 to index
      %parallel_loop3A_140 = tpu.vector_load %arg8[%parallel_loop3A_139] {strides = array<i32>} : memref<12544xf32, #tpu.memory_space<vmem>>, vector<16xf32>,
      %parallel_loop3A_141 = arith.maximumf %parallel_loop3A_136, %parallel_loop3A_140 : vector<16xf32>
      %parallel_loop3A_142 = arith.index_cast %parallel_loop3A_134 : i32 to index
      %parallel_loop3A_143 = tpu.vector_load %arg5[%parallel_loop3A_142] {strides = array<i32>} : memref<50176xf32, #tpu.memory_space<vmem>>, vector<16xf32>,
      tpu.vector_store %arg5[%parallel_loop3A_142], %parallel_loop3A_141 {strides = array<i32>} : memref<50176xf32, #tpu.memory_space<vmem>>, vector<16xf32>,
    } {sc.loop_unroll_factor = 8 : i64, sc.parallel_access}
    %add3A_98 = arith.constant 3 : i32
    %add3A_99 = arith.addi %select_n3A_28, %add3A_98 : i32
    %jit3A_100 = arith.constant 4 : i32
    %eq3A_101 = arith.constant 0 : i32
    %eq3A_102 = arith.cmpi eq, %jit3A_100, %eq3A_101 : i32
    %jit3A_103 = arith.constant 1 : i32
    %select_n3A_104 = arith.select %eq3A_102, %jit3A_103, %jit3A_100 : i32
    %rem3A_105 = arith.remsi %add3A_99, %select_n3A_104 : i32
    %ne3A_106 = arith.constant 0 : i32
    %ne3A_107 = arith.cmpi ne, %rem3A_105, %ne3A_106 : i32
    %lt3A_108 = arith.constant 0 : i32
    %lt3A_109 = arith.cmpi slt, %rem3A_105, %lt3A_108 : i32
    %lt3A_110 = arith.constant 0 : i32
    %lt3A_111 = arith.cmpi slt, %select_n3A_104, %lt3A_110 : i32
    %ne3A_112 = arith.xori %lt3A_109, %lt3A_111 : i1
    %and3A_113 = arith.andi %ne3A_112, %ne3A_107 : i1
    %add3A_114 = arith.addi %rem3A_105, %select_n3A_104 : i32
    %select_n3A_115 = arith.select %and3A_113, %add3A_114, %rem3A_105 : i32
    %mul3A_116 = arith.constant 4 : i32
    %mul3A_117 = arith.muli %mul3A_116, %select_n3A_115 : i32
    %add3A_118 = arith.addi %select_n3A_7, %mul3A_117 : i32
    %mul3A_119 = arith.constant 50176 : i32
    %mul3A_120 = arith.muli %add3A_118, %mul3A_119 : i32
    %add3A_121 = arith.addi %mul3A_120, %mul3A_43 : i32
    "tpu.region"() ({
      %run_scoped3A = tpu.sem_alloc : memref<!tpu.dma_semaphore, #tpu.memory_space<semaphore_mem>>
      %dma_start3A = tpu.memref_slice %arg9[%add3A_121] : memref<802816xf32, #tpu.memory_space<vmem_shared>> -> memref<12544xf32, #tpu.memory_space<vmem_shared>>
      %dma_start3A_131 = tpu.memref_slice %arg9[%add3A_121] : memref<802816xf32, #tpu.memory_space<vmem_shared>> -> memref<12544xf32, #tpu.memory_space<vmem_shared>>
      tpu.enqueue_dma source(%dma_start3A_131 : memref<12544xf32, #tpu.memory_space<vmem_shared>>) target(%arg8 : memref<12544xf32, #tpu.memory_space<vmem>>) target_semaphore(%run_scoped3A : memref<!tpu.dma_semaphore, #tpu.memory_space<semaphore_mem>>)
      %dma_wait3A = tpu.memref_slice %arg9[%add3A_121] : memref<802816xf32, #tpu.memory_space<vmem_shared>> -> memref<12544xf32, #tpu.memory_space<vmem_shared>>
      %dma_wait3A_132 = tpu.memref_slice %arg9[%add3A_121] : memref<802816xf32, #tpu.memory_space<vmem_shared>> -> memref<12544xf32, #tpu.memory_space<vmem_shared>>
      tpu.wait_dma2 semaphore(%run_scoped3A : memref<!tpu.dma_semaphore, #tpu.memory_space<semaphore_mem>>) src(%dma_wait3A_132 : memref<12544xf32, #tpu.memory_space<vmem_shared>>) dst(%arg8 : memref<12544xf32, #tpu.memory_space<vmem>>)
      tpu.yield
    }) : () -> ()
    %parallel_loop3A_122 = arith.constant 0 : i32
    %parallel_loop3A_123 = arith.constant 784 : i32
    %parallel_loop3A_124 = arith.constant 1 : i32
    scf.for %parallel_loop3A_131 = %parallel_loop3A_122 to %parallel_loop3A_123 step %parallel_loop3A_124  : i32 {
      %parallel_loop3A_132 = arith.constant 16 : i32
      %parallel_loop3A_133 = arith.muli %parallel_loop3A_131, %parallel_loop3A_132 : i32
      %parallel_loop3A_134 = arith.addi %mul3A_43, %parallel_loop3A_133 : i32
      %parallel_loop3A_135 = arith.index_cast %parallel_loop3A_134 : i32 to index
      %parallel_loop3A_136 = tpu.vector_load %arg5[%parallel_loop3A_135] {strides = array<i32>} : memref<50176xf32, #tpu.memory_space<vmem>>, vector<16xf32>,
      %parallel_loop3A_137 = arith.constant 16 : i32
      %parallel_loop3A_138 = arith.muli %parallel_loop3A_131, %parallel_loop3A_137 : i32
      %parallel_loop3A_139 = arith.index_cast %parallel_loop3A_138 : i32 to index
      %parallel_loop3A_140 = tpu.vector_load %arg8[%parallel_loop3A_139] {strides = array<i32>} : memref<12544xf32, #tpu.memory_space<vmem>>, vector<16xf32>,
      %parallel_loop3A_141 = arith.maximumf %parallel_loop3A_136, %parallel_loop3A_140 : vector<16xf32>
      %parallel_loop3A_142 = arith.index_cast %parallel_loop3A_134 : i32 to index
      %parallel_loop3A_143 = tpu.vector_load %arg5[%parallel_loop3A_142] {strides = array<i32>} : memref<50176xf32, #tpu.memory_space<vmem>>, vector<16xf32>,
      tpu.vector_store %arg5[%parallel_loop3A_142], %parallel_loop3A_141 {strides = array<i32>} : memref<50176xf32, #tpu.memory_space<vmem>>, vector<16xf32>,
    } {sc.loop_unroll_factor = 8 : i64, sc.parallel_access}
    %mul3A_125 = arith.constant 4 : i32
    %mul3A_126 = arith.muli %arg0, %mul3A_125 : i32
    %add3A_127 = arith.addi %mul3A_126, %select_n3A_7 : i32
    %mul3A_128 = arith.constant 50176 : i32
    %mul3A_129 = arith.muli %add3A_127, %mul3A_128 : i32
    %add3A_130 = arith.addi %mul3A_129, %mul3A_43 : i32
    "tpu.region"() ({
      %run_scoped3A = tpu.sem_alloc : memref<!tpu.dma_semaphore, #tpu.memory_space<semaphore_mem>>
      %dma_start3A = tpu.memref_slice %arg5[%mul3A_43] : memref<50176xf32, #tpu.memory_space<vmem>> -> memref<12544xf32, #tpu.memory_space<vmem>>
      %dma_start3A_131 = tpu.memref_slice %arg4[%add3A_130] : memref<401408xf32, #tpu.memory_space<hbm>> -> memref<12544xf32, #tpu.memory_space<hbm>>
      %dma_start3A_132 = tpu.memref_slice %arg4[%add3A_130] : memref<401408xf32, #tpu.memory_space<hbm>> -> memref<12544xf32, #tpu.memory_space<hbm>>
      %dma_start3A_133 = tpu.memref_slice %arg5[%mul3A_43] : memref<50176xf32, #tpu.memory_space<vmem>> -> memref<12544xf32, #tpu.memory_space<vmem>>
      tpu.enqueue_dma source(%dma_start3A_133 : memref<12544xf32, #tpu.memory_space<vmem>>) target(%dma_start3A_132 : memref<12544xf32, #tpu.memory_space<hbm>>) target_semaphore(%run_scoped3A : memref<!tpu.dma_semaphore, #tpu.memory_space<semaphore_mem>>)
      %dma_wait3A = tpu.memref_slice %arg5[%mul3A_43] : memref<50176xf32, #tpu.memory_space<vmem>> -> memref<12544xf32, #tpu.memory_space<vmem>>
      %dma_wait3A_134 = tpu.memref_slice %arg4[%add3A_130] : memref<401408xf32, #tpu.memory_space<hbm>> -> memref<12544xf32, #tpu.memory_space<hbm>>
      %dma_wait3A_135 = tpu.memref_slice %arg4[%add3A_130] : memref<401408xf32, #tpu.memory_space<hbm>> -> memref<12544xf32, #tpu.memory_space<hbm>>
      %dma_wait3A_136 = tpu.memref_slice %arg5[%mul3A_43] : memref<50176xf32, #tpu.memory_space<vmem>> -> memref<12544xf32, #tpu.memory_space<vmem>>
      tpu.wait_dma2 semaphore(%run_scoped3A : memref<!tpu.dma_semaphore, #tpu.memory_space<semaphore_mem>>) src(%dma_wait3A_136 : memref<12544xf32, #tpu.memory_space<vmem>>) dst(%dma_wait3A_135 : memref<12544xf32, #tpu.memory_space<hbm>>)
      tpu.yield
    }) : () -> ()
    return
  }
}

#map = affine_map<(d0, d1) -> (0)>
module attributes {stable_mosaic.version = 14 : i64} {
  func.func @_phase_c_body(%arg0: i32, %arg1: i32, %arg2: memref<6400000xf32, #tpu.memory_space<hbm>>, %arg3: memref<1600000xi32, #tpu.memory_space<hbm>>, %arg4: memref<401408xf32, #tpu.memory_space<hbm>>, %arg5: memref<6400000xf32, #tpu.memory_space<hbm>>, %arg6: memref<6400000xf32, #tpu.memory_space<hbm>>, %arg7: memref<50176xf32, #tpu.memory_space<vmem>>, %arg8: memref<6272xf32, #tpu.memory_space<vmem>>, %arg9: memref<8000xi32, #tpu.memory_space<vmem>>, %arg10: memref<8000xf32, #tpu.memory_space<vmem>>, %arg11: memref<8000xf32, #tpu.memory_space<vmem>>, %arg12: memref<8000xf32, #tpu.memory_space<vmem>>) attributes {dimension_semantics = [#tpu.dimension_semantics<core_parallel>, #tpu.dimension_semantics<subcore_parallel>], iteration_bounds = array<i64: 2, 16>, scalar_prefetch = 0 : i64, scratch_operands = 6 : i64, tpu.core_type = #tpu.core_type<sc_vector_subcore>, window_params = [{transform_indices = #map}, {transform_indices = #map}, {transform_indices = #map}, {transform_indices = #map}, {transform_indices = #map}]} {
    %jit3A = arith.constant 4 : i32
    %eq3A = arith.constant 0 : i32
    %eq3A_0 = arith.cmpi eq, %jit3A, %eq3A : i32
    %jit3A_1 = arith.constant 1 : i32
    %select_n3A = arith.select %eq3A_0, %jit3A_1, %jit3A : i32
    %rem3A = arith.remsi %arg1, %select_n3A : i32
    %ne3A = arith.constant 0 : i32
    %ne3A_2 = arith.cmpi ne, %rem3A, %ne3A : i32
    %lt3A = arith.constant 0 : i32
    %lt3A_3 = arith.cmpi slt, %rem3A, %lt3A : i32
    %lt3A_4 = arith.constant 0 : i32
    %lt3A_5 = arith.cmpi slt, %select_n3A, %lt3A_4 : i32
    %ne3A_6 = arith.xori %lt3A_3, %lt3A_5 : i1
    %and3A = arith.andi %ne3A_6, %ne3A_2 : i1
    %add3A = arith.addi %rem3A, %select_n3A : i32
    %select_n3A_7 = arith.select %and3A, %add3A, %rem3A : i32
    %jit3A_8 = arith.constant 4 : i32
    %div3A = arith.divsi %arg1, %jit3A_8 : i32
    %sign3A = arith.constant 0 : i32
    %sign3A_9 = arith.cmpi sgt, %arg1, %sign3A : i32
    %sign3A_10 = arith.extui %sign3A_9 : i1 to i32
    %sign3A_11 = arith.constant 0 : i32
    %sign3A_12 = arith.cmpi slt, %arg1, %sign3A_11 : i32
    %sign3A_13 = arith.extui %sign3A_12 : i1 to i32
    %sign3A_14 = arith.subi %sign3A_10, %sign3A_13 : i32
    %sign3A_15 = arith.constant 0 : i32
    %sign3A_16 = arith.cmpi sgt, %jit3A_8, %sign3A_15 : i32
    %sign3A_17 = arith.extui %sign3A_16 : i1 to i32
    %sign3A_18 = arith.constant 0 : i32
    %sign3A_19 = arith.cmpi slt, %jit3A_8, %sign3A_18 : i32
    %sign3A_20 = arith.extui %sign3A_19 : i1 to i32
    %sign3A_21 = arith.subi %sign3A_17, %sign3A_20 : i32
    %ne3A_22 = arith.cmpi ne, %sign3A_14, %sign3A_21 : i32
    %rem3A_23 = arith.remsi %arg1, %jit3A_8 : i32
    %ne3A_24 = arith.constant 0 : i32
    %ne3A_25 = arith.cmpi ne, %rem3A_23, %ne3A_24 : i32
    %and3A_26 = arith.andi %ne3A_22, %ne3A_25 : i1
    %sub3A = arith.constant 1 : i32
    %sub3A_27 = arith.subi %div3A, %sub3A : i32
    %select_n3A_28 = arith.select %and3A_26, %sub3A_27, %div3A : i32
    %mul3A = arith.constant 800000 : i32
    %mul3A_29 = arith.muli %arg0, %mul3A : i32
    %mul3A_30 = arith.constant 200000 : i32
    %mul3A_31 = arith.muli %select_n3A_28, %mul3A_30 : i32
    %add3A_32 = arith.addi %mul3A_29, %mul3A_31 : i32
    %mul3A_33 = arith.constant 50176 : i32
    %mul3A_34 = arith.muli %select_n3A_7, %mul3A_33 : i32
    "tpu.region"() ({
      %run_scoped3A = tpu.sem_alloc : memref<!tpu.dma_semaphore, #tpu.memory_space<semaphore_mem>>
      %dma_start3A = tpu.memref_slice %arg4[%mul3A_34] : memref<401408xf32, #tpu.memory_space<hbm>> -> memref<50176xf32, #tpu.memory_space<hbm>>
      %dma_start3A_111 = tpu.memref_slice %arg4[%mul3A_34] : memref<401408xf32, #tpu.memory_space<hbm>> -> memref<50176xf32, #tpu.memory_space<hbm>>
      tpu.enqueue_dma source(%dma_start3A_111 : memref<50176xf32, #tpu.memory_space<hbm>>) target(%arg7 : memref<50176xf32, #tpu.memory_space<vmem>>) target_semaphore(%run_scoped3A : memref<!tpu.dma_semaphore, #tpu.memory_space<semaphore_mem>>)
      %dma_wait3A = tpu.memref_slice %arg4[%mul3A_34] : memref<401408xf32, #tpu.memory_space<hbm>> -> memref<50176xf32, #tpu.memory_space<hbm>>
      %dma_wait3A_112 = tpu.memref_slice %arg4[%mul3A_34] : memref<401408xf32, #tpu.memory_space<hbm>> -> memref<50176xf32, #tpu.memory_space<hbm>>
      tpu.wait_dma2 semaphore(%run_scoped3A : memref<!tpu.dma_semaphore, #tpu.memory_space<semaphore_mem>>) src(%dma_wait3A_112 : memref<50176xf32, #tpu.memory_space<hbm>>) dst(%arg7 : memref<50176xf32, #tpu.memory_space<vmem>>)
      tpu.yield
    }) : () -> ()
    %add3A_35 = arith.constant 4 : i32
    %add3A_36 = arith.addi %add3A_35, %select_n3A_7 : i32
    %mul3A_37 = arith.constant 50176 : i32
    %mul3A_38 = arith.muli %add3A_36, %mul3A_37 : i32
    %add3A_39 = arith.constant 0 : i32
    %add3A_40 = arith.addi %mul3A_38, %add3A_39 : i32
    "tpu.region"() ({
      %run_scoped3A = tpu.sem_alloc : memref<!tpu.dma_semaphore, #tpu.memory_space<semaphore_mem>>
      %dma_start3A = tpu.memref_slice %arg4[%add3A_40] : memref<401408xf32, #tpu.memory_space<hbm>> -> memref<6272xf32, #tpu.memory_space<hbm>>
      %dma_start3A_111 = tpu.memref_slice %arg4[%add3A_40] : memref<401408xf32, #tpu.memory_space<hbm>> -> memref<6272xf32, #tpu.memory_space<hbm>>
      tpu.enqueue_dma source(%dma_start3A_111 : memref<6272xf32, #tpu.memory_space<hbm>>) target(%arg8 : memref<6272xf32, #tpu.memory_space<vmem>>) target_semaphore(%run_scoped3A : memref<!tpu.dma_semaphore, #tpu.memory_space<semaphore_mem>>)
      %dma_wait3A = tpu.memref_slice %arg4[%add3A_40] : memref<401408xf32, #tpu.memory_space<hbm>> -> memref<6272xf32, #tpu.memory_space<hbm>>
      %dma_wait3A_112 = tpu.memref_slice %arg4[%add3A_40] : memref<401408xf32, #tpu.memory_space<hbm>> -> memref<6272xf32, #tpu.memory_space<hbm>>
      tpu.wait_dma2 semaphore(%run_scoped3A : memref<!tpu.dma_semaphore, #tpu.memory_space<semaphore_mem>>) src(%dma_wait3A_112 : memref<6272xf32, #tpu.memory_space<hbm>>) dst(%arg8 : memref<6272xf32, #tpu.memory_space<vmem>>)
      tpu.yield
    }) : () -> ()
    %parallel_loop3A = arith.constant 0 : i32
    %parallel_loop3A_41 = arith.constant 392 : i32
    %parallel_loop3A_42 = arith.constant 1 : i32
    scf.for %parallel_loop3A_111 = %parallel_loop3A to %parallel_loop3A_41 step %parallel_loop3A_42  : i32 {
      %parallel_loop3A_112 = arith.constant 16 : i32
      %parallel_loop3A_113 = arith.muli %parallel_loop3A_111, %parallel_loop3A_112 : i32
      %parallel_loop3A_114 = arith.constant 0 : i32
      %parallel_loop3A_115 = arith.addi %parallel_loop3A_114, %parallel_loop3A_113 : i32
      %parallel_loop3A_116 = arith.index_cast %parallel_loop3A_115 : i32 to index
      %parallel_loop3A_117 = tpu.vector_load %arg7[%parallel_loop3A_116] {strides = array<i32>} : memref<50176xf32, #tpu.memory_space<vmem>>, vector<16xf32>,
      %parallel_loop3A_118 = arith.constant 16 : i32
      %parallel_loop3A_119 = arith.muli %parallel_loop3A_111, %parallel_loop3A_118 : i32
      %parallel_loop3A_120 = arith.index_cast %parallel_loop3A_119 : i32 to index
      %parallel_loop3A_121 = tpu.vector_load %arg8[%parallel_loop3A_120] {strides = array<i32>} : memref<6272xf32, #tpu.memory_space<vmem>>, vector<16xf32>,
      %parallel_loop3A_122 = arith.maximumf %parallel_loop3A_117, %parallel_loop3A_121 : vector<16xf32>
      %parallel_loop3A_123 = arith.index_cast %parallel_loop3A_115 : i32 to index
      %parallel_loop3A_124 = tpu.vector_load %arg7[%parallel_loop3A_123] {strides = array<i32>} : memref<50176xf32, #tpu.memory_space<vmem>>, vector<16xf32>,
      tpu.vector_store %arg7[%parallel_loop3A_123], %parallel_loop3A_122 {strides = array<i32>} : memref<50176xf32, #tpu.memory_space<vmem>>, vector<16xf32>,
    } {sc.loop_unroll_factor = 8 : i64, sc.parallel_access}
    %add3A_43 = arith.constant 4 : i32
    %add3A_44 = arith.addi %add3A_43, %select_n3A_7 : i32
    %mul3A_45 = arith.constant 50176 : i32
    %mul3A_46 = arith.muli %add3A_44, %mul3A_45 : i32
    %add3A_47 = arith.constant 6272 : i32
    %add3A_48 = arith.addi %mul3A_46, %add3A_47 : i32
    "tpu.region"() ({
      %run_scoped3A = tpu.sem_alloc : memref<!tpu.dma_semaphore, #tpu.memory_space<semaphore_mem>>
      %dma_start3A = tpu.memref_slice %arg4[%add3A_48] : memref<401408xf32, #tpu.memory_space<hbm>> -> memref<6272xf32, #tpu.memory_space<hbm>>
      %dma_start3A_111 = tpu.memref_slice %arg4[%add3A_48] : memref<401408xf32, #tpu.memory_space<hbm>> -> memref<6272xf32, #tpu.memory_space<hbm>>
      tpu.enqueue_dma source(%dma_start3A_111 : memref<6272xf32, #tpu.memory_space<hbm>>) target(%arg8 : memref<6272xf32, #tpu.memory_space<vmem>>) target_semaphore(%run_scoped3A : memref<!tpu.dma_semaphore, #tpu.memory_space<semaphore_mem>>)
      %dma_wait3A = tpu.memref_slice %arg4[%add3A_48] : memref<401408xf32, #tpu.memory_space<hbm>> -> memref<6272xf32, #tpu.memory_space<hbm>>
      %dma_wait3A_112 = tpu.memref_slice %arg4[%add3A_48] : memref<401408xf32, #tpu.memory_space<hbm>> -> memref<6272xf32, #tpu.memory_space<hbm>>
      tpu.wait_dma2 semaphore(%run_scoped3A : memref<!tpu.dma_semaphore, #tpu.memory_space<semaphore_mem>>) src(%dma_wait3A_112 : memref<6272xf32, #tpu.memory_space<hbm>>) dst(%arg8 : memref<6272xf32, #tpu.memory_space<vmem>>)
      tpu.yield
    }) : () -> ()
    %parallel_loop3A_49 = arith.constant 0 : i32
    %parallel_loop3A_50 = arith.constant 392 : i32
    %parallel_loop3A_51 = arith.constant 1 : i32
    scf.for %parallel_loop3A_111 = %parallel_loop3A_49 to %parallel_loop3A_50 step %parallel_loop3A_51  : i32 {
      %parallel_loop3A_112 = arith.constant 16 : i32
      %parallel_loop3A_113 = arith.muli %parallel_loop3A_111, %parallel_loop3A_112 : i32
      %parallel_loop3A_114 = arith.constant 6272 : i32
      %parallel_loop3A_115 = arith.addi %parallel_loop3A_114, %parallel_loop3A_113 : i32
      %parallel_loop3A_116 = arith.index_cast %parallel_loop3A_115 : i32 to index
      %parallel_loop3A_117 = tpu.vector_load %arg7[%parallel_loop3A_116] {strides = array<i32>} : memref<50176xf32, #tpu.memory_space<vmem>>, vector<16xf32>,
      %parallel_loop3A_118 = arith.constant 16 : i32
      %parallel_loop3A_119 = arith.muli %parallel_loop3A_111, %parallel_loop3A_118 : i32
      %parallel_loop3A_120 = arith.index_cast %parallel_loop3A_119 : i32 to index
      %parallel_loop3A_121 = tpu.vector_load %arg8[%parallel_loop3A_120] {strides = array<i32>} : memref<6272xf32, #tpu.memory_space<vmem>>, vector<16xf32>,
      %parallel_loop3A_122 = arith.maximumf %parallel_loop3A_117, %parallel_loop3A_121 : vector<16xf32>
      %parallel_loop3A_123 = arith.index_cast %parallel_loop3A_115 : i32 to index
      %parallel_loop3A_124 = tpu.vector_load %arg7[%parallel_loop3A_123] {strides = array<i32>} : memref<50176xf32, #tpu.memory_space<vmem>>, vector<16xf32>,
      tpu.vector_store %arg7[%parallel_loop3A_123], %parallel_loop3A_122 {strides = array<i32>} : memref<50176xf32, #tpu.memory_space<vmem>>, vector<16xf32>,
    } {sc.loop_unroll_factor = 8 : i64, sc.parallel_access}
    %add3A_52 = arith.constant 4 : i32
    %add3A_53 = arith.addi %add3A_52, %select_n3A_7 : i32
    %mul3A_54 = arith.constant 50176 : i32
    %mul3A_55 = arith.muli %add3A_53, %mul3A_54 : i32
    %add3A_56 = arith.constant 12544 : i32
    %add3A_57 = arith.addi %mul3A_55, %add3A_56 : i32
    "tpu.region"() ({
      %run_scoped3A = tpu.sem_alloc : memref<!tpu.dma_semaphore, #tpu.memory_space<semaphore_mem>>
      %dma_start3A = tpu.memref_slice %arg4[%add3A_57] : memref<401408xf32, #tpu.memory_space<hbm>> -> memref<6272xf32, #tpu.memory_space<hbm>>
      %dma_start3A_111 = tpu.memref_slice %arg4[%add3A_57] : memref<401408xf32, #tpu.memory_space<hbm>> -> memref<6272xf32, #tpu.memory_space<hbm>>
      tpu.enqueue_dma source(%dma_start3A_111 : memref<6272xf32, #tpu.memory_space<hbm>>) target(%arg8 : memref<6272xf32, #tpu.memory_space<vmem>>) target_semaphore(%run_scoped3A : memref<!tpu.dma_semaphore, #tpu.memory_space<semaphore_mem>>)
      %dma_wait3A = tpu.memref_slice %arg4[%add3A_57] : memref<401408xf32, #tpu.memory_space<hbm>> -> memref<6272xf32, #tpu.memory_space<hbm>>
      %dma_wait3A_112 = tpu.memref_slice %arg4[%add3A_57] : memref<401408xf32, #tpu.memory_space<hbm>> -> memref<6272xf32, #tpu.memory_space<hbm>>
      tpu.wait_dma2 semaphore(%run_scoped3A : memref<!tpu.dma_semaphore, #tpu.memory_space<semaphore_mem>>) src(%dma_wait3A_112 : memref<6272xf32, #tpu.memory_space<hbm>>) dst(%arg8 : memref<6272xf32, #tpu.memory_space<vmem>>)
      tpu.yield
    }) : () -> ()
    %parallel_loop3A_58 = arith.constant 0 : i32
    %parallel_loop3A_59 = arith.constant 392 : i32
    %parallel_loop3A_60 = arith.constant 1 : i32
    scf.for %parallel_loop3A_111 = %parallel_loop3A_58 to %parallel_loop3A_59 step %parallel_loop3A_60  : i32 {
      %parallel_loop3A_112 = arith.constant 16 : i32
      %parallel_loop3A_113 = arith.muli %parallel_loop3A_111, %parallel_loop3A_112 : i32
      %parallel_loop3A_114 = arith.constant 12544 : i32
      %parallel_loop3A_115 = arith.addi %parallel_loop3A_114, %parallel_loop3A_113 : i32
      %parallel_loop3A_116 = arith.index_cast %parallel_loop3A_115 : i32 to index
      %parallel_loop3A_117 = tpu.vector_load %arg7[%parallel_loop3A_116] {strides = array<i32>} : memref<50176xf32, #tpu.memory_space<vmem>>, vector<16xf32>,
      %parallel_loop3A_118 = arith.constant 16 : i32
      %parallel_loop3A_119 = arith.muli %parallel_loop3A_111, %parallel_loop3A_118 : i32
      %parallel_loop3A_120 = arith.index_cast %parallel_loop3A_119 : i32 to index
      %parallel_loop3A_121 = tpu.vector_load %arg8[%parallel_loop3A_120] {strides = array<i32>} : memref<6272xf32, #tpu.memory_space<vmem>>, vector<16xf32>,
      %parallel_loop3A_122 = arith.maximumf %parallel_loop3A_117, %parallel_loop3A_121 : vector<16xf32>
      %parallel_loop3A_123 = arith.index_cast %parallel_loop3A_115 : i32 to index
      %parallel_loop3A_124 = tpu.vector_load %arg7[%parallel_loop3A_123] {strides = array<i32>} : memref<50176xf32, #tpu.memory_space<vmem>>, vector<16xf32>,
      tpu.vector_store %arg7[%parallel_loop3A_123], %parallel_loop3A_122 {strides = array<i32>} : memref<50176xf32, #tpu.memory_space<vmem>>, vector<16xf32>,
    } {sc.loop_unroll_factor = 8 : i64, sc.parallel_access}
    %add3A_61 = arith.constant 4 : i32
    %add3A_62 = arith.addi %add3A_61, %select_n3A_7 : i32
    %mul3A_63 = arith.constant 50176 : i32
    %mul3A_64 = arith.muli %add3A_62, %mul3A_63 : i32
    %add3A_65 = arith.constant 18816 : i32
    %add3A_66 = arith.addi %mul3A_64, %add3A_65 : i32
    "tpu.region"() ({
      %run_scoped3A = tpu.sem_alloc : memref<!tpu.dma_semaphore, #tpu.memory_space<semaphore_mem>>
      %dma_start3A = tpu.memref_slice %arg4[%add3A_66] : memref<401408xf32, #tpu.memory_space<hbm>> -> memref<6272xf32, #tpu.memory_space<hbm>>
      %dma_start3A_111 = tpu.memref_slice %arg4[%add3A_66] : memref<401408xf32, #tpu.memory_space<hbm>> -> memref<6272xf32, #tpu.memory_space<hbm>>
      tpu.enqueue_dma source(%dma_start3A_111 : memref<6272xf32, #tpu.memory_space<hbm>>) target(%arg8 : memref<6272xf32, #tpu.memory_space<vmem>>) target_semaphore(%run_scoped3A : memref<!tpu.dma_semaphore, #tpu.memory_space<semaphore_mem>>)
      %dma_wait3A = tpu.memref_slice %arg4[%add3A_66] : memref<401408xf32, #tpu.memory_space<hbm>> -> memref<6272xf32, #tpu.memory_space<hbm>>
      %dma_wait3A_112 = tpu.memref_slice %arg4[%add3A_66] : memref<401408xf32, #tpu.memory_space<hbm>> -> memref<6272xf32, #tpu.memory_space<hbm>>
      tpu.wait_dma2 semaphore(%run_scoped3A : memref<!tpu.dma_semaphore, #tpu.memory_space<semaphore_mem>>) src(%dma_wait3A_112 : memref<6272xf32, #tpu.memory_space<hbm>>) dst(%arg8 : memref<6272xf32, #tpu.memory_space<vmem>>)
      tpu.yield
    }) : () -> ()
    %parallel_loop3A_67 = arith.constant 0 : i32
    %parallel_loop3A_68 = arith.constant 392 : i32
    %parallel_loop3A_69 = arith.constant 1 : i32
    scf.for %parallel_loop3A_111 = %parallel_loop3A_67 to %parallel_loop3A_68 step %parallel_loop3A_69  : i32 {
      %parallel_loop3A_112 = arith.constant 16 : i32
      %parallel_loop3A_113 = arith.muli %parallel_loop3A_111, %parallel_loop3A_112 : i32
      %parallel_loop3A_114 = arith.constant 18816 : i32
      %parallel_loop3A_115 = arith.addi %parallel_loop3A_114, %parallel_loop3A_113 : i32
      %parallel_loop3A_116 = arith.index_cast %parallel_loop3A_115 : i32 to index
      %parallel_loop3A_117 = tpu.vector_load %arg7[%parallel_loop3A_116] {strides = array<i32>} : memref<50176xf32, #tpu.memory_space<vmem>>, vector<16xf32>,
      %parallel_loop3A_118 = arith.constant 16 : i32
      %parallel_loop3A_119 = arith.muli %parallel_loop3A_111, %parallel_loop3A_118 : i32
      %parallel_loop3A_120 = arith.index_cast %parallel_loop3A_119 : i32 to index
      %parallel_loop3A_121 = tpu.vector_load %arg8[%parallel_loop3A_120] {strides = array<i32>} : memref<6272xf32, #tpu.memory_space<vmem>>, vector<16xf32>,
      %parallel_loop3A_122 = arith.maximumf %parallel_loop3A_117, %parallel_loop3A_121 : vector<16xf32>
      %parallel_loop3A_123 = arith.index_cast %parallel_loop3A_115 : i32 to index
      %parallel_loop3A_124 = tpu.vector_load %arg7[%parallel_loop3A_123] {strides = array<i32>} : memref<50176xf32, #tpu.memory_space<vmem>>, vector<16xf32>,
      tpu.vector_store %arg7[%parallel_loop3A_123], %parallel_loop3A_122 {strides = array<i32>} : memref<50176xf32, #tpu.memory_space<vmem>>, vector<16xf32>,
    } {sc.loop_unroll_factor = 8 : i64, sc.parallel_access}
    %add3A_70 = arith.constant 4 : i32
    %add3A_71 = arith.addi %add3A_70, %select_n3A_7 : i32
    %mul3A_72 = arith.constant 50176 : i32
    %mul3A_73 = arith.muli %add3A_71, %mul3A_72 : i32
    %add3A_74 = arith.constant 25088 : i32
    %add3A_75 = arith.addi %mul3A_73, %add3A_74 : i32
    "tpu.region"() ({
      %run_scoped3A = tpu.sem_alloc : memref<!tpu.dma_semaphore, #tpu.memory_space<semaphore_mem>>
      %dma_start3A = tpu.memref_slice %arg4[%add3A_75] : memref<401408xf32, #tpu.memory_space<hbm>> -> memref<6272xf32, #tpu.memory_space<hbm>>
      %dma_start3A_111 = tpu.memref_slice %arg4[%add3A_75] : memref<401408xf32, #tpu.memory_space<hbm>> -> memref<6272xf32, #tpu.memory_space<hbm>>
      tpu.enqueue_dma source(%dma_start3A_111 : memref<6272xf32, #tpu.memory_space<hbm>>) target(%arg8 : memref<6272xf32, #tpu.memory_space<vmem>>) target_semaphore(%run_scoped3A : memref<!tpu.dma_semaphore, #tpu.memory_space<semaphore_mem>>)
      %dma_wait3A = tpu.memref_slice %arg4[%add3A_75] : memref<401408xf32, #tpu.memory_space<hbm>> -> memref<6272xf32, #tpu.memory_space<hbm>>
      %dma_wait3A_112 = tpu.memref_slice %arg4[%add3A_75] : memref<401408xf32, #tpu.memory_space<hbm>> -> memref<6272xf32, #tpu.memory_space<hbm>>
      tpu.wait_dma2 semaphore(%run_scoped3A : memref<!tpu.dma_semaphore, #tpu.memory_space<semaphore_mem>>) src(%dma_wait3A_112 : memref<6272xf32, #tpu.memory_space<hbm>>) dst(%arg8 : memref<6272xf32, #tpu.memory_space<vmem>>)
      tpu.yield
    }) : () -> ()
    %parallel_loop3A_76 = arith.constant 0 : i32
    %parallel_loop3A_77 = arith.constant 392 : i32
    %parallel_loop3A_78 = arith.constant 1 : i32
    scf.for %parallel_loop3A_111 = %parallel_loop3A_76 to %parallel_loop3A_77 step %parallel_loop3A_78  : i32 {
      %parallel_loop3A_112 = arith.constant 16 : i32
      %parallel_loop3A_113 = arith.muli %parallel_loop3A_111, %parallel_loop3A_112 : i32
      %parallel_loop3A_114 = arith.constant 25088 : i32
      %parallel_loop3A_115 = arith.addi %parallel_loop3A_114, %parallel_loop3A_113 : i32
      %parallel_loop3A_116 = arith.index_cast %parallel_loop3A_115 : i32 to index
      %parallel_loop3A_117 = tpu.vector_load %arg7[%parallel_loop3A_116] {strides = array<i32>} : memref<50176xf32, #tpu.memory_space<vmem>>, vector<16xf32>,
      %parallel_loop3A_118 = arith.constant 16 : i32
      %parallel_loop3A_119 = arith.muli %parallel_loop3A_111, %parallel_loop3A_118 : i32
      %parallel_loop3A_120 = arith.index_cast %parallel_loop3A_119 : i32 to index
      %parallel_loop3A_121 = tpu.vector_load %arg8[%parallel_loop3A_120] {strides = array<i32>} : memref<6272xf32, #tpu.memory_space<vmem>>, vector<16xf32>,
      %parallel_loop3A_122 = arith.maximumf %parallel_loop3A_117, %parallel_loop3A_121 : vector<16xf32>
      %parallel_loop3A_123 = arith.index_cast %parallel_loop3A_115 : i32 to index
      %parallel_loop3A_124 = tpu.vector_load %arg7[%parallel_loop3A_123] {strides = array<i32>} : memref<50176xf32, #tpu.memory_space<vmem>>, vector<16xf32>,
      tpu.vector_store %arg7[%parallel_loop3A_123], %parallel_loop3A_122 {strides = array<i32>} : memref<50176xf32, #tpu.memory_space<vmem>>, vector<16xf32>,
    } {sc.loop_unroll_factor = 8 : i64, sc.parallel_access}
    %add3A_79 = arith.constant 4 : i32
    %add3A_80 = arith.addi %add3A_79, %select_n3A_7 : i32
    %mul3A_81 = arith.constant 50176 : i32
    %mul3A_82 = arith.muli %add3A_80, %mul3A_81 : i32
    %add3A_83 = arith.constant 31360 : i32
    %add3A_84 = arith.addi %mul3A_82, %add3A_83 : i32
    "tpu.region"() ({
      %run_scoped3A = tpu.sem_alloc : memref<!tpu.dma_semaphore, #tpu.memory_space<semaphore_mem>>
      %dma_start3A = tpu.memref_slice %arg4[%add3A_84] : memref<401408xf32, #tpu.memory_space<hbm>> -> memref<6272xf32, #tpu.memory_space<hbm>>
      %dma_start3A_111 = tpu.memref_slice %arg4[%add3A_84] : memref<401408xf32, #tpu.memory_space<hbm>> -> memref<6272xf32, #tpu.memory_space<hbm>>
      tpu.enqueue_dma source(%dma_start3A_111 : memref<6272xf32, #tpu.memory_space<hbm>>) target(%arg8 : memref<6272xf32, #tpu.memory_space<vmem>>) target_semaphore(%run_scoped3A : memref<!tpu.dma_semaphore, #tpu.memory_space<semaphore_mem>>)
      %dma_wait3A = tpu.memref_slice %arg4[%add3A_84] : memref<401408xf32, #tpu.memory_space<hbm>> -> memref<6272xf32, #tpu.memory_space<hbm>>
      %dma_wait3A_112 = tpu.memref_slice %arg4[%add3A_84] : memref<401408xf32, #tpu.memory_space<hbm>> -> memref<6272xf32, #tpu.memory_space<hbm>>
      tpu.wait_dma2 semaphore(%run_scoped3A : memref<!tpu.dma_semaphore, #tpu.memory_space<semaphore_mem>>) src(%dma_wait3A_112 : memref<6272xf32, #tpu.memory_space<hbm>>) dst(%arg8 : memref<6272xf32, #tpu.memory_space<vmem>>)
      tpu.yield
    }) : () -> ()
    %parallel_loop3A_85 = arith.constant 0 : i32
    %parallel_loop3A_86 = arith.constant 392 : i32
    %parallel_loop3A_87 = arith.constant 1 : i32
    scf.for %parallel_loop3A_111 = %parallel_loop3A_85 to %parallel_loop3A_86 step %parallel_loop3A_87  : i32 {
      %parallel_loop3A_112 = arith.constant 16 : i32
      %parallel_loop3A_113 = arith.muli %parallel_loop3A_111, %parallel_loop3A_112 : i32
      %parallel_loop3A_114 = arith.constant 31360 : i32
      %parallel_loop3A_115 = arith.addi %parallel_loop3A_114, %parallel_loop3A_113 : i32
      %parallel_loop3A_116 = arith.index_cast %parallel_loop3A_115 : i32 to index
      %parallel_loop3A_117 = tpu.vector_load %arg7[%parallel_loop3A_116] {strides = array<i32>} : memref<50176xf32, #tpu.memory_space<vmem>>, vector<16xf32>,
      %parallel_loop3A_118 = arith.constant 16 : i32
      %parallel_loop3A_119 = arith.muli %parallel_loop3A_111, %parallel_loop3A_118 : i32
      %parallel_loop3A_120 = arith.index_cast %parallel_loop3A_119 : i32 to index
      %parallel_loop3A_121 = tpu.vector_load %arg8[%parallel_loop3A_120] {strides = array<i32>} : memref<6272xf32, #tpu.memory_space<vmem>>, vector<16xf32>,
      %parallel_loop3A_122 = arith.maximumf %parallel_loop3A_117, %parallel_loop3A_121 : vector<16xf32>
      %parallel_loop3A_123 = arith.index_cast %parallel_loop3A_115 : i32 to index
      %parallel_loop3A_124 = tpu.vector_load %arg7[%parallel_loop3A_123] {strides = array<i32>} : memref<50176xf32, #tpu.memory_space<vmem>>, vector<16xf32>,
      tpu.vector_store %arg7[%parallel_loop3A_123], %parallel_loop3A_122 {strides = array<i32>} : memref<50176xf32, #tpu.memory_space<vmem>>, vector<16xf32>,
    } {sc.loop_unroll_factor = 8 : i64, sc.parallel_access}
    %add3A_88 = arith.constant 4 : i32
    %add3A_89 = arith.addi %add3A_88, %select_n3A_7 : i32
    %mul3A_90 = arith.constant 50176 : i32
    %mul3A_91 = arith.muli %add3A_89, %mul3A_90 : i32
    %add3A_92 = arith.constant 37632 : i32
    %add3A_93 = arith.addi %mul3A_91, %add3A_92 : i32
    "tpu.region"() ({
      %run_scoped3A = tpu.sem_alloc : memref<!tpu.dma_semaphore, #tpu.memory_space<semaphore_mem>>
      %dma_start3A = tpu.memref_slice %arg4[%add3A_93] : memref<401408xf32, #tpu.memory_space<hbm>> -> memref<6272xf32, #tpu.memory_space<hbm>>
      %dma_start3A_111 = tpu.memref_slice %arg4[%add3A_93] : memref<401408xf32, #tpu.memory_space<hbm>> -> memref<6272xf32, #tpu.memory_space<hbm>>
      tpu.enqueue_dma source(%dma_start3A_111 : memref<6272xf32, #tpu.memory_space<hbm>>) target(%arg8 : memref<6272xf32, #tpu.memory_space<vmem>>) target_semaphore(%run_scoped3A : memref<!tpu.dma_semaphore, #tpu.memory_space<semaphore_mem>>)
      %dma_wait3A = tpu.memref_slice %arg4[%add3A_93] : memref<401408xf32, #tpu.memory_space<hbm>> -> memref<6272xf32, #tpu.memory_space<hbm>>
      %dma_wait3A_112 = tpu.memref_slice %arg4[%add3A_93] : memref<401408xf32, #tpu.memory_space<hbm>> -> memref<6272xf32, #tpu.memory_space<hbm>>
      tpu.wait_dma2 semaphore(%run_scoped3A : memref<!tpu.dma_semaphore, #tpu.memory_space<semaphore_mem>>) src(%dma_wait3A_112 : memref<6272xf32, #tpu.memory_space<hbm>>) dst(%arg8 : memref<6272xf32, #tpu.memory_space<vmem>>)
      tpu.yield
    }) : () -> ()
    %parallel_loop3A_94 = arith.constant 0 : i32
    %parallel_loop3A_95 = arith.constant 392 : i32
    %parallel_loop3A_96 = arith.constant 1 : i32
    scf.for %parallel_loop3A_111 = %parallel_loop3A_94 to %parallel_loop3A_95 step %parallel_loop3A_96  : i32 {
      %parallel_loop3A_112 = arith.constant 16 : i32
      %parallel_loop3A_113 = arith.muli %parallel_loop3A_111, %parallel_loop3A_112 : i32
      %parallel_loop3A_114 = arith.constant 37632 : i32
      %parallel_loop3A_115 = arith.addi %parallel_loop3A_114, %parallel_loop3A_113 : i32
      %parallel_loop3A_116 = arith.index_cast %parallel_loop3A_115 : i32 to index
      %parallel_loop3A_117 = tpu.vector_load %arg7[%parallel_loop3A_116] {strides = array<i32>} : memref<50176xf32, #tpu.memory_space<vmem>>, vector<16xf32>,
      %parallel_loop3A_118 = arith.constant 16 : i32
      %parallel_loop3A_119 = arith.muli %parallel_loop3A_111, %parallel_loop3A_118 : i32
      %parallel_loop3A_120 = arith.index_cast %parallel_loop3A_119 : i32 to index
      %parallel_loop3A_121 = tpu.vector_load %arg8[%parallel_loop3A_120] {strides = array<i32>} : memref<6272xf32, #tpu.memory_space<vmem>>, vector<16xf32>,
      %parallel_loop3A_122 = arith.maximumf %parallel_loop3A_117, %parallel_loop3A_121 : vector<16xf32>
      %parallel_loop3A_123 = arith.index_cast %parallel_loop3A_115 : i32 to index
      %parallel_loop3A_124 = tpu.vector_load %arg7[%parallel_loop3A_123] {strides = array<i32>} : memref<50176xf32, #tpu.memory_space<vmem>>, vector<16xf32>,
      tpu.vector_store %arg7[%parallel_loop3A_123], %parallel_loop3A_122 {strides = array<i32>} : memref<50176xf32, #tpu.memory_space<vmem>>, vector<16xf32>,
    } {sc.loop_unroll_factor = 8 : i64, sc.parallel_access}
    %add3A_97 = arith.constant 4 : i32
    %add3A_98 = arith.addi %add3A_97, %select_n3A_7 : i32
    %mul3A_99 = arith.constant 50176 : i32
    %mul3A_100 = arith.muli %add3A_98, %mul3A_99 : i32
    %add3A_101 = arith.constant 43904 : i32
    %add3A_102 = arith.addi %mul3A_100, %add3A_101 : i32
    "tpu.region"() ({
      %run_scoped3A = tpu.sem_alloc : memref<!tpu.dma_semaphore, #tpu.memory_space<semaphore_mem>>
      %dma_start3A = tpu.memref_slice %arg4[%add3A_102] : memref<401408xf32, #tpu.memory_space<hbm>> -> memref<6272xf32, #tpu.memory_space<hbm>>
      %dma_start3A_111 = tpu.memref_slice %arg4[%add3A_102] : memref<401408xf32, #tpu.memory_space<hbm>> -> memref<6272xf32, #tpu.memory_space<hbm>>
      tpu.enqueue_dma source(%dma_start3A_111 : memref<6272xf32, #tpu.memory_space<hbm>>) target(%arg8 : memref<6272xf32, #tpu.memory_space<vmem>>) target_semaphore(%run_scoped3A : memref<!tpu.dma_semaphore, #tpu.memory_space<semaphore_mem>>)
      %dma_wait3A = tpu.memref_slice %arg4[%add3A_102] : memref<401408xf32, #tpu.memory_space<hbm>> -> memref<6272xf32, #tpu.memory_space<hbm>>
      %dma_wait3A_112 = tpu.memref_slice %arg4[%add3A_102] : memref<401408xf32, #tpu.memory_space<hbm>> -> memref<6272xf32, #tpu.memory_space<hbm>>
      tpu.wait_dma2 semaphore(%run_scoped3A : memref<!tpu.dma_semaphore, #tpu.memory_space<semaphore_mem>>) src(%dma_wait3A_112 : memref<6272xf32, #tpu.memory_space<hbm>>) dst(%arg8 : memref<6272xf32, #tpu.memory_space<vmem>>)
      tpu.yield
    }) : () -> ()
    %parallel_loop3A_103 = arith.constant 0 : i32
    %parallel_loop3A_104 = arith.constant 392 : i32
    %parallel_loop3A_105 = arith.constant 1 : i32
    scf.for %parallel_loop3A_111 = %parallel_loop3A_103 to %parallel_loop3A_104 step %parallel_loop3A_105  : i32 {
      %parallel_loop3A_112 = arith.constant 16 : i32
      %parallel_loop3A_113 = arith.muli %parallel_loop3A_111, %parallel_loop3A_112 : i32
      %parallel_loop3A_114 = arith.constant 43904 : i32
      %parallel_loop3A_115 = arith.addi %parallel_loop3A_114, %parallel_loop3A_113 : i32
      %parallel_loop3A_116 = arith.index_cast %parallel_loop3A_115 : i32 to index
      %parallel_loop3A_117 = tpu.vector_load %arg7[%parallel_loop3A_116] {strides = array<i32>} : memref<50176xf32, #tpu.memory_space<vmem>>, vector<16xf32>,
      %parallel_loop3A_118 = arith.constant 16 : i32
      %parallel_loop3A_119 = arith.muli %parallel_loop3A_111, %parallel_loop3A_118 : i32
      %parallel_loop3A_120 = arith.index_cast %parallel_loop3A_119 : i32 to index
      %parallel_loop3A_121 = tpu.vector_load %arg8[%parallel_loop3A_120] {strides = array<i32>} : memref<6272xf32, #tpu.memory_space<vmem>>, vector<16xf32>,
      %parallel_loop3A_122 = arith.maximumf %parallel_loop3A_117, %parallel_loop3A_121 : vector<16xf32>
      %parallel_loop3A_123 = arith.index_cast %parallel_loop3A_115 : i32 to index
      %parallel_loop3A_124 = tpu.vector_load %arg7[%parallel_loop3A_123] {strides = array<i32>} : memref<50176xf32, #tpu.memory_space<vmem>>, vector<16xf32>,
      tpu.vector_store %arg7[%parallel_loop3A_123], %parallel_loop3A_122 {strides = array<i32>} : memref<50176xf32, #tpu.memory_space<vmem>>, vector<16xf32>,
    } {sc.loop_unroll_factor = 8 : i64, sc.parallel_access}
    %scan3A = arith.constant 0 : i32
    %scan3A_106 = arith.constant 0 : i32
    %scan3A_107 = arith.constant 25 : i32
    %scan3A_108 = arith.addi %scan3A_106, %scan3A_107 : i32
    %scan3A_109 = arith.constant 1 : i32
    scf.for %scan3A_111 = %scan3A_106 to %scan3A_108 step %scan3A_109  : i32 {
      %mul3A_112 = arith.constant 8000 : i32
      %mul3A_113 = arith.muli %scan3A_111, %mul3A_112 : i32
      %add3A_114 = arith.addi %add3A_32, %mul3A_113 : i32
      "tpu.region"() ({
        %run_scoped3A = tpu.sem_alloc : memref<!tpu.dma_semaphore, #tpu.memory_space<semaphore_mem>>
        %dma_start3A = tpu.memref_slice %arg3[%add3A_114] : memref<1600000xi32, #tpu.memory_space<hbm>> -> memref<8000xi32, #tpu.memory_space<hbm>>
        %dma_start3A_127 = tpu.memref_slice %arg3[%add3A_114] : memref<1600000xi32, #tpu.memory_space<hbm>> -> memref<8000xi32, #tpu.memory_space<hbm>>
        tpu.enqueue_dma source(%dma_start3A_127 : memref<8000xi32, #tpu.memory_space<hbm>>) target(%arg9 : memref<8000xi32, #tpu.memory_space<vmem>>) target_semaphore(%run_scoped3A : memref<!tpu.dma_semaphore, #tpu.memory_space<semaphore_mem>>)
        %dma_wait3A = tpu.memref_slice %arg3[%add3A_114] : memref<1600000xi32, #tpu.memory_space<hbm>> -> memref<8000xi32, #tpu.memory_space<hbm>>
        %dma_wait3A_128 = tpu.memref_slice %arg3[%add3A_114] : memref<1600000xi32, #tpu.memory_space<hbm>> -> memref<8000xi32, #tpu.memory_space<hbm>>
        tpu.wait_dma2 semaphore(%run_scoped3A : memref<!tpu.dma_semaphore, #tpu.memory_space<semaphore_mem>>) src(%dma_wait3A_128 : memref<8000xi32, #tpu.memory_space<hbm>>) dst(%arg9 : memref<8000xi32, #tpu.memory_space<vmem>>)
        tpu.yield
      }) : () -> ()
      %mul3A_115 = arith.constant 1600000 : i32
      %mul3A_116 = arith.muli %select_n3A_7, %mul3A_115 : i32
      %add3A_117 = arith.addi %mul3A_116, %add3A_114 : i32
      "tpu.region"() ({
        %run_scoped3A = tpu.sem_alloc : memref<!tpu.dma_semaphore, #tpu.memory_space<semaphore_mem>>
        %dma_start3A = tpu.memref_slice %arg2[%add3A_117] : memref<6400000xf32, #tpu.memory_space<hbm>> -> memref<8000xf32, #tpu.memory_space<hbm>>
        %dma_start3A_127 = tpu.memref_slice %arg2[%add3A_117] : memref<6400000xf32, #tpu.memory_space<hbm>> -> memref<8000xf32, #tpu.memory_space<hbm>>
        tpu.enqueue_dma source(%dma_start3A_127 : memref<8000xf32, #tpu.memory_space<hbm>>) target(%arg10 : memref<8000xf32, #tpu.memory_space<vmem>>) target_semaphore(%run_scoped3A : memref<!tpu.dma_semaphore, #tpu.memory_space<semaphore_mem>>)
        %dma_wait3A = tpu.memref_slice %arg2[%add3A_117] : memref<6400000xf32, #tpu.memory_space<hbm>> -> memref<8000xf32, #tpu.memory_space<hbm>>
        %dma_wait3A_128 = tpu.memref_slice %arg2[%add3A_117] : memref<6400000xf32, #tpu.memory_space<hbm>> -> memref<8000xf32, #tpu.memory_space<hbm>>
        tpu.wait_dma2 semaphore(%run_scoped3A : memref<!tpu.dma_semaphore, #tpu.memory_space<semaphore_mem>>) src(%dma_wait3A_128 : memref<8000xf32, #tpu.memory_space<hbm>>) dst(%arg10 : memref<8000xf32, #tpu.memory_space<vmem>>)
        tpu.yield
      }) : () -> ()
      %mul3A_118 = arith.constant 1600000 : i32
      %mul3A_119 = arith.muli %select_n3A_7, %mul3A_118 : i32
      %add3A_120 = arith.addi %mul3A_119, %add3A_114 : i32
      "tpu.region"() ({
        %run_scoped3A = tpu.sem_alloc : memref<!tpu.dma_semaphore, #tpu.memory_space<semaphore_mem>>
        %dma_start3A = tpu.memref_slice %arg5[%add3A_120] : memref<6400000xf32, #tpu.memory_space<hbm>> -> memref<8000xf32, #tpu.memory_space<hbm>>
        %dma_start3A_127 = tpu.memref_slice %arg5[%add3A_120] : memref<6400000xf32, #tpu.memory_space<hbm>> -> memref<8000xf32, #tpu.memory_space<hbm>>
        tpu.enqueue_dma source(%dma_start3A_127 : memref<8000xf32, #tpu.memory_space<hbm>>) target(%arg11 : memref<8000xf32, #tpu.memory_space<vmem>>) target_semaphore(%run_scoped3A : memref<!tpu.dma_semaphore, #tpu.memory_space<semaphore_mem>>)
        %dma_wait3A = tpu.memref_slice %arg5[%add3A_120] : memref<6400000xf32, #tpu.memory_space<hbm>> -> memref<8000xf32, #tpu.memory_space<hbm>>
        %dma_wait3A_128 = tpu.memref_slice %arg5[%add3A_120] : memref<6400000xf32, #tpu.memory_space<hbm>> -> memref<8000xf32, #tpu.memory_space<hbm>>
        tpu.wait_dma2 semaphore(%run_scoped3A : memref<!tpu.dma_semaphore, #tpu.memory_space<semaphore_mem>>) src(%dma_wait3A_128 : memref<8000xf32, #tpu.memory_space<hbm>>) dst(%arg11 : memref<8000xf32, #tpu.memory_space<vmem>>)
        tpu.yield
      }) : () -> ()
      %parallel_loop3A_121 = arith.constant 0 : i32
      %parallel_loop3A_122 = arith.constant 500 : i32
      %parallel_loop3A_123 = arith.constant 1 : i32
      scf.for %parallel_loop3A_127 = %parallel_loop3A_121 to %parallel_loop3A_122 step %parallel_loop3A_123  : i32 {
        %parallel_loop3A_128 = arith.constant 16 : i32
        %parallel_loop3A_129 = arith.muli %parallel_loop3A_127, %parallel_loop3A_128 : i32
        %parallel_loop3A_130 = arith.index_cast %parallel_loop3A_129 : i32 to index
        %parallel_loop3A_131 = tpu.vector_load %arg9[%parallel_loop3A_130] {strides = array<i32>} : memref<8000xi32, #tpu.memory_space<vmem>>, vector<16xi32>,
        %parallel_loop3A_132 = arith.constant 16 : i32
        %parallel_loop3A_133 = arith.muli %parallel_loop3A_127, %parallel_loop3A_132 : i32
        %parallel_loop3A_134 = arith.index_cast %parallel_loop3A_133 : i32 to index
        %parallel_loop3A_135 = tpu.vector_load %arg10[%parallel_loop3A_134] {strides = array<i32>} : memref<8000xf32, #tpu.memory_space<vmem>>, vector<16xf32>,
        %parallel_loop3A_136 = arith.constant 16 : i32
        %parallel_loop3A_137 = arith.muli %parallel_loop3A_127, %parallel_loop3A_136 : i32
        %parallel_loop3A_138 = arith.index_cast %parallel_loop3A_137 : i32 to index
        %parallel_loop3A_139 = tpu.vector_load %arg11[%parallel_loop3A_138] {strides = array<i32>} : memref<8000xf32, #tpu.memory_space<vmem>>, vector<16xf32>,
        %parallel_loop3A_140 = tpu.vector_load_idx %arg7[%parallel_loop3A_131] : memref<50176xf32, #tpu.memory_space<vmem>>[vector<16xi32>], vector<16xf32>,
        %parallel_loop3A_141 = arith.subf %parallel_loop3A_135, %parallel_loop3A_140 : vector<16xf32>
        %parallel_loop3A_142 = math.exp %parallel_loop3A_141 : vector<16xf32>
        %parallel_loop3A_143 = arith.mulf %parallel_loop3A_142, %parallel_loop3A_139 : vector<16xf32>
        %parallel_loop3A_144 = arith.constant 16 : i32
        %parallel_loop3A_145 = arith.muli %parallel_loop3A_127, %parallel_loop3A_144 : i32
        %parallel_loop3A_146 = arith.index_cast %parallel_loop3A_145 : i32 to index
        %parallel_loop3A_147 = tpu.vector_load %arg12[%parallel_loop3A_146] {strides = array<i32>} : memref<8000xf32, #tpu.memory_space<vmem>>, vector<16xf32>,
        tpu.vector_store %arg12[%parallel_loop3A_146], %parallel_loop3A_143 {strides = array<i32>} : memref<8000xf32, #tpu.memory_space<vmem>>, vector<16xf32>,
      } {sc.loop_unroll_factor = 4 : i64, sc.parallel_access}
      %mul3A_124 = arith.constant 1600000 : i32
      %mul3A_125 = arith.muli %select_n3A_7, %mul3A_124 : i32
      %add3A_126 = arith.addi %mul3A_125, %add3A_114 : i32
      "tpu.region"() ({
        %run_scoped3A = tpu.sem_alloc : memref<!tpu.dma_semaphore, #tpu.memory_space<semaphore_mem>>
        %dma_start3A = tpu.memref_slice %arg6[%add3A_126] : memref<6400000xf32, #tpu.memory_space<hbm>> -> memref<8000xf32, #tpu.memory_space<hbm>>
        %dma_start3A_127 = tpu.memref_slice %arg6[%add3A_126] : memref<6400000xf32, #tpu.memory_space<hbm>> -> memref<8000xf32, #tpu.memory_space<hbm>>
        tpu.enqueue_dma source(%arg12 : memref<8000xf32, #tpu.memory_space<vmem>>) target(%dma_start3A_127 : memref<8000xf32, #tpu.memory_space<hbm>>) target_semaphore(%run_scoped3A : memref<!tpu.dma_semaphore, #tpu.memory_space<semaphore_mem>>)
        %dma_wait3A = tpu.memref_slice %arg6[%add3A_126] : memref<6400000xf32, #tpu.memory_space<hbm>> -> memref<8000xf32, #tpu.memory_space<hbm>>
        %dma_wait3A_128 = tpu.memref_slice %arg6[%add3A_126] : memref<6400000xf32, #tpu.memory_space<hbm>> -> memref<8000xf32, #tpu.memory_space<hbm>>
        tpu.wait_dma2 semaphore(%run_scoped3A : memref<!tpu.dma_semaphore, #tpu.memory_space<semaphore_mem>>) src(%arg12 : memref<8000xf32, #tpu.memory_space<vmem>>) dst(%dma_wait3A_128 : memref<8000xf32, #tpu.memory_space<hbm>>)
        tpu.yield
      }) : () -> ()
    }
    %scan3A_110 = arith.constant 25 : i32
    return
  }
}

#map = affine_map<(d0, d1) -> (0)>
module attributes {stable_mosaic.version = 14 : i64} {
  func.func @_phase_a_body(%arg0: i32, %arg1: i32, %arg2: memref<200000xf32, #tpu.memory_space<hbm>>, %arg3: memref<200000xf32, #tpu.memory_space<hbm>>, %arg4: memref<1600000xi32, #tpu.memory_space<hbm>>, %arg5: memref<1600000xi32, #tpu.memory_space<hbm>>, %arg6: memref<6400000xf32, #tpu.memory_space<hbm>>, %arg7: memref<50000xf32, #tpu.memory_space<vmem>>, %arg8: memref<50000xf32, #tpu.memory_space<vmem>>, %arg9: memref<8000xi32, #tpu.memory_space<vmem>>, %arg10: memref<8000xi32, #tpu.memory_space<vmem>>, %arg11: memref<8000xf32, #tpu.memory_space<vmem>>) attributes {dimension_semantics = [#tpu.dimension_semantics<core_parallel>, #tpu.dimension_semantics<subcore_parallel>], iteration_bounds = array<i64: 2, 16>, scalar_prefetch = 0 : i64, scratch_operands = 5 : i64, tpu.core_type = #tpu.core_type<sc_vector_subcore>, window_params = [{transform_indices = #map}, {transform_indices = #map}, {transform_indices = #map}, {transform_indices = #map}, {transform_indices = #map}]} {
    %jit3A = arith.constant 4 : i32
    %eq3A = arith.constant 0 : i32
    %eq3A_0 = arith.cmpi eq, %jit3A, %eq3A : i32
    %jit3A_1 = arith.constant 1 : i32
    %select_n3A = arith.select %eq3A_0, %jit3A_1, %jit3A : i32
    %rem3A = arith.remsi %arg1, %select_n3A : i32
    %ne3A = arith.constant 0 : i32
    %ne3A_2 = arith.cmpi ne, %rem3A, %ne3A : i32
    %lt3A = arith.constant 0 : i32
    %lt3A_3 = arith.cmpi slt, %rem3A, %lt3A : i32
    %lt3A_4 = arith.constant 0 : i32
    %lt3A_5 = arith.cmpi slt, %select_n3A, %lt3A_4 : i32
    %ne3A_6 = arith.xori %lt3A_3, %lt3A_5 : i1
    %and3A = arith.andi %ne3A_6, %ne3A_2 : i1
    %add3A = arith.addi %rem3A, %select_n3A : i32
    %select_n3A_7 = arith.select %and3A, %add3A, %rem3A : i32
    %jit3A_8 = arith.constant 4 : i32
    %div3A = arith.divsi %arg1, %jit3A_8 : i32
    %sign3A = arith.constant 0 : i32
    %sign3A_9 = arith.cmpi sgt, %arg1, %sign3A : i32
    %sign3A_10 = arith.extui %sign3A_9 : i1 to i32
    %sign3A_11 = arith.constant 0 : i32
    %sign3A_12 = arith.cmpi slt, %arg1, %sign3A_11 : i32
    %sign3A_13 = arith.extui %sign3A_12 : i1 to i32
    %sign3A_14 = arith.subi %sign3A_10, %sign3A_13 : i32
    %sign3A_15 = arith.constant 0 : i32
    %sign3A_16 = arith.cmpi sgt, %jit3A_8, %sign3A_15 : i32
    %sign3A_17 = arith.extui %sign3A_16 : i1 to i32
    %sign3A_18 = arith.constant 0 : i32
    %sign3A_19 = arith.cmpi slt, %jit3A_8, %sign3A_18 : i32
    %sign3A_20 = arith.extui %sign3A_19 : i1 to i32
    %sign3A_21 = arith.subi %sign3A_17, %sign3A_20 : i32
    %ne3A_22 = arith.cmpi ne, %sign3A_14, %sign3A_21 : i32
    %rem3A_23 = arith.remsi %arg1, %jit3A_8 : i32
    %ne3A_24 = arith.constant 0 : i32
    %ne3A_25 = arith.cmpi ne, %rem3A_23, %ne3A_24 : i32
    %and3A_26 = arith.andi %ne3A_22, %ne3A_25 : i1
    %sub3A = arith.constant 1 : i32
    %sub3A_27 = arith.subi %div3A, %sub3A : i32
    %select_n3A_28 = arith.select %and3A_26, %sub3A_27, %div3A : i32
    %mul3A = arith.constant 800000 : i32
    %mul3A_29 = arith.muli %arg0, %mul3A : i32
    %mul3A_30 = arith.constant 200000 : i32
    %mul3A_31 = arith.muli %select_n3A_28, %mul3A_30 : i32
    %add3A_32 = arith.addi %mul3A_29, %mul3A_31 : i32
    %mul3A_33 = arith.constant 50000 : i32
    %mul3A_34 = arith.muli %select_n3A_7, %mul3A_33 : i32
    "tpu.region"() ({
      %run_scoped3A = tpu.sem_alloc : memref<!tpu.dma_semaphore, #tpu.memory_space<semaphore_mem>>
      %dma_start3A = tpu.memref_slice %arg2[%mul3A_34] : memref<200000xf32, #tpu.memory_space<hbm>> -> memref<50000xf32, #tpu.memory_space<hbm>>
      %dma_start3A_42 = tpu.memref_slice %arg2[%mul3A_34] : memref<200000xf32, #tpu.memory_space<hbm>> -> memref<50000xf32, #tpu.memory_space<hbm>>
      tpu.enqueue_dma source(%dma_start3A_42 : memref<50000xf32, #tpu.memory_space<hbm>>) target(%arg7 : memref<50000xf32, #tpu.memory_space<vmem>>) target_semaphore(%run_scoped3A : memref<!tpu.dma_semaphore, #tpu.memory_space<semaphore_mem>>)
      %dma_wait3A = tpu.memref_slice %arg2[%mul3A_34] : memref<200000xf32, #tpu.memory_space<hbm>> -> memref<50000xf32, #tpu.memory_space<hbm>>
      %dma_wait3A_43 = tpu.memref_slice %arg2[%mul3A_34] : memref<200000xf32, #tpu.memory_space<hbm>> -> memref<50000xf32, #tpu.memory_space<hbm>>
      tpu.wait_dma2 semaphore(%run_scoped3A : memref<!tpu.dma_semaphore, #tpu.memory_space<semaphore_mem>>) src(%dma_wait3A_43 : memref<50000xf32, #tpu.memory_space<hbm>>) dst(%arg7 : memref<50000xf32, #tpu.memory_space<vmem>>)
      tpu.yield
    }) : () -> ()
    %mul3A_35 = arith.constant 50000 : i32
    %mul3A_36 = arith.muli %select_n3A_7, %mul3A_35 : i32
    "tpu.region"() ({
      %run_scoped3A = tpu.sem_alloc : memref<!tpu.dma_semaphore, #tpu.memory_space<semaphore_mem>>
      %dma_start3A = tpu.memref_slice %arg3[%mul3A_36] : memref<200000xf32, #tpu.memory_space<hbm>> -> memref<50000xf32, #tpu.memory_space<hbm>>
      %dma_start3A_42 = tpu.memref_slice %arg3[%mul3A_36] : memref<200000xf32, #tpu.memory_space<hbm>> -> memref<50000xf32, #tpu.memory_space<hbm>>
      tpu.enqueue_dma source(%dma_start3A_42 : memref<50000xf32, #tpu.memory_space<hbm>>) target(%arg8 : memref<50000xf32, #tpu.memory_space<vmem>>) target_semaphore(%run_scoped3A : memref<!tpu.dma_semaphore, #tpu.memory_space<semaphore_mem>>)
      %dma_wait3A = tpu.memref_slice %arg3[%mul3A_36] : memref<200000xf32, #tpu.memory_space<hbm>> -> memref<50000xf32, #tpu.memory_space<hbm>>
      %dma_wait3A_43 = tpu.memref_slice %arg3[%mul3A_36] : memref<200000xf32, #tpu.memory_space<hbm>> -> memref<50000xf32, #tpu.memory_space<hbm>>
      tpu.wait_dma2 semaphore(%run_scoped3A : memref<!tpu.dma_semaphore, #tpu.memory_space<semaphore_mem>>) src(%dma_wait3A_43 : memref<50000xf32, #tpu.memory_space<hbm>>) dst(%arg8 : memref<50000xf32, #tpu.memory_space<vmem>>)
      tpu.yield
    }) : () -> ()
    %scan3A = arith.constant 0 : i32
    %scan3A_37 = arith.constant 0 : i32
    %scan3A_38 = arith.constant 25 : i32
    %scan3A_39 = arith.addi %scan3A_37, %scan3A_38 : i32
    %scan3A_40 = arith.constant 1 : i32
    scf.for %scan3A_42 = %scan3A_37 to %scan3A_39 step %scan3A_40  : i32 {
      %mul3A_43 = arith.constant 8000 : i32
      %mul3A_44 = arith.muli %scan3A_42, %mul3A_43 : i32
      %add3A_45 = arith.addi %add3A_32, %mul3A_44 : i32
      "tpu.region"() ({
        %run_scoped3A = tpu.sem_alloc : memref<!tpu.dma_semaphore, #tpu.memory_space<semaphore_mem>>
        %dma_start3A = tpu.memref_slice %arg4[%add3A_45] : memref<1600000xi32, #tpu.memory_space<hbm>> -> memref<8000xi32, #tpu.memory_space<hbm>>
        %dma_start3A_51 = tpu.memref_slice %arg4[%add3A_45] : memref<1600000xi32, #tpu.memory_space<hbm>> -> memref<8000xi32, #tpu.memory_space<hbm>>
        tpu.enqueue_dma source(%dma_start3A_51 : memref<8000xi32, #tpu.memory_space<hbm>>) target(%arg9 : memref<8000xi32, #tpu.memory_space<vmem>>) target_semaphore(%run_scoped3A : memref<!tpu.dma_semaphore, #tpu.memory_space<semaphore_mem>>)
        %dma_wait3A = tpu.memref_slice %arg4[%add3A_45] : memref<1600000xi32, #tpu.memory_space<hbm>> -> memref<8000xi32, #tpu.memory_space<hbm>>
        %dma_wait3A_52 = tpu.memref_slice %arg4[%add3A_45] : memref<1600000xi32, #tpu.memory_space<hbm>> -> memref<8000xi32, #tpu.memory_space<hbm>>
        tpu.wait_dma2 semaphore(%run_scoped3A : memref<!tpu.dma_semaphore, #tpu.memory_space<semaphore_mem>>) src(%dma_wait3A_52 : memref<8000xi32, #tpu.memory_space<hbm>>) dst(%arg9 : memref<8000xi32, #tpu.memory_space<vmem>>)
        tpu.yield
      }) : () -> ()
      "tpu.region"() ({
        %run_scoped3A = tpu.sem_alloc : memref<!tpu.dma_semaphore, #tpu.memory_space<semaphore_mem>>
        %dma_start3A = tpu.memref_slice %arg5[%add3A_45] : memref<1600000xi32, #tpu.memory_space<hbm>> -> memref<8000xi32, #tpu.memory_space<hbm>>
        %dma_start3A_51 = tpu.memref_slice %arg5[%add3A_45] : memref<1600000xi32, #tpu.memory_space<hbm>> -> memref<8000xi32, #tpu.memory_space<hbm>>
        tpu.enqueue_dma source(%dma_start3A_51 : memref<8000xi32, #tpu.memory_space<hbm>>) target(%arg10 : memref<8000xi32, #tpu.memory_space<vmem>>) target_semaphore(%run_scoped3A : memref<!tpu.dma_semaphore, #tpu.memory_space<semaphore_mem>>)
        %dma_wait3A = tpu.memref_slice %arg5[%add3A_45] : memref<1600000xi32, #tpu.memory_space<hbm>> -> memref<8000xi32, #tpu.memory_space<hbm>>
        %dma_wait3A_52 = tpu.memref_slice %arg5[%add3A_45] : memref<1600000xi32, #tpu.memory_space<hbm>> -> memref<8000xi32, #tpu.memory_space<hbm>>
        tpu.wait_dma2 semaphore(%run_scoped3A : memref<!tpu.dma_semaphore, #tpu.memory_space<semaphore_mem>>) src(%dma_wait3A_52 : memref<8000xi32, #tpu.memory_space<hbm>>) dst(%arg10 : memref<8000xi32, #tpu.memory_space<vmem>>)
        tpu.yield
      }) : () -> ()
      %parallel_loop3A = arith.constant 0 : i32
      %parallel_loop3A_46 = arith.constant 500 : i32
      %parallel_loop3A_47 = arith.constant 1 : i32
      scf.for %parallel_loop3A_51 = %parallel_loop3A to %parallel_loop3A_46 step %parallel_loop3A_47  : i32 {
        %parallel_loop3A_52 = arith.constant 16 : i32
        %parallel_loop3A_53 = arith.muli %parallel_loop3A_51, %parallel_loop3A_52 : i32
        %parallel_loop3A_54 = arith.index_cast %parallel_loop3A_53 : i32 to index
        %parallel_loop3A_55 = tpu.vector_load %arg9[%parallel_loop3A_54] {strides = array<i32>} : memref<8000xi32, #tpu.memory_space<vmem>>, vector<16xi32>,
        %parallel_loop3A_56 = arith.constant 16 : i32
        %parallel_loop3A_57 = arith.muli %parallel_loop3A_51, %parallel_loop3A_56 : i32
        %parallel_loop3A_58 = arith.index_cast %parallel_loop3A_57 : i32 to index
        %parallel_loop3A_59 = tpu.vector_load %arg10[%parallel_loop3A_58] {strides = array<i32>} : memref<8000xi32, #tpu.memory_space<vmem>>, vector<16xi32>,
        %parallel_loop3A_60 = tpu.vector_load_idx %arg7[%parallel_loop3A_55] : memref<50000xf32, #tpu.memory_space<vmem>>[vector<16xi32>], vector<16xf32>,
        %parallel_loop3A_61 = tpu.vector_load_idx %arg8[%parallel_loop3A_59] : memref<50000xf32, #tpu.memory_space<vmem>>[vector<16xi32>], vector<16xf32>,
        %parallel_loop3A_62 = arith.addf %parallel_loop3A_60, %parallel_loop3A_61 : vector<16xf32>
        %parallel_loop3A_63 = arith.constant 0.000000e+00 : f32
        %parallel_loop3A_64 = vector.broadcast %parallel_loop3A_63 : f32 to vector<16xf32>
        %parallel_loop3A_65 = arith.cmpf oge, %parallel_loop3A_62, %parallel_loop3A_64 : vector<16xf32>
        %parallel_loop3A_66 = arith.constant 2.000000e-01 : f32
        %parallel_loop3A_67 = vector.broadcast %parallel_loop3A_66 : f32 to vector<16xf32>
        %parallel_loop3A_68 = arith.mulf %parallel_loop3A_67, %parallel_loop3A_62 : vector<16xf32>
        %parallel_loop3A_69 = arith.select %parallel_loop3A_65, %parallel_loop3A_62, %parallel_loop3A_68 : vector<16xi1>, vector<16xf32>
        %parallel_loop3A_70 = arith.constant 16 : i32
        %parallel_loop3A_71 = arith.muli %parallel_loop3A_51, %parallel_loop3A_70 : i32
        %parallel_loop3A_72 = arith.index_cast %parallel_loop3A_71 : i32 to index
        %parallel_loop3A_73 = tpu.vector_load %arg11[%parallel_loop3A_72] {strides = array<i32>} : memref<8000xf32, #tpu.memory_space<vmem>>, vector<16xf32>,
        tpu.vector_store %arg11[%parallel_loop3A_72], %parallel_loop3A_69 {strides = array<i32>} : memref<8000xf32, #tpu.memory_space<vmem>>, vector<16xf32>,
      } {sc.loop_unroll_factor = 4 : i64, sc.parallel_access}
      %mul3A_48 = arith.constant 1600000 : i32
      %mul3A_49 = arith.muli %select_n3A_7, %mul3A_48 : i32
      %add3A_50 = arith.addi %mul3A_49, %add3A_45 : i32
      "tpu.region"() ({
        %run_scoped3A = tpu.sem_alloc : memref<!tpu.dma_semaphore, #tpu.memory_space<semaphore_mem>>
        %dma_start3A = tpu.memref_slice %arg6[%add3A_50] : memref<6400000xf32, #tpu.memory_space<hbm>> -> memref<8000xf32, #tpu.memory_space<hbm>>
        %dma_start3A_51 = tpu.memref_slice %arg6[%add3A_50] : memref<6400000xf32, #tpu.memory_space<hbm>> -> memref<8000xf32, #tpu.memory_space<hbm>>
        tpu.enqueue_dma source(%arg11 : memref<8000xf32, #tpu.memory_space<vmem>>) target(%dma_start3A_51 : memref<8000xf32, #tpu.memory_space<hbm>>) target_semaphore(%run_scoped3A : memref<!tpu.dma_semaphore, #tpu.memory_space<semaphore_mem>>)
        %dma_wait3A = tpu.memref_slice %arg6[%add3A_50] : memref<6400000xf32, #tpu.memory_space<hbm>> -> memref<8000xf32, #tpu.memory_space<hbm>>
        %dma_wait3A_52 = tpu.memref_slice %arg6[%add3A_50] : memref<6400000xf32, #tpu.memory_space<hbm>> -> memref<8000xf32, #tpu.memory_space<hbm>>
        tpu.wait_dma2 semaphore(%run_scoped3A : memref<!tpu.dma_semaphore, #tpu.memory_space<semaphore_mem>>) src(%arg11 : memref<8000xf32, #tpu.memory_space<vmem>>) dst(%dma_wait3A_52 : memref<8000xf32, #tpu.memory_space<hbm>>)
        tpu.yield
      }) : () -> ()
    }
    %scan3A_41 = arith.constant 25 : i32
    return
  }
}

module attributes {stable_mosaic.version = 14 : i64} {
  func.func @_logits_body(%arg0: i32, %arg1: memref<1000x512xf32, #tpu.memory_space<vmem>>, %arg2: memref<512x8xf32, #tpu.memory_space<vmem>>, %arg3: memref<1000x8xf32, #tpu.memory_space<vmem>>) attributes {dimension_semantics = [#tpu.dimension_semantics<arbitrary>], iteration_bounds = array<i64: 50>, scalar_prefetch = 0 : i64, scratch_operands = 0 : i64, tpu.core_type = #tpu.core_type<tc>, window_params = [{transform_indices = @transform_0, window_bounds = array<i64: 1000, 512>}, {pipeline_mode = #tpu.pipeline_mode<synchronous>, transform_indices = @transform_1, window_bounds = array<i64: 512, 8>}, {transform_indices = @transform_2, window_bounds = array<i64: 1000, 8>}]} {
    %get3A = arith.constant 0 : index
    %get3A_0 = arith.constant 0 : index
    %get3A_1 = vector.load %arg1[%get3A, %get3A_0] : memref<1000x512xf32, #tpu.memory_space<vmem>>, vector<1000x512xf32>
    %get3A_2 = arith.constant 0 : index
    %get3A_3 = arith.constant 0 : index
    %get3A_4 = vector.load %arg2[%get3A_2, %get3A_3] : memref<512x8xf32, #tpu.memory_space<vmem>>, vector<512x8xf32>
    %dot_general3A = arith.constant dense<0.000000e+00> : vector<1000x8xf32>
    %dot_general3A_5 = tpu.matmul %get3A_1, %get3A_4, %dot_general3A {dimension_numbers = #tpu.dot_dimension_numbers<[1], [0], [0], [1], [0, 0, 1, 1], [], []>, precision = #tpu.contract_precision<fp32>, transpose_lhs_hint = false} : vector<1000x512xf32>, vector<512x8xf32>, vector<1000x8xf32> -> vector<1000x8xf32>
    %swap3A = arith.constant 0 : index
    %swap3A_6 = arith.constant 0 : index
    %swap3A_7 = vector.load %arg3[%swap3A, %swap3A_6] : memref<1000x8xf32, #tpu.memory_space<vmem>>, vector<1000x8xf32>
    tpu.vector_store %arg3[%swap3A, %swap3A_6], %dot_general3A_5 {strides = array<i32>} : memref<1000x8xf32, #tpu.memory_space<vmem>>, vector<1000x8xf32>,
    return
  }
  func.func @transform_0(%arg0: i32) -> (i32, i32) {
    %c0_i32 = arith.constant 0 : i32
    %c0_i32_0 = arith.constant 0 : i32
    return %arg0, %c0_i32 : i32, i32
  }
  func.func @transform_1(%arg0: i32) -> (i32, i32) {
    %c0_i32 = arith.constant 0 : i32
    %c0_i32_0 = arith.constant 0 : i32
    %c0_i32_1 = arith.constant 0 : i32
    return %c0_i32, %c0_i32_0 : i32, i32
  }
  func.func @transform_2(%arg0: i32) -> (i32, i32) {
    %c0_i32 = arith.constant 0 : i32
    %c0_i32_0 = arith.constant 0 : i32
    return %arg0, %c0_i32 : i32, i32
  }
}

</mosaic_0001>

<sc_bundles>
// kernel: kernel.12.cloned.1.call-start
scs
__scs_entry_jumppad:
0x0: {  	(pc) =	sbr.rel $0x88, $3  }
0x1: {  	(tag) =	ssettag $0x0;
	lr =	simm.s32 $0x1  }
0x2: {  	[smem:$0x3F9C] =	sst lr;
	_ =	strace $0xD0000000  }
0x3: {  	_ = 	snop  }
0x4: {  	_ = 	snop  }
0x5: {  	_ = 	snop  }
0x6: {  	_ = 	snop  }
0x7: {  	_ = 	snop  }
__scs_overlays_trampoline_lowered:
0x8: {  	[smem:$0x3FAB] =	sst s0  }
0x9: {  	[smem:$0x3FAC] =	sst s1  }
0xa: {  	[smem:$0x3FAD] =	sst s2  }
0xb: {  	[smem:$0x3FAE] =	sst s3  }
0xc: {  	[smem:$0x3FAF] =	sst s4  }
0xd: {  	[smem:$0x3FB0] =	sst s5  }
0xe: {  	[smem:$0x3FB1] =	sst s6  }
0xf: {  	[smem:$0x3FB2] =	sst s7  }
0x10: {  	[smem:$0x3FB3] =	sst s8  }
0x11: {  	[smem:$0x3FB4] =	sst s9;
	s0 =	simm.s32 @!p0 $0x0  }
0x12: {  	s1 =	sld [smem:$0x3F9A];
	s0 =	simm.s32 @p0 $0x1  }
0x13: {  	[smem:$0x3FB5] =	sst s0;
	s0 =	simm.s32 @!p1 $0x0  }
0x14: {  	s2 =	sld [smem:$0x3F99];
	s0 =	simm.s32 @p1 $0x1  }
0x15: {  	[smem:$0x3FB6] =	sst s0;
	s0 =	simm.s32 @!p2 $0x0  }
0x16: {  	s3 =	sld [smem:$0x3FDB];
	s0 =	simm.s32 @p2 $0x1  }
0x17: {  	s4 =	simm.s32 $0x1BF5;
	[smem:$0x3FB8] =	sst s0  }
0x18: {  	s0 =	sld [smem:$0x3F9B];
	_ =	swait.ge [sflag:s4], $0x0  }
0x19: {  	s7 =	sld [smem:$0x3F9C]  }
0x1a: {  	s8 =	sadd.s32 $0xFFFFE003, lr  }
0x1b: {  	s9 =	sadd.s32 $0xFFFFFEF7, lr;
	s5 =	simm.s32 $0xFFFFFFFF;
	p2 =	slt.u32 s8, $0xFFFFF086  }
0x1c: {  	p1 =	slt.u32 s9, $0xF7A;
	s5 =	simm.s32 @!p2 $0x0  }
0x1d: {  	s5 =	simm.s32 @p1 $0x1;
	p0 =	seq.s32 s7, s2  }
0x1e: {  	s7 =	smul.u32 @!p0 $0xF7A, s2;
	p2 =	seq.s32 @!p0 s5, $0x0  }
0x1f: {  	s9 =	smul.u32 $0xF7A, s1;
	s8 =	simm.s32 @!p0 $0x1BF5;
	p2 =	por !p2, p0  }
0x20: {  	[sflag:s8] =	ssyncset.s32 @!p0 $0xFFFFF086;
	s6 =	sadd.s32 @!p0 s3, s7;
	s7 =	simm.s32 @!p0 $0x108  }
0x21: {  	s3 =	sadd.s32 s3, s9;
	s6 =	sadd.s32 @!p0 $0x88, s6;
	s7 =	simm.s32 @p2 $0x1082  }
0x22: {  	[simem:s7], [sflag:s8] =	dma.local @!p0 [hbm:s6], $0xF7A  }
0x23: {  	s9 =	sor.u32 $0xD0000000, s2;
	s6 =	simm.s32 $0x108;
	_ =	swait.ge @!p0 [sflag:s8], $0x0  }
0x24: {  	s3 =	sadd.s32 $0x88, s3;
	s6 =	simm.s32 @!p1 $0x1082;
	[sflag:s4] =	ssyncset.s32 $0xFFFFF086  }
0x25: {  	[simem:s6], [sflag:s4] =	dma.local [hbm:s3], $0xF7A  }
0x26: {  	[smem:$0x3F9C] =	sst s1;
	(tag) =	ssettag s2;
	_ =	strace s9  }
0x27: {  	s1 =	sld [smem:$0x3FAC]  }
0x28: {  	s2 =	sld [smem:$0x3FAD]  }
0x29: {  	s4 =	sld [smem:$0x3FAF]  }
0x2a: {  	p0 =	seq.s32 s5, $0x0;
	s5 =	sld [smem:$0x3FB0]  }
0x2b: {  	s6 =	sld [smem:$0x3FB1]  }
0x2c: {  	s7 =	sld [smem:$0x3FB2]  }
0x2d: {  	s3 =	simm.s32 $0x108;
	s8 =	sld [smem:$0x3FB3]  }
0x2e: {  	s3 =	simm.s32 @!p0 $0x1082;
	s9 =	sld [smem:$0x3FB4]  }
0x2f: {  	lr =	sadd.s32 s0, s3;
	s0 =	sld [smem:$0x3FAB]  }
0x30: {  	s3 =	sld [smem:$0x3FAE]  }
0x31: {  	[smem:$0x3FB7] =	sst s10  }
0x32: {  	s10 =	sld [smem:$0x3FB5];
	_ =	sdelay $0x3  }
0x33: {  	p0 =	seq.s32 s10, $0x1;
	s10 =	sld [smem:$0x3FB7];
	_ =	sdelay $0x3  }
0x34: {  	[smem:$0x3FB7] =	sst s10  }
0x35: {  	s10 =	sld [smem:$0x3FB6];
	_ =	sdelay $0x3  }
0x36: {  	p1 =	seq.s32 s10, $0x1;
	s10 =	sld [smem:$0x3FB7];
	_ =	sdelay $0x3  }
0x37: {  	[smem:$0x3FB7] =	sst s10  }
0x38: {  	s10 =	sld [smem:$0x3FB8]  }
0x39: {  	_ = 	snop;
	(pc) =	sbr.ind lr, $3  }
0x3a: {  	_ = 	snop  }
0x3b: {  	_ = 	snop  }
0x3c: {  	p2 =	seq.s32 s10, $0x1;
	s10 =	sld [smem:$0x3FB7]  }
0x3d: {  	_ =	shalt  }
0x3e: {  	_ =	shalt  }
0x3f: {  	_ =	shalt  }
0x40: {  	_ =	shalt  }
0x41: {  	_ =	shalt  }
0x42: {  	_ =	shalt  }
0x43: {  	_ =	shalt  }
0x44: {  	_ =	shalt  }
0x45: {  	_ =	shalt  }
0x46: {  	_ =	shalt  }
0x47: {  	_ =	shalt  }
0x48: {  	_ =	shalt  }
0x49: {  	_ =	shalt  }
0x4a: {  	_ =	shalt  }
0x4b: {  	_ =	shalt  }
0x4c: {  	_ =	shalt  }
0x4d: {  	_ =	shalt  }
0x4e: {  	_ =	shalt  }
0x4f: {  	_ =	shalt  }
0x50: {  	_ =	shalt  }
0x51: {  	_ =	shalt  }
0x52: {  	_ =	shalt  }
0x53: {  	_ =	shalt  }
0x54: {  	_ =	shalt  }
0x55: {  	_ =	shalt  }
0x56: {  	_ =	shalt  }
0x57: {  	_ =	shalt  }
0x58: {  	_ =	shalt  }
0x59: {  	_ =	shalt  }
0x5a: {  	_ =	shalt  }
0x5b: {  	_ =	shalt  }
0x5c: {  	_ =	shalt  }
0x5d: {  	_ =	shalt  }
0x5e: {  	_ =	shalt  }
0x5f: {  	_ =	shalt  }
0x60: {  	_ =	shalt  }
0x61: {  	_ =	shalt  }
0x62: {  	_ =	shalt  }
0x63: {  	_ =	shalt  }
0x64: {  	_ =	shalt  }
0x65: {  	_ =	shalt  }
0x66: {  	_ =	shalt  }
0x67: {  	_ =	shalt  }
0x68: {  	_ =	shalt  }
0x69: {  	_ =	shalt  }
0x6a: {  	_ =	shalt  }
0x6b: {  	_ =	shalt  }
0x6c: {  	_ =	shalt  }
0x6d: {  	_ =	shalt  }
0x6e: {  	_ =	shalt  }
0x6f: {  	_ =	shalt  }
0x70: {  	_ =	shalt  }
0x71: {  	_ =	shalt  }
0x72: {  	_ =	shalt  }
0x73: {  	_ =	shalt  }
0x74: {  	_ =	shalt  }
0x75: {  	_ =	shalt  }
0x76: {  	_ =	shalt  }
0x77: {  	_ =	shalt  }
0x78: {  	_ =	shalt  }
0x79: {  	_ =	shalt  }
0x7a: {  	_ =	shalt  }
0x7b: {  	_ =	shalt  }
0x7c: {  	_ =	shalt  }
0x7d: {  	_ =	shalt  }
0x7e: {  	_ =	shalt  }
0x7f: {  	_ =	shalt  }
0x80: {  	_ =	shalt  }
0x81: {  	_ =	shalt  }
0x82: {  	_ =	shalt  }
0x83: {  	_ =	shalt  }
0x84: {  	_ =	shalt  }
0x85: {  	_ =	shalt  }
0x86: {  	_ =	shalt  }
0x87: {  	_ =	shalt  }
.Lfunc_end0:
.L_simem_size_0:
called_computation.3_lowered:
.L_overlay_start_0:
0x88: {  	s2 =	sld [smem:$0x3FD9]  }
0x89: {  	s3 =	sld [smem:$0x3FFE];
	_ =	sdelay $0x1  }
0x8a: {  	s1 =	srdreg.scid  }
0x8b: {  	s0 =	sand.u32 $0x1, s1  }
0x8c: {  	s17 =	sshll.u32 s0, $0xA;
	s2 =	sadd.s32 s3, s2  }
0x8d: {  	s2 =	sadd.s32 s2, s17  }
0x8e: {  	[smem:$0x3FC3] =	sst s2  }
0x8f: {  	_ = 	snop  }
0x90: {  	s2 =	sld [smem:$0x3FD0];
	(tm) =	ssettm $0x1  }
0x91: {  	s18 =	sld [smem:$0x3FFB];
	_ =	sdelay $0x3  }
0x92: {  	_ =	strace s18  }
0x93: {  	s3 =	sld [smem:$0x3FFC];
	_ =	sdelay $0x3  }
0x94: {  	_ =	strace s3  }
0x95: {  	s3 =	sld [smem:$0x3FFD];
	_ =	sdelay $0x3  }
0x96: {  	_ =	strace s3  }
0x97: {  	_ =	strace $0x8FFFFFFF  }
0x98: {  	s19 =	sld [smem:$0x3FDB];
	_ =	sdelay $0x1  }
0x99: {  	s4 =	simm.s32 $_scs_section_size  }
0x9a: {  	s5 =	simm.s32 $_size__tile_overlayer_lowered;
	s6 =	simm.s32 $_tile_overlayer_lowered  }
0x9b: {  	s22 =	simm.s32 $0x1BFF;
	s21 =	sshll.u32 s6, $0x1;
	s3 =	sadd.s32 s4, s19  }
0x9c: {  	s7 =	simm.s32 $0x0;
	s20 =	sshll.u32 s5, $0x1;
	s5 =	sadd.s32 s21, s3  }
0x9d: {  	[timem:s7], [sflag:s22] =	dma.local [hbm:s5], s20  }
0x9e: {  	_ =	swait.ge [sflag:s22], s20  }
0x9f: {  	s4 =	ssub.s32 $0x0, s20;
	[sflag:s22] =	ssyncset.done $0x0  }
0xa0: {  	[sflag:s22] =	ssyncadd.s32 s4;
	_ =	sdelay $0x1  }
0xa1: {  	s23 =	simm.s32 $0x1B8B  }
0xa2: {  	_ =	swait.ge [sflag:s23], $0x1  }
0xa3: {  	[sflag:s23] =	ssyncset.done $0x0  }
0xa4: {  	s25 =	simm.s32 $0x1B8E;
	s24 =	sld [smem:$0x3FFE];
	[sflag:s23] =	ssyncadd.s32 $0xFFFFFFFF  }
0xa5: {  	s26 =	simm.s32 $execute0_lowered;
	[smem:$0x3FD2] =	sst s25  }
0xa6: {  	s5 =	sshll.u32 s26, $0x1;
	_ =	strace $0x8000004F;
	[dreg:$0x1] =	wrdreg $0xFFFFFFFF  }
0xa7: {  	s28 =	simm.s32 $_size_execute0_lowered;
	s3 =	sadd.s32 s3, s5;
	[dreg:$0x0] =	wrdreg $0x0  }
0xa8: {  	s5 =	sshll.u32 s28, $0x1;
	[dreg:$0x2] =	wrdreg s3  }
0xa9: {  	[dreg:$0x3] =	wrdreg s5  }
0xaa: {  	[dreg:$0x4] =	wrdreg $0xC0  }
0xab: {  	_ =	task [dreg:s7], $0x5FFFF  }
0xac: {  	[dreg:$0x1] =	wrdreg $0xFFFFFFFF  }
0xad: {  	[dreg:$0x0] =	wrdreg $0x60  }
0xae: {  	[dreg:$0x2] =	wrdreg s24  }
0xaf: {  	[dreg:$0x3] =	wrdreg s2  }
0xb0: {  	[dreg:$0x4] =	wrdreg $0x9  }
0xb1: {  	_ =	task.clear_ibuf [dreg:s7], $0x5FFFF;
	_ =	strace $0x9000004F  }
0xb2: {  	s29 =	simm.s32 $0x9;
	_ =	strace $0x80000051  }
0xb3: {  	_ =	swait.ge [sflag:s29], $0x1  }
0xb4: {  	[sflag:s29] =	ssyncadd.s32 $0xFFFFFFFF  }
0xb5: {  	_ =	strace $0x90000051  }
0xb6: {  	_ =	sfence  }
0xb7: {  	s30 =	sld [smem:$0x0];
	_ =	sdelay $0x2  }
0xb8: {  	s31 =	sshll.u32 s1, $0xD;
	s1 =	sshrl.u32 s1, $0x2  }
0xb9: {  	s3 =	sand.u32 $0x4000, s31;
	s1 =	sadd.s32 s1, s30  }
0xba: {  	s0 =	sor.u32 s3, s0;
	s1 =	sshll.u32 s1, $0x11  }
0xbb: {  	s0 =	sor.u32 s1, s0  }
0xbc: {  	s0 =	sadd.s32 $0x8F2B, s0  }
0xbd: {  	[sflag:s0] =	ssyncadd.remote.s32 $0x1  }
0xbe: {  	_ =	sfence.sel $0xFFFF  }
0xbf: {  	[dreg:$0x0] =	wrdreg $0xFFFFFFFF;
	(pc) =	sbr.abs _section_cstart, $3  }
0xc0: {  	[dreg:$0x1] =	wrdreg $0xFFFFFFFF  }
0xc1: {  	_ =	task.clear_ibuf [dreg:s7], $0x2FFFF;
	_ =	strace $0x9FFFFFFF  }
0xc2: {  	(tm) =	ssettm $0x7FFFFFFF  }
0xc3: {  	_ =	shalt  }
tec
execute0_lowered:
.L_overlay_start_1:
0x0: {  	(tag) =	ssettag $0x1  }
0x1: {  	s0 =	rddreg [dreg:$0x0]  }
0x2: {  	s1 =	rddreg [dreg:$0x1];
	s2 =	simm.s32 $0x0  }
0x3: {  	s3 =	srdreg.scid;
	s6 =	stileid.u32;
	s19 =	simm.s32 $0x1  }
0x4: {  	s20 =	simm.s32 $0xC400;
	s21 =	simm.s32 $0xDC80;
	s22 =	simm.s32 $0xFC00  }
0x5: {  	s23 =	simm.s32 $0x11B80;
	s24 =	simm.s32 $0x13B00;
	s25 =	simm.s32 $0x0  }
0x6: {  	[smem:$0x7FF] =	sst s2;
	s4 =	sadd.s32 $0x7000, s0;
	s3 =	sand.u32 $0x1, s3  }
0x7: {  	s5 =	sadd.s32 $0x30E200, s0;
	s17 =	sand.u32 $0x3, s6;
	s7 =	smul.u32 $0xC3500, s3  }
0x8: {  	s8 =	sadd.s32 $0xCA600, s0;
	s9 =	sshrl.u32 s6, $0x2;
	s10 =	smul.u32 $0xC400, s17  }
0x9: {  	s6 =	sadd.s32 $0xD6A00, s0;
	s28 =	ssub.s32 $0x2, s3;
	s29 =	smul.u32 $0x30D40, s9  }
0xa: {  	_ =	strace $0x80000050;
	s11 =	smul.u32 $0x1880, s17;
	s30 =	sshrl.u32 s28, $0x1  }
0xb: {  	s17 =	smul.u32 $0x186A00, s17;
	s10 =	sshrl.u32 s10, $0x3;
	s0 =	ssub.s32 s28, s30  }
0xc: {  	s7 =	sadd.s32 s7, s29;
	s31 =	sadd.s32 s8, s10;
	s8 =	sadd.s32 s8, s11  }
0xd: {  	s18 =	smax.u32 s0, $0x1;
	s9 =	sadd.s32 $0x6200, s31;
	s10 =	sadd.s32 $0x6510, s31  }
0xe: {  	s11 =	sadd.s32 $0x6820, s31;
	s12 =	sadd.s32 $0x6B30, s31;
	s13 =	sadd.s32 $0x6E40, s31  }
0xf: {  	s14 =	sadd.s32 $0x7150, s31;
	s15 =	sadd.s32 $0x7460, s31;
	s16 =	sadd.s32 $0x7770, s31  }
.LBB2_1:
0x10: {  	[tilespmem:s2], [sflag:$0x1] =	stream.linear.gather [hbm4b:s8+s2], $0xC400, $0x38;
	[tilespmem:$0x15A80] =	vst v63  }
0x11: {  	_ =	swait.ge [sflag:s19], $0xC400  }
0x12: {  	[sflag:s19] =	ssyncset.done $0x0  }
0x13: {  	[sflag:s19] =	ssyncadd.s32 $0xFFFF3C00  }
0x14: {  	[tilespmem:s20], [sflag:$0x1] =	stream.linear.gather [hbm4b:s9+s2], $0x1880, $0x38;
	[tilespmem:$0x15A80] =	vst v63  }
0x15: {  	_ =	swait.ge [sflag:s19], $0x1880  }
0x16: {  	[sflag:s19] =	ssyncset.done $0x0  }
0x17: {  	s26 =	simm.s32 $0x40;
	[sflag:s19] =	ssyncadd.s32 $0xFFFFE780  }
0x18: {  	s28 =	simm.s32 $0xC440;
	v1 =	vld [tilespmem:s26+$0x30]  }
0x19: {  	v2 =	vld [tilespmem:s28+$0x30]  }
0x1a: {  	v0 =	vld [tilespmem:s28+$0xFFFFFFC0]  }
0x1b: {  	v3 =	vld [tilespmem:s26+$0xFFFFFFD0]  }
0x1c: {  	v4 =	vld [tilespmem:s28+$0xFFFFFFD0]  }
0x1d: {  	v5 =	vld [tilespmem:s26+$0xFFFFFFE0]  }
0x1e: {  	v6 =	vld [tilespmem:s28+$0xFFFFFFE0]  }
0x1f: {  	v7 =	vld [tilespmem:s26+$0xFFFFFFF0]  }
0x20: {  	v8 =	vld [tilespmem:s28+$0xFFFFFFF0]  }
0x21: {  	v9 =	vld [tilespmem:s26+$0x0]  }
0x22: {  	v10 =	vld [tilespmem:s28+$0x0]  }
0x23: {  	v2 =	vmax.f32 v1, v2;
	v1 =	vld [tilespmem:s26+$0x10]  }
0x24: {  	[tilespmem:s26+$0x30] =	vst v2;
	v2 =	vmax.f32 v3, v4;
	v3 =	vld [tilespmem:s28+$0x10]  }
0x25: {  	v4 =	vmax.f32 v5, v6;
	[tilespmem:s26+$0xFFFFFFD0] =	vst v2;
	v2 =	vld [tilespmem:s26+$0x20]  }
0x26: {  	v5 =	vmax.f32 v7, v8;
	[tilespmem:s26+$0xFFFFFFE0] =	vst v4;
	v4 =	vld [tilespmem:s28+$0x20]  }
0x27: {  	s0 =	simm.s32 $0x0;
	s3 =	simm.s32 $0xC0;
	v6 =	vmax.f32 v9, v10;
	[tilespmem:s26+$0xFFFFFFF0] =	vst v5;
	v5 =	vld [tilespmem:s26+$0xFFFFFFC0]  }
.LBB2_2:
0x28: {  	v7 =	vld [tilespmem:s3+$0x30];
	[tilespmem:s26+$0x0] =	vst v6;
	s28 =	sadd.s32 $0x80, s28  }
0x29: {  	s0 =	sadd.s32 $0x8, s0;
	v6 =	vld [tilespmem:s28+$0x30];
	v1 =	vmax.f32 v1, v3  }
0x2a: {  	p0 =	slt.u32 s0, $0x180;
	v3 =	vld [tilespmem:s28+$0xFFFFFFC0];
	[tilespmem:s26+$0x10] =	vst v1  }
0x2b: {  	v1 =	vld [tilespmem:s3+$0xFFFFFFD0];
	v2 =	vmax.f32 v2, v4  }
0x2c: {  	v4 =	vld [tilespmem:s28+$0xFFFFFFD0];
	v0 =	vmax.f32 v5, v0;
	[tilespmem:s26+$0x20] =	vst v2  }
0x2d: {  	v2 =	vld [tilespmem:s3+$0xFFFFFFE0];
	[tilespmem:s26+$0xFFFFFFC0] =	vst v0;
	s26 =	smov.u32 s3  }
0x2e: {  	v5 =	vld [tilespmem:s28+$0xFFFFFFE0];
	v7 =	vmax.f32 v7, v6  }
0x2f: {  	v6 =	vld [tilespmem:s3+$0xFFFFFFF0];
	[tilespmem:s3+$0x30] =	vst v7;
	v0 =	vmov v3  }
0x30: {  	v7 =	vld [tilespmem:s28+$0xFFFFFFF0]  }
0x31: {  	v1 =	vmax.f32 v1, v4;
	v8 =	vld [tilespmem:s3+$0x0]  }
0x32: {  	[tilespmem:s3+$0xFFFFFFD0] =	vst v1;
	v9 =	vld [tilespmem:s28+$0x0]  }
.Ltmp0:
0x33: {  	v2 =	vmax.f32 v2, v5;
	v1 =	vld [tilespmem:s3+$0x10];
	(pc) =	sbr.rel @p0 .LBB2_2-.Ltmp0, $4  }
0x34: {  	[tilespmem:s3+$0xFFFFFFE0] =	vst v2;
	v3 =	vld [tilespmem:s28+$0x10]  }
0x35: {  	v4 =	vmax.f32 v6, v7;
	v2 =	vld [tilespmem:s3+$0x20]  }
0x36: {  	[tilespmem:s3+$0xFFFFFFF0] =	vst v4;
	v4 =	vld [tilespmem:s28+$0x20]  }
0x37: {  	s3 =	sadd.s32 $0x80, s3;
	v5 =	vld [tilespmem:s26+$0xFFFFFFC0];
	v6 =	vmax.f32 v8, v9  }
0x38: {  	_ =	sdelay $0x1  }
0x39: {  	[tilespmem:s26+$0x0] =	vst v6;
	v1 =	vmax.f32 v1, v3  }
0x3a: {  	[tilespmem:s26+$0x10] =	vst v1;
	v1 =	vmax.f32 v2, v4  }
0x3b: {  	v0 =	vmax.f32 v5, v0;
	[tilespmem:s26+$0x20] =	vst v1  }
0x3c: {  	[tilespmem:s26+$0xFFFFFFC0] =	vst v0  }
0x3d: {  	[tilespmem:s20], [sflag:$0x1] =	stream.linear.gather [hbm4b:s10+s2], $0x1880, $0x38;
	[tilespmem:$0x15A80] =	vst v63  }
0x3e: {  	_ =	swait.ge [sflag:s19], $0x1880  }
0x3f: {  	[sflag:s19] =	ssyncset.done $0x0  }
0x40: {  	s26 =	simm.s32 $0x18F0;
	[sflag:s19] =	ssyncadd.s32 $0xFFFFE780  }
0x41: {  	s28 =	simm.s32 $0xC440;
	v1 =	vld [tilespmem:s26+$0x0]  }
0x42: {  	v2 =	vld [tilespmem:s28+$0x30]  }
0x43: {  	v0 =	vld [tilespmem:s28+$0xFFFFFFC0]  }
0x44: {  	v3 =	vld [tilespmem:s26+$0xFFFFFFA0]  }
0x45: {  	v4 =	vld [tilespmem:s28+$0xFFFFFFD0]  }
0x46: {  	v5 =	vld [tilespmem:s26+$0xFFFFFFB0]  }
0x47: {  	v6 =	vld [tilespmem:s28+$0xFFFFFFE0]  }
0x48: {  	v7 =	vld [tilespmem:s26+$0xFFFFFFC0]  }
0x49: {  	v8 =	vld [tilespmem:s28+$0xFFFFFFF0]  }
0x4a: {  	v9 =	vld [tilespmem:s26+$0xFFFFFFD0]  }
0x4b: {  	v10 =	vld [tilespmem:s28+$0x0]  }
0x4c: {  	v2 =	vmax.f32 v1, v2;
	v1 =	vld [tilespmem:s26+$0xFFFFFFE0]  }
0x4d: {  	[tilespmem:s26+$0x0] =	vst v2;
	v2 =	vmax.f32 v3, v4;
	v3 =	vld [tilespmem:s28+$0x10]  }
0x4e: {  	v4 =	vmax.f32 v5, v6;
	[tilespmem:s26+$0xFFFFFFA0] =	vst v2;
	v2 =	vld [tilespmem:s26+$0xFFFFFFF0]  }
0x4f: {  	v5 =	vmax.f32 v7, v8;
	[tilespmem:s26+$0xFFFFFFB0] =	vst v4;
	v4 =	vld [tilespmem:s28+$0x20]  }
0x50: {  	s0 =	simm.s32 $0x0;
	s3 =	simm.s32 $0x1970;
	v6 =	vmax.f32 v9, v10;
	[tilespmem:s26+$0xFFFFFFC0] =	vst v5;
	v5 =	vld [tilespmem:s26+$0xFFFFFF90]  }
.LBB2_4:
0x51: {  	v7 =	vld [tilespmem:s3+$0x0];
	[tilespmem:s26+$0xFFFFFFD0] =	vst v6;
	s28 =	sadd.s32 $0x80, s28  }
0x52: {  	s0 =	sadd.s32 $0x8, s0;
	v6 =	vld [tilespmem:s28+$0x30];
	v1 =	vmax.f32 v1, v3  }
0x53: {  	p0 =	slt.u32 s0, $0x180;
	v3 =	vld [tilespmem:s28+$0xFFFFFFC0];
	[tilespmem:s26+$0xFFFFFFE0] =	vst v1  }
0x54: {  	v1 =	vld [tilespmem:s3+$0xFFFFFFA0];
	v2 =	vmax.f32 v2, v4  }
0x55: {  	v4 =	vld [tilespmem:s28+$0xFFFFFFD0];
	v0 =	vmax.f32 v5, v0;
	[tilespmem:s26+$0xFFFFFFF0] =	vst v2  }
0x56: {  	v2 =	vld [tilespmem:s3+$0xFFFFFFB0];
	[tilespmem:s26+$0xFFFFFF90] =	vst v0;
	s26 =	smov.u32 s3  }
0x57: {  	v5 =	vld [tilespmem:s28+$0xFFFFFFE0];
	v7 =	vmax.f32 v7, v6  }
0x58: {  	v6 =	vld [tilespmem:s3+$0xFFFFFFC0];
	[tilespmem:s3+$0x0] =	vst v7;
	v0 =	vmov v3  }
0x59: {  	v7 =	vld [tilespmem:s28+$0xFFFFFFF0]  }
0x5a: {  	v1 =	vmax.f32 v1, v4;
	v8 =	vld [tilespmem:s3+$0xFFFFFFD0]  }
0x5b: {  	[tilespmem:s3+$0xFFFFFFA0] =	vst v1;
	v9 =	vld [tilespmem:s28+$0x0]  }
.Ltmp1:
0x5c: {  	v2 =	vmax.f32 v2, v5;
	v1 =	vld [tilespmem:s3+$0xFFFFFFE0];
	(pc) =	sbr.rel @p0 .LBB2_4-.Ltmp1, $4  }
0x5d: {  	[tilespmem:s3+$0xFFFFFFB0] =	vst v2;
	v3 =	vld [tilespmem:s28+$0x10]  }
0x5e: {  	v4 =	vmax.f32 v6, v7;
	v2 =	vld [tilespmem:s3+$0xFFFFFFF0]  }
0x5f: {  	[tilespmem:s3+$0xFFFFFFC0] =	vst v4;
	v4 =	vld [tilespmem:s28+$0x20]  }
0x60: {  	s3 =	sadd.s32 $0x80, s3;
	v5 =	vld [tilespmem:s26+$0xFFFFFF90];
	v6 =	vmax.f32 v8, v9  }
0x61: {  	_ =	sdelay $0x1  }
0x62: {  	[tilespmem:s26+$0xFFFFFFD0] =	vst v6;
	v1 =	vmax.f32 v1, v3  }
0x63: {  	[tilespmem:s26+$0xFFFFFFE0] =	vst v1;
	v1 =	vmax.f32 v2, v4  }
0x64: {  	v0 =	vmax.f32 v5, v0;
	[tilespmem:s26+$0xFFFFFFF0] =	vst v1  }
0x65: {  	[tilespmem:s26+$0xFFFFFF90] =	vst v0  }
0x66: {  	[tilespmem:s20], [sflag:$0x1] =	stream.linear.gather [hbm4b:s11+s2], $0x1880, $0x38;
	[tilespmem:$0x15A80] =	vst v63  }
0x67: {  	_ =	swait.ge [sflag:s19], $0x1880  }
0x68: {  	[sflag:s19] =	ssyncset.done $0x0  }
0x69: {  	s26 =	simm.s32 $0x3170;
	[sflag:s19] =	ssyncadd.s32 $0xFFFFE780  }
0x6a: {  	s28 =	simm.s32 $0xC440;
	v1 =	vld [tilespmem:s26+$0x0]  }
0x6b: {  	v2 =	vld [tilespmem:s28+$0x30]  }
0x6c: {  	v0 =	vld [tilespmem:s28+$0xFFFFFFC0]  }
0x6d: {  	v3 =	vld [tilespmem:s26+$0xFFFFFFA0]  }
0x6e: {  	v4 =	vld [tilespmem:s28+$0xFFFFFFD0]  }
0x6f: {  	v5 =	vld [tilespmem:s26+$0xFFFFFFB0]  }
0x70: {  	v6 =	vld [tilespmem:s28+$0xFFFFFFE0]  }
0x71: {  	v7 =	vld [tilespmem:s26+$0xFFFFFFC0]  }
0x72: {  	v8 =	vld [tilespmem:s28+$0xFFFFFFF0]  }
0x73: {  	v9 =	vld [tilespmem:s26+$0xFFFFFFD0]  }
0x74: {  	v10 =	vld [tilespmem:s28+$0x0]  }
0x75: {  	v2 =	vmax.f32 v1, v2;
	v1 =	vld [tilespmem:s26+$0xFFFFFFE0]  }
0x76: {  	[tilespmem:s26+$0x0] =	vst v2;
	v2 =	vmax.f32 v3, v4;
	v3 =	vld [tilespmem:s28+$0x10]  }
0x77: {  	v4 =	vmax.f32 v5, v6;
	[tilespmem:s26+$0xFFFFFFA0] =	vst v2;
	v2 =	vld [tilespmem:s26+$0xFFFFFFF0]  }
0x78: {  	v5 =	vmax.f32 v7, v8;
	[tilespmem:s26+$0xFFFFFFB0] =	vst v4;
	v4 =	vld [tilespmem:s28+$0x20]  }
0x79: {  	s0 =	simm.s32 $0x0;
	s3 =	simm.s32 $0x31F0;
	v6 =	vmax.f32 v9, v10;
	[tilespmem:s26+$0xFFFFFFC0] =	vst v5;
	v5 =	vld [tilespmem:s26+$0xFFFFFF90]  }
.LBB2_6:
0x7a: {  	v7 =	vld [tilespmem:s3+$0x0];
	[tilespmem:s26+$0xFFFFFFD0] =	vst v6;
	s28 =	sadd.s32 $0x80, s28  }
0x7b: {  	s0 =	sadd.s32 $0x8, s0;
	v6 =	vld [tilespmem:s28+$0x30];
	v1 =	vmax.f32 v1, v3  }
0x7c: {  	p0 =	slt.u32 s0, $0x180;
	v3 =	vld [tilespmem:s28+$0xFFFFFFC0];
	[tilespmem:s26+$0xFFFFFFE0] =	vst v1  }
0x7d: {  	v1 =	vld [tilespmem:s3+$0xFFFFFFA0];
	v2 =	vmax.f32 v2, v4  }
0x7e: {  	v4 =	vld [tilespmem:s28+$0xFFFFFFD0];
	v0 =	vmax.f32 v5, v0;
	[tilespmem:s26+$0xFFFFFFF0] =	vst v2  }
0x7f: {  	v2 =	vld [tilespmem:s3+$0xFFFFFFB0];
	[tilespmem:s26+$0xFFFFFF90] =	vst v0;
	s26 =	smov.u32 s3  }
0x80: {  	v5 =	vld [tilespmem:s28+$0xFFFFFFE0];
	v7 =	vmax.f32 v7, v6  }
0x81: {  	v6 =	vld [tilespmem:s3+$0xFFFFFFC0];
	[tilespmem:s3+$0x0] =	vst v7;
	v0 =	vmov v3  }
0x82: {  	v7 =	vld [tilespmem:s28+$0xFFFFFFF0]  }
0x83: {  	v1 =	vmax.f32 v1, v4;
	v8 =	vld [tilespmem:s3+$0xFFFFFFD0]  }
0x84: {  	[tilespmem:s3+$0xFFFFFFA0] =	vst v1;
	v9 =	vld [tilespmem:s28+$0x0]  }
.Ltmp2:
0x85: {  	v2 =	vmax.f32 v2, v5;
	v1 =	vld [tilespmem:s3+$0xFFFFFFE0];
	(pc) =	sbr.rel @p0 .LBB2_6-.Ltmp2, $4  }
0x86: {  	[tilespmem:s3+$0xFFFFFFB0] =	vst v2;
	v3 =	vld [tilespmem:s28+$0x10]  }
0x87: {  	v4 =	vmax.f32 v6, v7;
	v2 =	vld [tilespmem:s3+$0xFFFFFFF0]  }
0x88: {  	[tilespmem:s3+$0xFFFFFFC0] =	vst v4;
	v4 =	vld [tilespmem:s28+$0x20]  }
0x89: {  	s3 =	sadd.s32 $0x80, s3;
	v5 =	vld [tilespmem:s26+$0xFFFFFF90];
	v6 =	vmax.f32 v8, v9  }
0x8a: {  	_ =	sdelay $0x1  }
0x8b: {  	[tilespmem:s26+$0xFFFFFFD0] =	vst v6;
	v1 =	vmax.f32 v1, v3  }
0x8c: {  	[tilespmem:s26+$0xFFFFFFE0] =	vst v1;
	v1 =	vmax.f32 v2, v4  }
0x8d: {  	v0 =	vmax.f32 v5, v0;
	[tilespmem:s26+$0xFFFFFFF0] =	vst v1  }
0x8e: {  	s0 =	simm.s32 $0x0;
	[tilespmem:s26+$0xFFFFFF90] =	vst v0  }
0x8f: {  	[tilespmem:s20], [sflag:$0x1] =	stream.linear.gather [hbm4b:s12+s0], $0x1880, $0x38;
	[tilespmem:$0x15A80] =	vst v63  }
0x90: {  	_ =	swait.ge [sflag:s19], $0x1880  }
0x91: {  	[sflag:s19] =	ssyncset.done $0x0  }
0x92: {  	s26 =	simm.s32 $0x0;
	[sflag:s19] =	ssyncadd.s32 $0xFFFFE780  }
0x93: {  	v0 =	vld [tilespmem:s26+$0x49F0]  }
0x94: {  	v1 =	vld [tilespmem:s26+$0xC470]  }
0x95: {  	v2 =	vld [tilespmem:s26+$0x4980]  }
0x96: {  	v3 =	vld [tilespmem:s26+$0xC400]  }
0x97: {  	v4 =	vld [tilespmem:s26+$0x4990]  }
0x98: {  	v5 =	vld [tilespmem:s26+$0xC410]  }
0x99: {  	v6 =	vld [tilespmem:s26+$0x49A0]  }
0x9a: {  	v7 =	vld [tilespmem:s26+$0xC420]  }
0x9b: {  	v8 =	vld [tilespmem:s26+$0x49B0]  }
0x9c: {  	v9 =	vld [tilespmem:s26+$0xC430]  }
0x9d: {  	v1 =	vmax.f32 v0, v1;
	v0 =	vld [tilespmem:s26+$0x49C0]  }
0x9e: {  	[tilespmem:s26+$0x49F0] =	vst v1;
	v1 =	vmax.f32 v2, v3;
	v2 =	vld [tilespmem:s26+$0xC440]  }
0x9f: {  	v3 =	vmax.f32 v4, v5;
	v4 =	vld [tilespmem:s26+$0xC450];
	[tilespmem:s26+$0x4980] =	vst v1  }
0xa0: {  	v1 =	vld [tilespmem:s26+$0x49D0];
	[tilespmem:s26+$0x4990] =	vst v3;
	v3 =	vmax.f32 v6, v7  }
0xa1: {  	s3 =	simm.s32 $0x200;
	s0 =	simm.s32 $0x0;
	v5 =	vmax.f32 v8, v9;
	[tilespmem:s26+$0x49A0] =	vst v3;
	v3 =	vld [tilespmem:s26+$0x49E0]  }
.LBB2_8:
0xa2: {  	s28 =	sshra.s32 s3, $0x2;
	[tilespmem:s26+$0x49B0] =	vst v5;
	v5 =	vld [tilespmem:s26+$0xC460]  }
0xa3: {  	s0 =	sadd.s32 $0x8, s0;
	v6 =	vld [tilespmem:s28+$0x49F0];
	v0 =	vmax.f32 v0, v2  }
0xa4: {  	p0 =	slt.u32 s0, $0x180;
	v2 =	vld [tilespmem:s28+$0xC470];
	[tilespmem:s26+$0x49C0] =	vst v0  }
0xa5: {  	v0 =	vld [tilespmem:s28+$0x4980];
	v1 =	vmax.f32 v1, v4  }
0xa6: {  	v4 =	vld [tilespmem:s28+$0xC400];
	[tilespmem:s26+$0x49D0] =	vst v1  }
0xa7: {  	v1 =	vld [tilespmem:s28+$0x4990];
	v3 =	vmax.f32 v3, v5  }
0xa8: {  	v5 =	vld [tilespmem:s28+$0xC410];
	[tilespmem:s26+$0x49E0] =	vst v3;
	s26 =	smov.u32 s28  }
0xa9: {  	v3 =	vld [tilespmem:s26+$0x49A0];
	v2 =	vmax.f32 v6, v2  }
0xaa: {  	v6 =	vld [tilespmem:s26+$0xC420];
	[tilespmem:s26+$0x49F0] =	vst v2  }
0xab: {  	v0 =	vmax.f32 v0, v4;
	v7 =	vld [tilespmem:s26+$0x49B0]  }
0xac: {  	[tilespmem:s26+$0x4980] =	vst v0;
	v8 =	vld [tilespmem:s26+$0xC430]  }
.Ltmp3:
0xad: {  	v1 =	vmax.f32 v1, v5;
	v0 =	vld [tilespmem:s26+$0x49C0];
	(pc) =	sbr.rel @p0 .LBB2_8-.Ltmp3, $4  }
0xae: {  	[tilespmem:s26+$0x4990] =	vst v1;
	v2 =	vld [tilespmem:s26+$0xC440]  }
0xaf: {  	v3 =	vmax.f32 v3, v6;
	v1 =	vld [tilespmem:s26+$0x49D0]  }
0xb0: {  	[tilespmem:s26+$0x49A0] =	vst v3;
	v4 =	vld [tilespmem:s26+$0xC450]  }
0xb1: {  	s3 =	sadd.s32 $0x200, s3;
	v5 =	vmax.f32 v7, v8;
	v3 =	vld [tilespmem:s26+$0x49E0]  }
0xb2: {  	v6 =	vld [tilespmem:s26+$0xC460];
	_ =	sdelay $0x2  }
0xb3: {  	[tilespmem:s26+$0x49B0] =	vst v5;
	v0 =	vmax.f32 v0, v2  }
0xb4: {  	[tilespmem:s26+$0x49C0] =	vst v0;
	v0 =	vmax.f32 v1, v4  }
0xb5: {  	[tilespmem:s26+$0x49D0] =	vst v0;
	v0 =	vmax.f32 v3, v6  }
0xb6: {  	s0 =	simm.s32 $0x0;
	[tilespmem:s26+$0x49E0] =	vst v0  }
0xb7: {  	[tilespmem:s20], [sflag:$0x1] =	stream.linear.gather [hbm4b:s13+s0], $0x1880, $0x38;
	[tilespmem:$0x15A80] =	vst v63  }
0xb8: {  	_ =	swait.ge [sflag:s19], $0x1880  }
0xb9: {  	[sflag:s19] =	ssyncset.done $0x0  }
0xba: {  	s26 =	simm.s32 $0x0;
	[sflag:s19] =	ssyncadd.s32 $0xFFFFE780  }
0xbb: {  	v0 =	vld [tilespmem:s26+$0x6270]  }
0xbc: {  	v1 =	vld [tilespmem:s26+$0xC470]  }
0xbd: {  	v2 =	vld [tilespmem:s26+$0x6200]  }
0xbe: {  	v3 =	vld [tilespmem:s26+$0xC400]  }
0xbf: {  	v4 =	vld [tilespmem:s26+$0x6210]  }
0xc0: {  	v5 =	vld [tilespmem:s26+$0xC410]  }
0xc1: {  	v6 =	vld [tilespmem:s26+$0x6220]  }
0xc2: {  	v7 =	vld [tilespmem:s26+$0xC420]  }
0xc3: {  	v8 =	vld [tilespmem:s26+$0x6230]  }
0xc4: {  	v9 =	vld [tilespmem:s26+$0xC430]  }
0xc5: {  	v1 =	vmax.f32 v0, v1;
	v0 =	vld [tilespmem:s26+$0x6240]  }
0xc6: {  	[tilespmem:s26+$0x6270] =	vst v1;
	v1 =	vmax.f32 v2, v3;
	v2 =	vld [tilespmem:s26+$0xC440]  }
0xc7: {  	v3 =	vmax.f32 v4, v5;
	v4 =	vld [tilespmem:s26+$0xC450];
	[tilespmem:s26+$0x6200] =	vst v1  }
0xc8: {  	v1 =	vld [tilespmem:s26+$0x6250];
	[tilespmem:s26+$0x6210] =	vst v3;
	v3 =	vmax.f32 v6, v7  }
0xc9: {  	s3 =	simm.s32 $0x200;
	s0 =	simm.s32 $0x0;
	v5 =	vmax.f32 v8, v9;
	[tilespmem:s26+$0x6220] =	vst v3;
	v3 =	vld [tilespmem:s26+$0x6260]  }
.LBB2_10:
0xca: {  	s28 =	sshra.s32 s3, $0x2;
	[tilespmem:s26+$0x6230] =	vst v5;
	v5 =	vld [tilespmem:s26+$0xC460]  }
0xcb: {  	s0 =	sadd.s32 $0x8, s0;
	v6 =	vld [tilespmem:s28+$0x6270];
	v0 =	vmax.f32 v0, v2  }
0xcc: {  	p0 =	slt.u32 s0, $0x180;
	v2 =	vld [tilespmem:s28+$0xC470];
	[tilespmem:s26+$0x6240] =	vst v0  }
0xcd: {  	v0 =	vld [tilespmem:s28+$0x6200];
	v1 =	vmax.f32 v1, v4  }
0xce: {  	v4 =	vld [tilespmem:s28+$0xC400];
	[tilespmem:s26+$0x6250] =	vst v1  }
0xcf: {  	v1 =	vld [tilespmem:s28+$0x6210];
	v3 =	vmax.f32 v3, v5  }
0xd0: {  	v5 =	vld [tilespmem:s28+$0xC410];
	[tilespmem:s26+$0x6260] =	vst v3;
	s26 =	smov.u32 s28  }
0xd1: {  	v3 =	vld [tilespmem:s26+$0x6220];
	v2 =	vmax.f32 v6, v2  }
0xd2: {  	v6 =	vld [tilespmem:s26+$0xC420];
	[tilespmem:s26+$0x6270] =	vst v2  }
0xd3: {  	v0 =	vmax.f32 v0, v4;
	v7 =	vld [tilespmem:s26+$0x6230]  }
0xd4: {  	[tilespmem:s26+$0x6200] =	vst v0;
	v8 =	vld [tilespmem:s26+$0xC430]  }
.Ltmp4:
0xd5: {  	v1 =	vmax.f32 v1, v5;
	v0 =	vld [tilespmem:s26+$0x6240];
	(pc) =	sbr.rel @p0 .LBB2_10-.Ltmp4, $4  }
0xd6: {  	[tilespmem:s26+$0x6210] =	vst v1;
	v2 =	vld [tilespmem:s26+$0xC440]  }
0xd7: {  	v3 =	vmax.f32 v3, v6;
	v1 =	vld [tilespmem:s26+$0x6250]  }
0xd8: {  	[tilespmem:s26+$0x6220] =	vst v3;
	v4 =	vld [tilespmem:s26+$0xC450]  }
0xd9: {  	s3 =	sadd.s32 $0x200, s3;
	v5 =	vmax.f32 v7, v8;
	v3 =	vld [tilespmem:s26+$0x6260]  }
0xda: {  	v6 =	vld [tilespmem:s26+$0xC460];
	_ =	sdelay $0x2  }
0xdb: {  	[tilespmem:s26+$0x6230] =	vst v5;
	v0 =	vmax.f32 v0, v2  }
0xdc: {  	[tilespmem:s26+$0x6240] =	vst v0;
	v0 =	vmax.f32 v1, v4  }
0xdd: {  	[tilespmem:s26+$0x6250] =	vst v0;
	v0 =	vmax.f32 v3, v6  }
0xde: {  	s0 =	simm.s32 $0x0;
	[tilespmem:s26+$0x6260] =	vst v0  }
0xdf: {  	[tilespmem:s20], [sflag:$0x1] =	stream.linear.gather [hbm4b:s14+s0], $0x1880, $0x38;
	[tilespmem:$0x15A80] =	vst v63  }
0xe0: {  	_ =	swait.ge [sflag:s19], $0x1880  }
0xe1: {  	[sflag:s19] =	ssyncset.done $0x0  }
0xe2: {  	s26 =	simm.s32 $0x0;
	[sflag:s19] =	ssyncadd.s32 $0xFFFFE780  }
0xe3: {  	v0 =	vld [tilespmem:s26+$0x7AF0]  }
0xe4: {  	v1 =	vld [tilespmem:s26+$0xC470]  }
0xe5: {  	v2 =	vld [tilespmem:s26+$0x7A80]  }
0xe6: {  	v3 =	vld [tilespmem:s26+$0xC400]  }
0xe7: {  	v4 =	vld [tilespmem:s26+$0x7A90]  }
0xe8: {  	v5 =	vld [tilespmem:s26+$0xC410]  }
0xe9: {  	v6 =	vld [tilespmem:s26+$0x7AA0]  }
0xea: {  	v7 =	vld [tilespmem:s26+$0xC420]  }
0xeb: {  	v8 =	vld [tilespmem:s26+$0x7AB0]  }
0xec: {  	v9 =	vld [tilespmem:s26+$0xC430]  }
0xed: {  	v1 =	vmax.f32 v0, v1;
	v0 =	vld [tilespmem:s26+$0x7AC0]  }
0xee: {  	[tilespmem:s26+$0x7AF0] =	vst v1;
	v1 =	vmax.f32 v2, v3;
	v2 =	vld [tilespmem:s26+$0xC440]  }
0xef: {  	v3 =	vmax.f32 v4, v5;
	v4 =	vld [tilespmem:s26+$0xC450];
	[tilespmem:s26+$0x7A80] =	vst v1  }
0xf0: {  	v1 =	vld [tilespmem:s26+$0x7AD0];
	[tilespmem:s26+$0x7A90] =	vst v3;
	v3 =	vmax.f32 v6, v7  }
0xf1: {  	s3 =	simm.s32 $0x200;
	s0 =	simm.s32 $0x0;
	v5 =	vmax.f32 v8, v9;
	[tilespmem:s26+$0x7AA0] =	vst v3;
	v3 =	vld [tilespmem:s26+$0x7AE0]  }
.LBB2_12:
0xf2: {  	s28 =	sshra.s32 s3, $0x2;
	[tilespmem:s26+$0x7AB0] =	vst v5;
	v5 =	vld [tilespmem:s26+$0xC460]  }
0xf3: {  	s0 =	sadd.s32 $0x8, s0;
	v6 =	vld [tilespmem:s28+$0x7AF0];
	v0 =	vmax.f32 v0, v2  }
0xf4: {  	p0 =	slt.u32 s0, $0x180;
	v2 =	vld [tilespmem:s28+$0xC470];
	[tilespmem:s26+$0x7AC0] =	vst v0  }
0xf5: {  	v0 =	vld [tilespmem:s28+$0x7A80];
	v1 =	vmax.f32 v1, v4  }
0xf6: {  	v4 =	vld [tilespmem:s28+$0xC400];
	[tilespmem:s26+$0x7AD0] =	vst v1  }
0xf7: {  	v1 =	vld [tilespmem:s28+$0x7A90];
	v3 =	vmax.f32 v3, v5  }
0xf8: {  	v5 =	vld [tilespmem:s28+$0xC410];
	[tilespmem:s26+$0x7AE0] =	vst v3;
	s26 =	smov.u32 s28  }
0xf9: {  	v3 =	vld [tilespmem:s26+$0x7AA0];
	v2 =	vmax.f32 v6, v2  }
0xfa: {  	v6 =	vld [tilespmem:s26+$0xC420];
	[tilespmem:s26+$0x7AF0] =	vst v2  }
0xfb: {  	v0 =	vmax.f32 v0, v4;
	v7 =	vld [tilespmem:s26+$0x7AB0]  }
0xfc: {  	[tilespmem:s26+$0x7A80] =	vst v0;
	v8 =	vld [tilespmem:s26+$0xC430]  }
.Ltmp5:
0xfd: {  	v1 =	vmax.f32 v1, v5;
	v0 =	vld [tilespmem:s26+$0x7AC0];
	(pc) =	sbr.rel @p0 .LBB2_12-.Ltmp5, $4  }
0xfe: {  	[tilespmem:s26+$0x7A90] =	vst v1;
	v2 =	vld [tilespmem:s26+$0xC440]  }
0xff: {  	v3 =	vmax.f32 v3, v6;
	v1 =	vld [tilespmem:s26+$0x7AD0]  }
0x100: {  	[tilespmem:s26+$0x7AA0] =	vst v3;
	v4 =	vld [tilespmem:s26+$0xC450]  }
0x101: {  	s3 =	sadd.s32 $0x200, s3;
	v5 =	vmax.f32 v7, v8;
	v3 =	vld [tilespmem:s26+$0x7AE0]  }
0x102: {  	v6 =	vld [tilespmem:s26+$0xC460];
	_ =	sdelay $0x2  }
0x103: {  	[tilespmem:s26+$0x7AB0] =	vst v5;
	v0 =	vmax.f32 v0, v2  }
0x104: {  	[tilespmem:s26+$0x7AC0] =	vst v0;
	v0 =	vmax.f32 v1, v4  }
0x105: {  	[tilespmem:s26+$0x7AD0] =	vst v0;
	v0 =	vmax.f32 v3, v6  }
0x106: {  	s0 =	simm.s32 $0x0;
	[tilespmem:s26+$0x7AE0] =	vst v0  }
0x107: {  	[tilespmem:s20], [sflag:$0x1] =	stream.linear.gather [hbm4b:s15+s0], $0x1880, $0x38;
	[tilespmem:$0x15A80] =	vst v63  }
0x108: {  	_ =	swait.ge [sflag:s19], $0x1880  }
0x109: {  	[sflag:s19] =	ssyncset.done $0x0  }
0x10a: {  	s26 =	simm.s32 $0x0;
	[sflag:s19] =	ssyncadd.s32 $0xFFFFE780  }
0x10b: {  	v0 =	vld [tilespmem:s26+$0x9370]  }
0x10c: {  	v1 =	vld [tilespmem:s26+$0xC470]  }
0x10d: {  	v2 =	vld [tilespmem:s26+$0x9300]  }
0x10e: {  	v3 =	vld [tilespmem:s26+$0xC400]  }
0x10f: {  	v4 =	vld [tilespmem:s26+$0x9310]  }
0x110: {  	v5 =	vld [tilespmem:s26+$0xC410]  }
0x111: {  	v6 =	vld [tilespmem:s26+$0x9320]  }
0x112: {  	v7 =	vld [tilespmem:s26+$0xC420]  }
0x113: {  	v8 =	vld [tilespmem:s26+$0x9330]  }
0x114: {  	v9 =	vld [tilespmem:s26+$0xC430]  }
0x115: {  	v1 =	vmax.f32 v0, v1;
	v0 =	vld [tilespmem:s26+$0x9340]  }
0x116: {  	[tilespmem:s26+$0x9370] =	vst v1;
	v1 =	vmax.f32 v2, v3;
	v2 =	vld [tilespmem:s26+$0xC440]  }
0x117: {  	v3 =	vmax.f32 v4, v5;
	v4 =	vld [tilespmem:s26+$0xC450];
	[tilespmem:s26+$0x9300] =	vst v1  }
0x118: {  	v1 =	vld [tilespmem:s26+$0x9350];
	[tilespmem:s26+$0x9310] =	vst v3;
	v3 =	vmax.f32 v6, v7  }
0x119: {  	s3 =	simm.s32 $0x200;
	s0 =	simm.s32 $0x0;
	v5 =	vmax.f32 v8, v9;
	[tilespmem:s26+$0x9320] =	vst v3;
	v3 =	vld [tilespmem:s26+$0x9360]  }
.LBB2_14:
0x11a: {  	s28 =	sshra.s32 s3, $0x2;
	[tilespmem:s26+$0x9330] =	vst v5;
	v5 =	vld [tilespmem:s26+$0xC460]  }
0x11b: {  	s0 =	sadd.s32 $0x8, s0;
	v6 =	vld [tilespmem:s28+$0x9370];
	v0 =	vmax.f32 v0, v2  }
0x11c: {  	p0 =	slt.u32 s0, $0x180;
	v2 =	vld [tilespmem:s28+$0xC470];
	[tilespmem:s26+$0x9340] =	vst v0  }
0x11d: {  	v0 =	vld [tilespmem:s28+$0x9300];
	v1 =	vmax.f32 v1, v4  }
0x11e: {  	v4 =	vld [tilespmem:s28+$0xC400];
	[tilespmem:s26+$0x9350] =	vst v1  }
0x11f: {  	v1 =	vld [tilespmem:s28+$0x9310];
	v3 =	vmax.f32 v3, v5  }
0x120: {  	v5 =	vld [tilespmem:s28+$0xC410];
	[tilespmem:s26+$0x9360] =	vst v3;
	s26 =	smov.u32 s28  }
0x121: {  	v3 =	vld [tilespmem:s26+$0x9320];
	v2 =	vmax.f32 v6, v2  }
0x122: {  	v6 =	vld [tilespmem:s26+$0xC420];
	[tilespmem:s26+$0x9370] =	vst v2  }
0x123: {  	v0 =	vmax.f32 v0, v4;
	v7 =	vld [tilespmem:s26+$0x9330]  }
0x124: {  	[tilespmem:s26+$0x9300] =	vst v0;
	v8 =	vld [tilespmem:s26+$0xC430]  }
.Ltmp6:
0x125: {  	v1 =	vmax.f32 v1, v5;
	v0 =	vld [tilespmem:s26+$0x9340];
	(pc) =	sbr.rel @p0 .LBB2_14-.Ltmp6, $4  }
0x126: {  	[tilespmem:s26+$0x9310] =	vst v1;
	v2 =	vld [tilespmem:s26+$0xC440]  }
0x127: {  	v3 =	vmax.f32 v3, v6;
	v1 =	vld [tilespmem:s26+$0x9350]  }
0x128: {  	[tilespmem:s26+$0x9320] =	vst v3;
	v4 =	vld [tilespmem:s26+$0xC450]  }
0x129: {  	s3 =	sadd.s32 $0x200, s3;
	v5 =	vmax.f32 v7, v8;
	v3 =	vld [tilespmem:s26+$0x9360]  }
0x12a: {  	v6 =	vld [tilespmem:s26+$0xC460];
	_ =	sdelay $0x2  }
0x12b: {  	[tilespmem:s26+$0x9330] =	vst v5;
	v0 =	vmax.f32 v0, v2  }
0x12c: {  	[tilespmem:s26+$0x9340] =	vst v0;
	v0 =	vmax.f32 v1, v4  }
0x12d: {  	[tilespmem:s26+$0x9350] =	vst v0;
	v0 =	vmax.f32 v3, v6  }
0x12e: {  	[tilespmem:s26+$0x9360] =	vst v0;
	s26 =	simm.s32 $0x0  }
0x12f: {  	[tilespmem:s20], [sflag:$0x1] =	stream.linear.gather [hbm4b:s16+s26], $0x1880, $0x38;
	[tilespmem:$0x15A80] =	vst v63  }
0x130: {  	_ =	swait.ge [sflag:s19], $0x1880  }
0x131: {  	[sflag:s19] =	ssyncset.done $0x0  }
0x132: {  	s28 =	simm.s32 $0x0;
	[sflag:s19] =	ssyncadd.s32 $0xFFFFE780  }
0x133: {  	v0 =	vld [tilespmem:s28+$0xABF0]  }
0x134: {  	v1 =	vld [tilespmem:s28+$0xC470]  }
0x135: {  	v2 =	vld [tilespmem:s28+$0xAB80]  }
0x136: {  	v3 =	vld [tilespmem:s28+$0xC400]  }
0x137: {  	v4 =	vld [tilespmem:s28+$0xAB90]  }
0x138: {  	v5 =	vld [tilespmem:s28+$0xC410]  }
0x139: {  	v6 =	vld [tilespmem:s28+$0xABA0]  }
0x13a: {  	v7 =	vld [tilespmem:s28+$0xC420]  }
0x13b: {  	v8 =	vld [tilespmem:s28+$0xABB0]  }
0x13c: {  	v9 =	vld [tilespmem:s28+$0xC430]  }
0x13d: {  	v1 =	vmax.f32 v0, v1;
	v0 =	vld [tilespmem:s28+$0xABC0]  }
0x13e: {  	[tilespmem:s28+$0xABF0] =	vst v1;
	v1 =	vmax.f32 v2, v3;
	v2 =	vld [tilespmem:s28+$0xC440]  }
0x13f: {  	v3 =	vmax.f32 v4, v5;
	v4 =	vld [tilespmem:s28+$0xC450];
	[tilespmem:s28+$0xAB80] =	vst v1  }
0x140: {  	v1 =	vld [tilespmem:s28+$0xABD0];
	[tilespmem:s28+$0xAB90] =	vst v3;
	v3 =	vmax.f32 v6, v7  }
0x141: {  	s0 =	simm.s32 $0x0;
	s3 =	simm.s32 $0x200;
	v5 =	vmax.f32 v8, v9;
	[tilespmem:s28+$0xABA0] =	vst v3;
	v3 =	vld [tilespmem:s28+$0xABE0]  }
.LBB2_16:
0x142: {  	s29 =	sshra.s32 s3, $0x2;
	[tilespmem:s28+$0xABB0] =	vst v5;
	v5 =	vld [tilespmem:s28+$0xC460]  }
0x143: {  	s0 =	sadd.s32 $0x8, s0;
	v6 =	vld [tilespmem:s29+$0xABF0];
	v0 =	vmax.f32 v0, v2  }
0x144: {  	p0 =	slt.u32 s0, $0x180;
	v2 =	vld [tilespmem:s29+$0xC470];
	[tilespmem:s28+$0xABC0] =	vst v0  }
0x145: {  	v0 =	vld [tilespmem:s29+$0xAB80];
	v1 =	vmax.f32 v1, v4  }
0x146: {  	v4 =	vld [tilespmem:s29+$0xC400];
	[tilespmem:s28+$0xABD0] =	vst v1  }
0x147: {  	v1 =	vld [tilespmem:s29+$0xAB90];
	v3 =	vmax.f32 v3, v5  }
0x148: {  	v5 =	vld [tilespmem:s29+$0xC410];
	[tilespmem:s28+$0xABE0] =	vst v3;
	s28 =	smov.u32 s29  }
0x149: {  	v3 =	vld [tilespmem:s28+$0xABA0];
	v2 =	vmax.f32 v6, v2  }
0x14a: {  	v6 =	vld [tilespmem:s28+$0xC420];
	[tilespmem:s28+$0xABF0] =	vst v2  }
0x14b: {  	v0 =	vmax.f32 v0, v4;
	v7 =	vld [tilespmem:s28+$0xABB0]  }
0x14c: {  	[tilespmem:s28+$0xAB80] =	vst v0;
	v8 =	vld [tilespmem:s28+$0xC430]  }
.Ltmp7:
0x14d: {  	v1 =	vmax.f32 v1, v5;
	v0 =	vld [tilespmem:s28+$0xABC0];
	(pc) =	sbr.rel @p0 .LBB2_16-.Ltmp7, $4  }
0x14e: {  	[tilespmem:s28+$0xAB90] =	vst v1;
	v2 =	vld [tilespmem:s28+$0xC440]  }
0x14f: {  	v3 =	vmax.f32 v3, v6;
	v1 =	vld [tilespmem:s28+$0xABD0]  }
0x150: {  	[tilespmem:s28+$0xABA0] =	vst v3;
	v4 =	vld [tilespmem:s28+$0xC450]  }
0x151: {  	s3 =	sadd.s32 $0x200, s3;
	v5 =	vmax.f32 v7, v8;
	v3 =	vld [tilespmem:s28+$0xABE0]  }
0x152: {  	v6 =	vld [tilespmem:s28+$0xC460];
	_ =	sdelay $0x2  }
0x153: {  	[tilespmem:s28+$0xABB0] =	vst v5;
	v0 =	vmax.f32 v0, v2  }
0x154: {  	[tilespmem:s28+$0xABC0] =	vst v0;
	v62 =	vmax.f32 v1, v4  }
0x155: {  	[tilespmem:s28+$0xABD0] =	vst v62;
	v63 =	vmax.f32 v3, v6  }
0x156: {  	[tilespmem:s28+$0xABE0] =	vst v63  }
.LBB2_18:
0x157: {  	s0 =	smul.u32 $0x1F40, s26;
	_ =	sdelay $0x1  }
0x158: {  	s0 =	sadd.s32 s0, s7  }
0x159: {  	s3 =	sshrl.u32 s0, $0x3  }
0x15a: {  	s3 =	sadd.s32 s5, s3  }
0x15b: {  	[tilespmem:s21], [sflag:$0x1] =	stream.linear.gather [hbm4b:s3+s2], $0x1F40, $0x38;
	[tilespmem:$0x15A80] =	vst v63  }
0x15c: {  	s0 =	sadd.s32 s17, s0;
	_ =	swait.ge [sflag:s19], $0x1F40  }
0x15d: {  	s28 =	sshrl.u32 s0, $0x3;
	[sflag:s19] =	ssyncset.done $0x0  }
0x15e: {  	s0 =	sadd.s32 s4, s28;
	[sflag:s19] =	ssyncadd.s32 $0xFFFFE0C0  }
0x15f: {  	[tilespmem:s22], [sflag:$0x1] =	stream.linear.gather [hbm4b:s0+s2], $0x1F40, $0x38;
	[tilespmem:$0x15A80] =	vst v63  }
0x160: {  	_ =	swait.ge [sflag:s19], $0x1F40  }
0x161: {  	[sflag:s19] =	ssyncset.done $0x0  }
0x162: {  	s3 =	sadd.s32 s6, s28;
	[sflag:s19] =	ssyncadd.s32 $0xFFFFE0C0  }
0x163: {  	[tilespmem:s23], [sflag:$0x1] =	stream.linear.gather [hbm4b:s3+s2], $0x1F40, $0x38;
	[tilespmem:$0x15A80] =	vst v63  }
0x164: {  	_ =	swait.ge [sflag:s19], $0x1F40  }
0x165: {  	[sflag:s19] =	ssyncset.done $0x0  }
0x166: {  	s3 =	simm.s32 $0xDCA0;
	[sflag:s19] =	ssyncadd.s32 $0xFFFFE0C0  }
0x167: {  	v0 =	vld [tilespmem:s3+$0x10];
	_ =	sdelay $0x1  }
0x168: {  	v1 =	vld [tilespmem:s3+$0xFFFFFFE0];
	_ =	sdelay $0x2  }
0x169: {  	v2 =	vld [tilespmem:s3+$0xFFFFFFF0]  }
0x16a: {  	s0 =	simm.s32 $0xFC20;
	v3 =	vld [tilespmem:s3+$0x0]  }
0x16b: {  	v4 =	vld [tilespmem:s0+$0x10]  }
0x16c: {  	v0 =	vld.idx.msk [tilespmem:v0+s2+$0x0], $0xffff  }
0x16d: {  	v5 =	vld [tilespmem:s0+$0xFFFFFFE0]  }
0x16e: {  	v1 =	vld.idx.msk [tilespmem:v1+s2+$0x0], $0xffff;
	_ =	sdelay $0x1  }
0x16f: {  	s3 =	simm.s32 $0xDCE0;
	v8 =	vld [tilespmem:s0+$0x0]  }
0x170: {  	v6 =	vld [tilespmem:s3+$0xFFFFFFF0];
	v0 =	vsub.f32 v4, v0  }
0x171: {  	v2 =	vld.idx.msk [tilespmem:v2+s2+$0x0], $0xffff  }
0x172: {  	v4 =	vld [tilespmem:s3+$0x10];
	v1 =	vsub.f32 v5, v1;
	v0 =	vmul.f32 $1.442695020e+00, v0  }
0x173: {  	v3 =	vld.idx.msk [tilespmem:v3+s2+$0x0], $0xffff  }
0x174: {  	(erf) = vpow2.f32 v0;
	v0 =	vmul.f32 $1.442695020e+00, v1;
	v1 =	vld [tilespmem:s0+$0xFFFFFFF0]  }
0x175: {  	v5 =	vld [tilespmem:s3+$0xFFFFFFE0];
	_ =	sdelay $0x3  }
0x176: {  	v7 =	vld [tilespmem:s3+$0x0];
	v1 =	vsub.f32 v1, v2  }
0x177: {  	v10 =	vld.idx.msk [tilespmem:v4+s2+$0x0], $0xffff;
	v4 =	vsub.f32 v8, v3  }
0x178: {  	v1 =	vmul.f32 $1.442695020e+00, v1  }
0x179: {  	(erf) = vpow2.f32 v0;
	v0 =	vld.idx.msk [tilespmem:v6+s2+$0x0], $0xffff;
	v6 =	vmul.f32 $1.442695020e+00, v4  }
0x17a: {  	s29 =	simm.s32 $0x11BA0;
	v3 =	vld.idx.msk [tilespmem:v5+s2+$0x0], $0xffff;
	v5 =	vpop (erf);
	(erf) = vpow2.f32 v1  }
0x17b: {  	s31 =	simm.s32 $0xFC60;
	v9 =	vld [tilespmem:s29+$0x10];
	(erf) = vpow2.f32 v6  }
0x17c: {  	v11 =	vld [tilespmem:s31+$0x10];
	_ =	sdelay $0x2  }
0x17d: {  	v2 =	vld.idx.msk [tilespmem:v7+s2+$0x0], $0xffff  }
0x17e: {  	v4 =	vld [tilespmem:s31+$0xFFFFFFE0];
	v8 =	vmul.f32 v5, v9  }
0x17f: {  	s30 =	simm.s32 $0x13B20;
	v7 =	vsub.f32 v11, v10;
	v5 =	vld [tilespmem:s31+$0xFFFFFFF0]  }
0x180: {  	s3 =	simm.s32 $0xDD20;
	s0 =	simm.s32 $0x4;
	v6 =	vld [tilespmem:s31+$0x0];
	v1 =	vpop (erf);
	[tilespmem:s30+$0x10] =	vst v8  }
.LBB2_19:
0x181: {  	v8 =	vld [tilespmem:s3+$0x10];
	s0 =	sadd.s32 $0x4, s0;
	v7 =	vmul.f32 $1.442695020e+00, v7;
	v9 =	vpop (erf)  }
0x182: {  	v10 =	vld [tilespmem:s3+$0xFFFFFFF0];
	p0 =	slt.u32 s0, $0x1F0;
	v11 =	vpop (erf)  }
0x183: {  	v12 =	vld [tilespmem:s3+$0x0];
	v3 =	vsub.f32 v4, v3;
	(erf) = vpow2.f32 v7  }
0x184: {  	v4 =	vld [tilespmem:s3+$0xFFFFFFE0];
	v0 =	vsub.f32 v5, v0  }
0x185: {  	v3 =	vmul.f32 $1.442695020e+00, v3;
	v2 =	vsub.f32 v6, v2;
	v5 =	vld [tilespmem:s29+$0xFFFFFFE0]  }
0x186: {  	v0 =	vmul.f32 $1.442695020e+00, v0;
	v6 =	vld [tilespmem:s29+$0xFFFFFFF0]  }
0x187: {  	v2 =	vmul.f32 $1.442695020e+00, v2;
	(erf) = vpow2.f32 v3;
	v7 =	vld [tilespmem:s29+$0x0];
	s29 =	sadd.s32 $0x40, s29  }
0x188: {  	v13 =	vld [tilespmem:s29+$0x10];
	(erf) = vpow2.f32 v0  }
0x189: {  	s31 =	sadd.s32 $0x40, s31;
	v8 =	vld.idx.msk [tilespmem:v8+s2+$0x0], $0xffff;
	(erf) = vpow2.f32 v2  }
0x18a: {  	v14 =	vld [tilespmem:s31+$0x10];
	v1 =	vmul.f32 v1, v5  }
0x18b: {  	v0 =	vld.idx.msk [tilespmem:v10+s2+$0x0], $0xffff;
	v5 =	vmul.f32 v9, v6  }
.Ltmp8:
0x18c: {  	v3 =	vld.idx.msk [tilespmem:v4+s2+$0x0], $0xffff;
	v4 =	vpop (erf);
	[tilespmem:s30+$0xFFFFFFE0] =	vst v1;
	v1 =	vmul.f32 v11, v7;
	(pc) =	sbr.rel @p0 .LBB2_19-.Ltmp8, $4  }
0x18d: {  	v2 =	vld.idx.msk [tilespmem:v12+s2+$0x0], $0xffff;
	v6 =	vmul.f32 v4, v13;
	[tilespmem:s30+$0xFFFFFFF0] =	vst v5  }
0x18e: {  	v4 =	vld [tilespmem:s31+$0xFFFFFFE0];
	[tilespmem:s30+$0x0] =	vst v1;
	s30 =	sadd.s32 $0x40, s30  }
0x18f: {  	v5 =	vld [tilespmem:s31+$0xFFFFFFF0];
	v7 =	vsub.f32 v14, v8;
	[tilespmem:s30+$0x10] =	vst v6  }
0x190: {  	s3 =	sadd.s32 $0x40, s3;
	v6 =	vld [tilespmem:s31+$0x0];
	v1 =	vpop (erf)  }
0x191: {  	_ =	sdelay $0x1  }
0x192: {  	v3 =	vsub.f32 v4, v3  }
0x193: {  	v48 =	vmul.f32 $1.442695020e+00, v7;
	v0 =	vsub.f32 v5, v0  }
0x194: {  	v3 =	vmul.f32 $1.442695020e+00, v3;
	v2 =	vsub.f32 v6, v2  }
0x195: {  	(erf) = vpow2.f32 v48;
	v0 =	vmul.f32 $1.442695020e+00, v0  }
0x196: {  	v2 =	vmul.f32 $1.442695020e+00, v2;
	(erf) = vpow2.f32 v3  }
0x197: {  	v49 =	vld [tilespmem:s29+$0xFFFFFFE0];
	(erf) = vpow2.f32 v0  }
0x198: {  	v51 =	vld [tilespmem:s29+$0x0];
	(erf) = vpow2.f32 v2  }
0x199: {  	v50 =	vld [tilespmem:s29+$0xFFFFFFF0];
	s0 =	sadd.s32 $0x40, s29  }
0x19a: {  	v52 =	vld [tilespmem:s0+$0x10]  }
0x19b: {  	v54 =	vpop (erf);
	v53 =	vld [tilespmem:s0+$0xFFFFFFE0]  }
0x19c: {  	v55 =	vld [tilespmem:s0+$0xFFFFFFF0];
	v56 =	vpop (erf);
	v1 =	vmul.f32 v1, v49  }
0x19d: {  	v57 =	vld [tilespmem:s0+$0x0];
	v58 =	vmul.f32 v56, v51  }
0x19e: {  	v0 =	vmul.f32 v54, v50;
	[tilespmem:s30+$0xFFFFFFE0] =	vst v1;
	v8 =	vpop (erf)  }
0x19f: {  	[tilespmem:s30+$0x0] =	vst v58;
	v59 =	vmul.f32 v8, v52;
	v60 =	vpop (erf)  }
0x1a0: {  	[tilespmem:s30+$0xFFFFFFF0] =	vst v0;
	s30 =	sadd.s32 $0x40, s30;
	v61 =	vpop (erf);
	v0 =	vmul.f32 v60, v53  }
0x1a1: {  	[tilespmem:s30+$0x10] =	vst v59;
	v62 =	vpop (erf);
	v1 =	vmul.f32 v61, v55  }
0x1a2: {  	s26 =	sadd.s32 $0x1, s26;
	[tilespmem:s30+$0xFFFFFFE0] =	vst v0;
	v63 =	vmul.f32 v62, v57  }
0x1a3: {  	p0 =	sne.s32 s26, $0x19;
	[tilespmem:s30+$0xFFFFFFF0] =	vst v1  }
.Ltmp9:
0x1a4: {  	s31 =	sadd.s32 s1, s28;
	[tilespmem:s30+$0x0] =	vst v63;
	(pc) =	sbr.rel @p0 .LBB2_18-.Ltmp9, $4  }
0x1a5: {  	[hbm4b:s31+s2] =	stream.linear.scatter [tilespmem:s24], [sflag:$0x1], $0x1F40, $0x38;
	[tilespmem:$0x15A80] =	vst v63  }
0x1a6: {  	_ =	swait.ge [sflag:s19], $0x1F40  }
0x1a7: {  	[sflag:s19] =	ssyncset.done $0x0  }
0x1a8: {  	[sflag:s19] =	ssyncadd.s32 $0xFFFFE0C0  }
0x1a9: {  	s25 =	sadd.s32 $0x1, s25  }
0x1aa: {  	p0 =	sne.s32 s25, s18  }
.Ltmp10:
0x1ab: {  	_ = 	snop;
	(pc) =	sbr.rel @p0 .LBB2_1-.Ltmp10, $1  }
0x1ac: {  	_ =	sdelay $0x3  }
0x1ad: {  	_ =	sfence.sel $0x180000  }
0x1ae: {  	[bflag:$0x0] =	sbarrier.arrive $0xFFFF  }
0x1af: {  	_ =	strace $0x90000050  }
0x1b0: {  	s0 =	stileid.u32;
	[bflag:$0x2] =	sbarrier.arrive $0xFFFF  }
0x1b1: {  	p0 =	sne.s32 s0, $0x0;
	s0 =	rddreg [dreg:$0x2]  }
0x1b2: {  	s0 =	sadd.s32 @!p0 $0x100000, s0  }
0x1b3: {  	[sflag:s0] =	ssyncadd.tile.s32 @!p0 $0x1;
	_ =	shalt  }
.Lfunc_end2:
_tile_overlayer_lowered:
.L_overlay_start_2:
0x1b4: {  	(tag) =	ssettag $0x2  }
0x1b5: {  	s0 =	rddreg [dreg:$0x0];
	s2 =	stileid.u32  }
0x1b6: {  	s1 =	rddreg [dreg:$0x1];
	p0 =	sne.s32 s2, $0x0  }
0x1b7: {  	s3 =	rddreg [dreg:$0x2];
	[bflag:$0x3] =	sbarrier.arrive $0xFFFF;
	s2 =	simm.s32 @!p0 $0x1C01  }
0x1b8: {  	[timem:s3], [sflag:s2] =	dma.local @!p0 [hbm:s0], s1  }
0x1b9: {  	s0 =	simm.s32 @!p0 $0x1  }
0x1ba: {  	_ =	swait.ge @!p0 [sflag:s0], s1  }
0x1bb: {  	s1 =	ssub.s32 @!p0 $0x0, s1;
	[sflag:s0] =	ssyncset.done @!p0 $0x0  }
0x1bc: {  	[sflag:s0] =	ssyncadd.s32 @!p0 s1  }
0x1bd: {  	[bflag:$0x3] =	sbarrier.arrive $0xFFFF  }
0x1be: {  	_ =	shalt  }

// kernel: kernel.6.cloned.1.call-start
scs
__scs_entry_jumppad:
0x0: {  	(pc) =	sbr.rel $0x88, $3  }
0x1: {  	(tag) =	ssettag $0x0;
	lr =	simm.s32 $0x1  }
0x2: {  	[smem:$0x3F9C] =	sst lr;
	_ =	strace $0xD0000000  }
0x3: {  	_ = 	snop  }
0x4: {  	_ = 	snop  }
0x5: {  	_ = 	snop  }
0x6: {  	_ = 	snop  }
0x7: {  	_ = 	snop  }
__scs_overlays_trampoline_lowered:
0x8: {  	[smem:$0x3FAB] =	sst s0  }
0x9: {  	[smem:$0x3FAC] =	sst s1  }
0xa: {  	[smem:$0x3FAD] =	sst s2  }
0xb: {  	[smem:$0x3FAE] =	sst s3  }
0xc: {  	[smem:$0x3FAF] =	sst s4  }
0xd: {  	[smem:$0x3FB0] =	sst s5  }
0xe: {  	[smem:$0x3FB1] =	sst s6  }
0xf: {  	[smem:$0x3FB2] =	sst s7  }
0x10: {  	[smem:$0x3FB3] =	sst s8  }
0x11: {  	[smem:$0x3FB4] =	sst s9;
	s0 =	simm.s32 @!p0 $0x0  }
0x12: {  	s1 =	sld [smem:$0x3F9A];
	s0 =	simm.s32 @p0 $0x1  }
0x13: {  	[smem:$0x3FB5] =	sst s0;
	s0 =	simm.s32 @!p1 $0x0  }
0x14: {  	s2 =	sld [smem:$0x3F99];
	s0 =	simm.s32 @p1 $0x1  }
0x15: {  	[smem:$0x3FB6] =	sst s0;
	s0 =	simm.s32 @!p2 $0x0  }
0x16: {  	s3 =	sld [smem:$0x3FDB];
	s0 =	simm.s32 @p2 $0x1  }
0x17: {  	s4 =	simm.s32 $0x1BF5;
	[smem:$0x3FB8] =	sst s0  }
0x18: {  	s0 =	sld [smem:$0x3F9B];
	_ =	swait.ge [sflag:s4], $0x0  }
0x19: {  	s7 =	sld [smem:$0x3F9C]  }
0x1a: {  	s8 =	sadd.s32 $0xFFFFE003, lr  }
0x1b: {  	s9 =	sadd.s32 $0xFFFFFEF7, lr;
	s5 =	simm.s32 $0xFFFFFFFF;
	p2 =	slt.u32 s8, $0xFFFFF086  }
0x1c: {  	p1 =	slt.u32 s9, $0xF7A;
	s5 =	simm.s32 @!p2 $0x0  }
0x1d: {  	s5 =	simm.s32 @p1 $0x1;
	p0 =	seq.s32 s7, s2  }
0x1e: {  	s7 =	smul.u32 @!p0 $0xF7A, s2;
	p2 =	seq.s32 @!p0 s5, $0x0  }
0x1f: {  	s9 =	smul.u32 $0xF7A, s1;
	s8 =	simm.s32 @!p0 $0x1BF5;
	p2 =	por !p2, p0  }
0x20: {  	[sflag:s8] =	ssyncset.s32 @!p0 $0xFFFFF086;
	s6 =	sadd.s32 @!p0 s3, s7;
	s7 =	simm.s32 @!p0 $0x108  }
0x21: {  	s3 =	sadd.s32 s3, s9;
	s6 =	sadd.s32 @!p0 $0x88, s6;
	s7 =	simm.s32 @p2 $0x1082  }
0x22: {  	[simem:s7], [sflag:s8] =	dma.local @!p0 [hbm:s6], $0xF7A  }
0x23: {  	s9 =	sor.u32 $0xD0000000, s2;
	s6 =	simm.s32 $0x108;
	_ =	swait.ge @!p0 [sflag:s8], $0x0  }
0x24: {  	s3 =	sadd.s32 $0x88, s3;
	s6 =	simm.s32 @!p1 $0x1082;
	[sflag:s4] =	ssyncset.s32 $0xFFFFF086  }
0x25: {  	[simem:s6], [sflag:s4] =	dma.local [hbm:s3], $0xF7A  }
0x26: {  	[smem:$0x3F9C] =	sst s1;
	(tag) =	ssettag s2;
	_ =	strace s9  }
0x27: {  	s1 =	sld [smem:$0x3FAC]  }
0x28: {  	s2 =	sld [smem:$0x3FAD]  }
0x29: {  	s4 =	sld [smem:$0x3FAF]  }
0x2a: {  	p0 =	seq.s32 s5, $0x0;
	s5 =	sld [smem:$0x3FB0]  }
0x2b: {  	s6 =	sld [smem:$0x3FB1]  }
0x2c: {  	s7 =	sld [smem:$0x3FB2]  }
0x2d: {  	s3 =	simm.s32 $0x108;
	s8 =	sld [smem:$0x3FB3]  }
0x2e: {  	s3 =	simm.s32 @!p0 $0x1082;
	s9 =	sld [smem:$0x3FB4]  }
0x2f: {  	lr =	sadd.s32 s0, s3;
	s0 =	sld [smem:$0x3FAB]  }
0x30: {  	s3 =	sld [smem:$0x3FAE]  }
0x31: {  	[smem:$0x3FB7] =	sst s10  }
0x32: {  	s10 =	sld [smem:$0x3FB5];
	_ =	sdelay $0x3  }
0x33: {  	p0 =	seq.s32 s10, $0x1;
	s10 =	sld [smem:$0x3FB7];
	_ =	sdelay $0x3  }
0x34: {  	[smem:$0x3FB7] =	sst s10  }
0x35: {  	s10 =	sld [smem:$0x3FB6];
	_ =	sdelay $0x3  }
0x36: {  	p1 =	seq.s32 s10, $0x1;
	s10 =	sld [smem:$0x3FB7];
	_ =	sdelay $0x3  }
0x37: {  	[smem:$0x3FB7] =	sst s10  }
0x38: {  	s10 =	sld [smem:$0x3FB8]  }
0x39: {  	_ = 	snop;
	(pc) =	sbr.ind lr, $3  }
0x3a: {  	_ = 	snop  }
0x3b: {  	_ = 	snop  }
0x3c: {  	p2 =	seq.s32 s10, $0x1;
	s10 =	sld [smem:$0x3FB7]  }
0x3d: {  	_ =	shalt  }
0x3e: {  	_ =	shalt  }
0x3f: {  	_ =	shalt  }
0x40: {  	_ =	shalt  }
0x41: {  	_ =	shalt  }
0x42: {  	_ =	shalt  }
0x43: {  	_ =	shalt  }
0x44: {  	_ =	shalt  }
0x45: {  	_ =	shalt  }
0x46: {  	_ =	shalt  }
0x47: {  	_ =	shalt  }
0x48: {  	_ =	shalt  }
0x49: {  	_ =	shalt  }
0x4a: {  	_ =	shalt  }
0x4b: {  	_ =	shalt  }
0x4c: {  	_ =	shalt  }
0x4d: {  	_ =	shalt  }
0x4e: {  	_ =	shalt  }
0x4f: {  	_ =	shalt  }
0x50: {  	_ =	shalt  }
0x51: {  	_ =	shalt  }
0x52: {  	_ =	shalt  }
0x53: {  	_ =	shalt  }
0x54: {  	_ =	shalt  }
0x55: {  	_ =	shalt  }
0x56: {  	_ =	shalt  }
0x57: {  	_ =	shalt  }
0x58: {  	_ =	shalt  }
0x59: {  	_ =	shalt  }
0x5a: {  	_ =	shalt  }
0x5b: {  	_ =	shalt  }
0x5c: {  	_ =	shalt  }
0x5d: {  	_ =	shalt  }
0x5e: {  	_ =	shalt  }
0x5f: {  	_ =	shalt  }
0x60: {  	_ =	shalt  }
0x61: {  	_ =	shalt  }
0x62: {  	_ =	shalt  }
0x63: {  	_ =	shalt  }
0x64: {  	_ =	shalt  }
0x65: {  	_ =	shalt  }
0x66: {  	_ =	shalt  }
0x67: {  	_ =	shalt  }
0x68: {  	_ =	shalt  }
0x69: {  	_ =	shalt  }
0x6a: {  	_ =	shalt  }
0x6b: {  	_ =	shalt  }
0x6c: {  	_ =	shalt  }
0x6d: {  	_ =	shalt  }
0x6e: {  	_ =	shalt  }
0x6f: {  	_ =	shalt  }
0x70: {  	_ =	shalt  }
0x71: {  	_ =	shalt  }
0x72: {  	_ =	shalt  }
0x73: {  	_ =	shalt  }
0x74: {  	_ =	shalt  }
0x75: {  	_ =	shalt  }
0x76: {  	_ =	shalt  }
0x77: {  	_ =	shalt  }
0x78: {  	_ =	shalt  }
0x79: {  	_ =	shalt  }
0x7a: {  	_ =	shalt  }
0x7b: {  	_ =	shalt  }
0x7c: {  	_ =	shalt  }
0x7d: {  	_ =	shalt  }
0x7e: {  	_ =	shalt  }
0x7f: {  	_ =	shalt  }
0x80: {  	_ =	shalt  }
0x81: {  	_ =	shalt  }
0x82: {  	_ =	shalt  }
0x83: {  	_ =	shalt  }
0x84: {  	_ =	shalt  }
0x85: {  	_ =	shalt  }
0x86: {  	_ =	shalt  }
0x87: {  	_ =	shalt  }
.Lfunc_end0:
.L_simem_size_0:
called_computation.1_lowered:
.L_overlay_start_0:
0x88: {  	s2 =	sld [smem:$0x3FD9]  }
0x89: {  	s3 =	sld [smem:$0x3FFE];
	_ =	sdelay $0x1  }
0x8a: {  	s1 =	srdreg.scid  }
0x8b: {  	s0 =	sand.u32 $0x1, s1  }
0x8c: {  	s17 =	sshll.u32 s0, $0xA;
	s2 =	sadd.s32 s3, s2  }
0x8d: {  	s2 =	sadd.s32 s2, s17  }
0x8e: {  	[smem:$0x3FC3] =	sst s2  }
0x8f: {  	_ = 	snop  }
0x90: {  	s2 =	sld [smem:$0x3FD0];
	(tm) =	ssettm $0x1  }
0x91: {  	s18 =	sld [smem:$0x3FFB];
	_ =	sdelay $0x3  }
0x92: {  	_ =	strace s18  }
0x93: {  	s3 =	sld [smem:$0x3FFC];
	_ =	sdelay $0x3  }
0x94: {  	_ =	strace s3  }
0x95: {  	s3 =	sld [smem:$0x3FFD];
	_ =	sdelay $0x3  }
0x96: {  	_ =	strace s3  }
0x97: {  	_ =	strace $0x8FFFFFFF  }
0x98: {  	s19 =	sld [smem:$0x3FDB];
	_ =	sdelay $0x1  }
0x99: {  	s4 =	simm.s32 $_scs_section_size  }
0x9a: {  	s5 =	simm.s32 $_size__tile_overlayer_lowered;
	s6 =	simm.s32 $_tile_overlayer_lowered  }
0x9b: {  	s22 =	simm.s32 $0x1BFF;
	s21 =	sshll.u32 s6, $0x1;
	s3 =	sadd.s32 s4, s19  }
0x9c: {  	s7 =	simm.s32 $0x0;
	s20 =	sshll.u32 s5, $0x1;
	s5 =	sadd.s32 s21, s3  }
0x9d: {  	[timem:s7], [sflag:s22] =	dma.local [hbm:s5], s20  }
0x9e: {  	_ =	swait.ge [sflag:s22], s20  }
0x9f: {  	s4 =	ssub.s32 $0x0, s20;
	[sflag:s22] =	ssyncset.done $0x0  }
0xa0: {  	[sflag:s22] =	ssyncadd.s32 s4;
	_ =	sdelay $0x1  }
0xa1: {  	s23 =	simm.s32 $0x1B8B  }
0xa2: {  	_ =	swait.ge [sflag:s23], $0x1  }
0xa3: {  	[sflag:s23] =	ssyncset.done $0x0  }
0xa4: {  	s25 =	simm.s32 $0x1B8E;
	s24 =	sld [smem:$0x3FFE];
	[sflag:s23] =	ssyncadd.s32 $0xFFFFFFFF  }
0xa5: {  	s26 =	simm.s32 $execute0_lowered;
	[smem:$0x3FD2] =	sst s25  }
0xa6: {  	s5 =	sshll.u32 s26, $0x1;
	_ =	strace $0x80000049;
	[dreg:$0x1] =	wrdreg $0xFFFFFFFF  }
0xa7: {  	s28 =	simm.s32 $_size_execute0_lowered;
	s3 =	sadd.s32 s3, s5;
	[dreg:$0x0] =	wrdreg $0x0  }
0xa8: {  	s5 =	sshll.u32 s28, $0x1;
	[dreg:$0x2] =	wrdreg s3  }
0xa9: {  	[dreg:$0x3] =	wrdreg s5  }
0xaa: {  	[dreg:$0x4] =	wrdreg $0xC0  }
0xab: {  	_ =	task [dreg:s7], $0x5FFFF  }
0xac: {  	[dreg:$0x1] =	wrdreg $0xFFFFFFFF  }
0xad: {  	[dreg:$0x0] =	wrdreg $0x60  }
0xae: {  	[dreg:$0x2] =	wrdreg s2  }
0xaf: {  	[dreg:$0x3] =	wrdreg s24  }
0xb0: {  	[dreg:$0x4] =	wrdreg $0x9  }
0xb1: {  	_ =	task.clear_ibuf [dreg:s7], $0x5FFFF;
	_ =	strace $0x90000049  }
0xb2: {  	s29 =	simm.s32 $0x9;
	_ =	strace $0x8000004B  }
0xb3: {  	_ =	swait.ge [sflag:s29], $0x1  }
0xb4: {  	[sflag:s29] =	ssyncadd.s32 $0xFFFFFFFF  }
0xb5: {  	_ =	strace $0x9000004B  }
0xb6: {  	_ =	sfence  }
0xb7: {  	s30 =	sld [smem:$0x0];
	_ =	sdelay $0x2  }
0xb8: {  	s31 =	sshll.u32 s1, $0xD;
	s1 =	sshrl.u32 s1, $0x2  }
0xb9: {  	s3 =	sand.u32 $0x4000, s31;
	s1 =	sadd.s32 s1, s30  }
0xba: {  	s0 =	sor.u32 s3, s0;
	s1 =	sshll.u32 s1, $0x11  }
0xbb: {  	s0 =	sor.u32 s1, s0  }
0xbc: {  	s0 =	sadd.s32 $0x8F2B, s0  }
0xbd: {  	[sflag:s0] =	ssyncadd.remote.s32 $0x1  }
0xbe: {  	_ =	sfence.sel $0xFFFF  }
0xbf: {  	[dreg:$0x0] =	wrdreg $0xFFFFFFFF;
	(pc) =	sbr.abs _section_cstart, $3  }
0xc0: {  	[dreg:$0x1] =	wrdreg $0xFFFFFFFF  }
0xc1: {  	_ =	task.clear_ibuf [dreg:s7], $0x2FFFF;
	_ =	strace $0x9FFFFFFF  }
0xc2: {  	(tm) =	ssettm $0x7FFFFFFF  }
0xc3: {  	_ =	shalt  }
tec
execute0_lowered:
.L_overlay_start_1:
0x0: {  	(tag) =	ssettag $0x1  }
0x1: {  	s7 =	rddreg [dreg:$0x0]  }
0x2: {  	s5 =	rddreg [dreg:$0x1]  }
0x3: {  	s0 =	rddreg [dreg:$0x2];
	s2 =	simm.s32 $0x0;
	s1 =	stileid.u32  }
0x4: {  	s3 =	srdreg.scid;
	s14 =	simm.s32 $0x1A680;
	s15 =	simm.s32 $0x1C600  }
0x5: {  	s16 =	simm.s32 $0x0;
	[smem:$0x7FF] =	sst s2;
	s9 =	sand.u32 $0x3, s1  }
0x6: {  	s4 =	sand.u32 $0x1, s3;
	s3 =	sadd.s32 $0x30E200, s5;
	s8 =	smul.u32 $0x186A, s9  }
0x7: {  	s6 =	sshrl.u32 s1, $0x2;
	_ =	strace $0x8000004A;
	s11 =	smul.u32 $0xC3500, s4  }
0x8: {  	s12 =	ssub.s32 $0x2, s4;
	s6 =	smul.u32 $0x30D40, s6;
	s4 =	sadd.s32 $0x33F000, s5  }
0x9: {  	s9 =	smul.u32 $0x186A00, s9;
	s13 =	sshrl.u32 s12, $0x1;
	s10 =	sadd.s32 s8, s5  }
0xa: {  	s5 =	sadd.s32 $0x7000, s5;
	s12 =	ssub.s32 s12, s13;
	s6 =	sadd.s32 s11, s6  }
0xb: {  	s7 =	sadd.s32 s7, s8;
	s11 =	simm.s32 $0x1;
	s13 =	simm.s32 $0x18700  }
0xc: {  	s8 =	sadd.s32 $0xE00, s10;
	s10 =	smax.u32 s12, $0x1;
	s12 =	simm.s32 $0xC380  }
.LBB2_1:
0xd: {  	[tilespmem:s2], [sflag:$0x1] =	stream.linear.gather [hbm4b:s7+s2], $0xC350, $0x38;
	[tilespmem:$0x1E580] =	vst v63  }
0xe: {  	_ =	swait.ge [sflag:s11], $0xC350  }
0xf: {  	[sflag:s11] =	ssyncset.done $0x0  }
0x10: {  	[sflag:s11] =	ssyncadd.s32 $0xFFFF3CB0  }
0x11: {  	[tilespmem:s12], [sflag:$0x1] =	stream.linear.gather [hbm4b:s8+s2], $0xC350, $0x38;
	[tilespmem:$0x1E580] =	vst v63  }
0x12: {  	_ =	swait.ge [sflag:s11], $0xC350  }
0x13: {  	[sflag:s11] =	ssyncset.done $0x0  }
0x14: {  	s17 =	simm.s32 $0x0;
	[sflag:s11] =	ssyncadd.s32 $0xFFFF3CB0  }
.LBB2_2:
0x15: {  	s18 =	smul.u32 $0x1F40, s17;
	_ =	sdelay $0x1  }
0x16: {  	s18 =	sadd.s32 s18, s6  }
0x17: {  	s19 =	sshrl.u32 s18, $0x3  }
0x18: {  	s20 =	sadd.s32 s3, s19  }
0x19: {  	[tilespmem:s13], [sflag:$0x1] =	stream.linear.gather [hbm4b:s20+s2], $0x1F40, $0x38;
	[tilespmem:$0x1E580] =	vst v63  }
0x1a: {  	_ =	swait.ge [sflag:s11], $0x1F40  }
0x1b: {  	[sflag:s11] =	ssyncset.done $0x0  }
0x1c: {  	s19 =	sadd.s32 s4, s19;
	[sflag:s11] =	ssyncadd.s32 $0xFFFFE0C0  }
0x1d: {  	[tilespmem:s14], [sflag:$0x1] =	stream.linear.gather [hbm4b:s19+s2], $0x1F40, $0x38;
	[tilespmem:$0x1E580] =	vst v63  }
0x1e: {  	_ =	swait.ge [sflag:s11], $0x1F40  }
0x1f: {  	[sflag:s11] =	ssyncset.done $0x0  }
0x20: {  	s29 =	simm.s32 $0x18720;
	[sflag:s11] =	ssyncadd.s32 $0xFFFFE0C0  }
0x21: {  	s30 =	simm.s32 $0x1A6A0;
	v0 =	vld [tilespmem:s29+$0x10]  }
0x22: {  	v1 =	vld [tilespmem:s30+$0x10]  }
0x23: {  	v2 =	vld [tilespmem:s30+$0xFFFFFFE0]  }
0x24: {  	v3 =	vld [tilespmem:s29+$0xFFFFFFF0]  }
0x25: {  	v4 =	vld [tilespmem:s30+$0xFFFFFFF0]  }
0x26: {  	v5 =	vld [tilespmem:s29+$0x0]  }
0x27: {  	v6 =	vld [tilespmem:s30+$0x0]  }
0x28: {  	s31 =	simm.s32 $0x18760;
	v7 =	vld [tilespmem:s29+$0xFFFFFFE0]  }
0x29: {  	s19 =	simm.s32 $0x1A6E0;
	v8 =	vld [tilespmem:s31+$0x10]  }
0x2a: {  	v9 =	vld [tilespmem:s19+$0x10]  }
0x2b: {  	v10 =	vld [tilespmem:s19+$0xFFFFFFE0]  }
0x2c: {  	v11 =	vld [tilespmem:s31+$0xFFFFFFF0]  }
0x2d: {  	v12 =	vld [tilespmem:s19+$0xFFFFFFF0]  }
0x2e: {  	v13 =	vld [tilespmem:s31+$0x0]  }
0x2f: {  	v0 =	vld.idx.msk [tilespmem:v0+s2+$0x0], $0xffff  }
0x30: {  	v1 =	vld.idx.msk [tilespmem:v1+s12+$0x0], $0xffff  }
0x31: {  	v2 =	vld.idx.msk [tilespmem:v2+s12+$0x0], $0xffff  }
0x32: {  	v3 =	vld.idx.msk [tilespmem:v3+s2+$0x0], $0xffff  }
0x33: {  	v4 =	vld.idx.msk [tilespmem:v4+s12+$0x0], $0xffff  }
0x34: {  	v5 =	vld.idx.msk [tilespmem:v5+s2+$0x0], $0xffff  }
0x35: {  	v6 =	vld.idx.msk [tilespmem:v6+s12+$0x0], $0xffff  }
0x36: {  	v7 =	vld.idx.msk [tilespmem:v7+s2+$0x0], $0xffff  }
0x37: {  	v14 =	vld [tilespmem:s19+$0x0]  }
0x38: {  	v15 =	vld [tilespmem:s31+$0xFFFFFFE0];
	v1 =	vadd.f32 v1, v0  }
0x39: {  	v8 =	vld.idx.msk [tilespmem:v8+s2+$0x0], $0xffff;
	v3 =	vadd.f32 v4, v3  }
0x3a: {  	v4 =	vadd.f32 v6, v5;
	v6 =	vld.idx.msk [tilespmem:v9+s12+$0x0], $0xffff;
	v5 =	vmul.f32 $2.000000030e-01, v1  }
0x3b: {  	v7 =	vadd.f32 v2, v7;
	v0 =	vld.idx.msk [tilespmem:v10+s12+$0x0], $0xffff;
	vm0 =	vge.f32 v1, $0.0e+00;
	v2 =	vmul.f32 $2.000000030e-01, v3  }
0x3c: {  	s20 =	simm.s32 $0x1C620;
	vm14 =	vge.f32 v3, $0.0e+00;
	v63 =	vmul.f32 $2.000000030e-01, v4;
	v5 =	vsel vm0, v1, v5;
	v1 =	vld.idx.msk [tilespmem:v11+s2+$0x0], $0xffff  }
0x3d: {  	vm15 =	vge.f32 v4, $0.0e+00;
	v2 =	vsel vm14, v3, v2;
	v3 =	vmul.f32 $2.000000030e-01, v7;
	[tilespmem:s20+$0x10] =	vst v5;
	v5 =	vld.idx.msk [tilespmem:v12+s12+$0x0], $0xffff  }
0x3e: {  	vm1 =	vge.f32 v7, $0.0e+00;
	v4 =	vsel vm15, v4, v63;
	[tilespmem:s20+$0xFFFFFFF0] =	vst v2;
	v2 =	vld.idx.msk [tilespmem:v13+s2+$0x0], $0xffff  }
0x3f: {  	[tilespmem:s20+$0x0] =	vst v4;
	v4 =	vld.idx.msk [tilespmem:v14+s12+$0x0], $0xffff;
	v3 =	vsel vm1, v7, v3  }
0x40: {  	s21 =	simm.s32 $0x4;
	s22 =	simm.s32 $0x187A0;
	v6 =	vadd.f32 v6, v8;
	[tilespmem:s20+$0xFFFFFFE0] =	vst v3;
	v3 =	vld.idx.msk [tilespmem:v15+s2+$0x0], $0xffff  }
.LBB2_3:
0x41: {  	v7 =	vld [tilespmem:s22+$0x10];
	s19 =	sadd.s32 $0x40, s19  }
0x42: {  	s21 =	sadd.s32 $0x4, s21;
	v8 =	vld [tilespmem:s19+$0x10];
	v9 =	vmul.f32 $2.000000030e-01, v6  }
0x43: {  	p0 =	slt.u32 s21, $0x1F0;
	v1 =	vadd.f32 v5, v1;
	vm0 =	vge.f32 v6, $0.0e+00;
	v10 =	vld [tilespmem:s19+$0xFFFFFFE0]  }
0x44: {  	s20 =	sadd.s32 $0x40, s20;
	v5 =	vld [tilespmem:s22+$0xFFFFFFF0];
	v6 =	vsel vm0, v6, v9  }
0x45: {  	vm0 =	vge.f32 v1, $0.0e+00;
	v11 =	vmul.f32 $2.000000030e-01, v1;
	v2 =	vadd.f32 v4, v2;
	v9 =	vld [tilespmem:s19+$0xFFFFFFF0];
	[tilespmem:s20+$0x10] =	vst v6  }
0x46: {  	v0 =	vadd.f32 v0, v3;
	v4 =	vld [tilespmem:s22+$0x0]  }
0x47: {  	v1 =	vsel vm0, v1, v11;
	vm0 =	vge.f32 v2, $0.0e+00;
	v6 =	vmul.f32 $2.000000030e-01, v2;
	v3 =	vld [tilespmem:s19+$0x0]  }
0x48: {  	vm1 =	vge.f32 v0, $0.0e+00;
	v12 =	vmul.f32 $2.000000030e-01, v0;
	v11 =	vld [tilespmem:s22+$0xFFFFFFE0];
	[tilespmem:s20+$0xFFFFFFF0] =	vst v1  }
0x49: {  	v1 =	vsel vm0, v2, v6;
	v7 =	vld.idx.msk [tilespmem:v7+s2+$0x0], $0xffff  }
0x4a: {  	v2 =	vsel vm1, v0, v12;
	v6 =	vld.idx.msk [tilespmem:v8+s12+$0x0], $0xffff;
	[tilespmem:s20+$0x0] =	vst v1  }
0x4b: {  	v0 =	vld.idx.msk [tilespmem:v10+s12+$0x0], $0xffff;
	[tilespmem:s20+$0xFFFFFFE0] =	vst v2  }
.Ltmp0:
0x4c: {  	v1 =	vld.idx.msk [tilespmem:v5+s2+$0x0], $0xffff;
	(pc) =	sbr.rel @p0 .LBB2_3-.Ltmp0, $4  }
0x4d: {  	v5 =	vld.idx.msk [tilespmem:v9+s12+$0x0], $0xffff  }
0x4e: {  	v2 =	vld.idx.msk [tilespmem:v4+s2+$0x0], $0xffff  }
0x4f: {  	v4 =	vld.idx.msk [tilespmem:v3+s12+$0x0], $0xffff  }
0x50: {  	s22 =	sadd.s32 $0x40, s22;
	v6 =	vadd.f32 v6, v7;
	v3 =	vld.idx.msk [tilespmem:v11+s2+$0x0], $0xffff  }
0x51: {  	_ =	sdelay $0x1  }
0x52: {  	v1 =	vadd.f32 v5, v1  }
0x53: {  	v58 =	vmul.f32 $2.000000030e-01, v6;
	v2 =	vadd.f32 v4, v2  }
0x54: {  	vm0 =	vge.f32 v6, $0.0e+00;
	v59 =	vmul.f32 $2.000000030e-01, v1;
	v0 =	vadd.f32 v0, v3  }
0x55: {  	s19 =	sadd.s32 $0x40, s20;
	v60 =	vsel vm0, v6, v58;
	vm14 =	vge.f32 v1, $0.0e+00;
	v61 =	vmul.f32 $2.000000030e-01, v2  }
0x56: {  	[tilespmem:s19+$0x10] =	vst v60;
	v1 =	vsel vm14, v1, v59;
	vm15 =	vge.f32 v2, $0.0e+00;
	v62 =	vmul.f32 $2.000000030e-01, v0  }
0x57: {  	s18 =	sadd.s32 s9, s18;
	s17 =	sadd.s32 $0x1, s17;
	vm1 =	vge.f32 v0, $0.0e+00;
	[tilespmem:s19+$0xFFFFFFF0] =	vst v1;
	v63 =	vsel vm15, v2, v61  }
0x58: {  	s18 =	sshrl.u32 s18, $0x3;
	p0 =	sne.s32 s17, $0x19;
	v0 =	vsel vm1, v0, v62;
	[tilespmem:s19+$0x0] =	vst v63  }
.Ltmp1:
0x59: {  	s18 =	sadd.s32 s5, s18;
	[tilespmem:s19+$0xFFFFFFE0] =	vst v0;
	(pc) =	sbr.rel @p0 .LBB2_2-.Ltmp1, $4  }
0x5a: {  	[hbm4b:s18+s2] =	stream.linear.scatter [tilespmem:s15], [sflag:$0x1], $0x1F40, $0x38;
	[tilespmem:$0x1E580] =	vst v63  }
0x5b: {  	_ =	swait.ge [sflag:s11], $0x1F40  }
0x5c: {  	[sflag:s11] =	ssyncset.done $0x0  }
0x5d: {  	[sflag:s11] =	ssyncadd.s32 $0xFFFFE0C0  }
0x5e: {  	s16 =	sadd.s32 $0x1, s16  }
0x5f: {  	p0 =	sne.s32 s16, s10  }
.Ltmp2:
0x60: {  	_ = 	snop;
	(pc) =	sbr.rel @p0 .LBB2_1-.Ltmp2, $1  }
0x61: {  	_ =	sdelay $0x3  }
0x62: {  	_ =	sfence.sel $0x180000  }
0x63: {  	[bflag:$0x0] =	sbarrier.arrive $0xFFFF  }
0x64: {  	p0 =	sne.s32 s1, $0x0;
	_ =	strace $0x9000004A  }
0x65: {  	s0 =	sadd.s32 @!p0 $0x100000, s0;
	[bflag:$0x2] =	sbarrier.arrive $0xFFFF  }
0x66: {  	[sflag:s0] =	ssyncadd.tile.s32 @!p0 $0x1;
	_ =	shalt  }
.Lfunc_end2:
_tile_overlayer_lowered:
.L_overlay_start_2:
0x67: {  	(tag) =	ssettag $0x2  }
0x68: {  	s0 =	rddreg [dreg:$0x0];
	s2 =	stileid.u32  }
0x69: {  	s1 =	rddreg [dreg:$0x1];
	p0 =	sne.s32 s2, $0x0  }
0x6a: {  	s3 =	rddreg [dreg:$0x2];
	[bflag:$0x3] =	sbarrier.arrive $0xFFFF;
	s2 =	simm.s32 @!p0 $0x1C01  }
0x6b: {  	[timem:s3], [sflag:s2] =	dma.local @!p0 [hbm:s0], s1  }
0x6c: {  	s0 =	simm.s32 @!p0 $0x1  }
0x6d: {  	_ =	swait.ge @!p0 [sflag:s0], s1  }
0x6e: {  	s1 =	ssub.s32 @!p0 $0x0, s1;
	[sflag:s0] =	ssyncset.done @!p0 $0x0  }
0x6f: {  	[sflag:s0] =	ssyncadd.s32 @!p0 s1  }
0x70: {  	[bflag:$0x3] =	sbarrier.arrive $0xFFFF  }
0x71: {  	_ =	shalt  }

// kernel: kernel.9.cloned.1.call-start
scs
__scs_entry_jumppad:
0x0: {  	(pc) =	sbr.rel $0x88, $3  }
0x1: {  	(tag) =	ssettag $0x0;
	lr =	simm.s32 $0x1  }
0x2: {  	[smem:$0x3F9C] =	sst lr;
	_ =	strace $0xD0000000  }
0x3: {  	_ = 	snop  }
0x4: {  	_ = 	snop  }
0x5: {  	_ = 	snop  }
0x6: {  	_ = 	snop  }
0x7: {  	_ = 	snop  }
__scs_overlays_trampoline_lowered:
0x8: {  	[smem:$0x3FAB] =	sst s0  }
0x9: {  	[smem:$0x3FAC] =	sst s1  }
0xa: {  	[smem:$0x3FAD] =	sst s2  }
0xb: {  	[smem:$0x3FAE] =	sst s3  }
0xc: {  	[smem:$0x3FAF] =	sst s4  }
0xd: {  	[smem:$0x3FB0] =	sst s5  }
0xe: {  	[smem:$0x3FB1] =	sst s6  }
0xf: {  	[smem:$0x3FB2] =	sst s7  }
0x10: {  	[smem:$0x3FB3] =	sst s8  }
0x11: {  	[smem:$0x3FB4] =	sst s9;
	s0 =	simm.s32 @!p0 $0x0  }
0x12: {  	s1 =	sld [smem:$0x3F9A];
	s0 =	simm.s32 @p0 $0x1  }
0x13: {  	[smem:$0x3FB5] =	sst s0;
	s0 =	simm.s32 @!p1 $0x0  }
0x14: {  	s2 =	sld [smem:$0x3F99];
	s0 =	simm.s32 @p1 $0x1  }
0x15: {  	[smem:$0x3FB6] =	sst s0;
	s0 =	simm.s32 @!p2 $0x0  }
0x16: {  	s3 =	sld [smem:$0x3FDB];
	s0 =	simm.s32 @p2 $0x1  }
0x17: {  	s4 =	simm.s32 $0x1BF5;
	[smem:$0x3FB8] =	sst s0  }
0x18: {  	s0 =	sld [smem:$0x3F9B];
	_ =	swait.ge [sflag:s4], $0x0  }
0x19: {  	s7 =	sld [smem:$0x3F9C]  }
0x1a: {  	s8 =	sadd.s32 $0xFFFFE003, lr  }
0x1b: {  	s9 =	sadd.s32 $0xFFFFFEF7, lr;
	s5 =	simm.s32 $0xFFFFFFFF;
	p2 =	slt.u32 s8, $0xFFFFF086  }
0x1c: {  	p1 =	slt.u32 s9, $0xF7A;
	s5 =	simm.s32 @!p2 $0x0  }
0x1d: {  	s5 =	simm.s32 @p1 $0x1;
	p0 =	seq.s32 s7, s2  }
0x1e: {  	s7 =	smul.u32 @!p0 $0xF7A, s2;
	p2 =	seq.s32 @!p0 s5, $0x0  }
0x1f: {  	s9 =	smul.u32 $0xF7A, s1;
	s8 =	simm.s32 @!p0 $0x1BF5;
	p2 =	por !p2, p0  }
0x20: {  	[sflag:s8] =	ssyncset.s32 @!p0 $0xFFFFF086;
	s6 =	sadd.s32 @!p0 s3, s7;
	s7 =	simm.s32 @!p0 $0x108  }
0x21: {  	s3 =	sadd.s32 s3, s9;
	s6 =	sadd.s32 @!p0 $0x88, s6;
	s7 =	simm.s32 @p2 $0x1082  }
0x22: {  	[simem:s7], [sflag:s8] =	dma.local @!p0 [hbm:s6], $0xF7A  }
0x23: {  	s9 =	sor.u32 $0xD0000000, s2;
	s6 =	simm.s32 $0x108;
	_ =	swait.ge @!p0 [sflag:s8], $0x0  }
0x24: {  	s3 =	sadd.s32 $0x88, s3;
	s6 =	simm.s32 @!p1 $0x1082;
	[sflag:s4] =	ssyncset.s32 $0xFFFFF086  }
0x25: {  	[simem:s6], [sflag:s4] =	dma.local [hbm:s3], $0xF7A  }
0x26: {  	[smem:$0x3F9C] =	sst s1;
	(tag) =	ssettag s2;
	_ =	strace s9  }
0x27: {  	s1 =	sld [smem:$0x3FAC]  }
0x28: {  	s2 =	sld [smem:$0x3FAD]  }
0x29: {  	s4 =	sld [smem:$0x3FAF]  }
0x2a: {  	p0 =	seq.s32 s5, $0x0;
	s5 =	sld [smem:$0x3FB0]  }
0x2b: {  	s6 =	sld [smem:$0x3FB1]  }
0x2c: {  	s7 =	sld [smem:$0x3FB2]  }
0x2d: {  	s3 =	simm.s32 $0x108;
	s8 =	sld [smem:$0x3FB3]  }
0x2e: {  	s3 =	simm.s32 @!p0 $0x1082;
	s9 =	sld [smem:$0x3FB4]  }
0x2f: {  	lr =	sadd.s32 s0, s3;
	s0 =	sld [smem:$0x3FAB]  }
0x30: {  	s3 =	sld [smem:$0x3FAE]  }
0x31: {  	[smem:$0x3FB7] =	sst s10  }
0x32: {  	s10 =	sld [smem:$0x3FB5];
	_ =	sdelay $0x3  }
0x33: {  	p0 =	seq.s32 s10, $0x1;
	s10 =	sld [smem:$0x3FB7];
	_ =	sdelay $0x3  }
0x34: {  	[smem:$0x3FB7] =	sst s10  }
0x35: {  	s10 =	sld [smem:$0x3FB6];
	_ =	sdelay $0x3  }
0x36: {  	p1 =	seq.s32 s10, $0x1;
	s10 =	sld [smem:$0x3FB7];
	_ =	sdelay $0x3  }
0x37: {  	[smem:$0x3FB7] =	sst s10  }
0x38: {  	s10 =	sld [smem:$0x3FB8]  }
0x39: {  	_ = 	snop;
	(pc) =	sbr.ind lr, $3  }
0x3a: {  	_ = 	snop  }
0x3b: {  	_ = 	snop  }
0x3c: {  	p2 =	seq.s32 s10, $0x1;
	s10 =	sld [smem:$0x3FB7]  }
0x3d: {  	_ =	shalt  }
0x3e: {  	_ =	shalt  }
0x3f: {  	_ =	shalt  }
0x40: {  	_ =	shalt  }
0x41: {  	_ =	shalt  }
0x42: {  	_ =	shalt  }
0x43: {  	_ =	shalt  }
0x44: {  	_ =	shalt  }
0x45: {  	_ =	shalt  }
0x46: {  	_ =	shalt  }
0x47: {  	_ =	shalt  }
0x48: {  	_ =	shalt  }
0x49: {  	_ =	shalt  }
0x4a: {  	_ =	shalt  }
0x4b: {  	_ =	shalt  }
0x4c: {  	_ =	shalt  }
0x4d: {  	_ =	shalt  }
0x4e: {  	_ =	shalt  }
0x4f: {  	_ =	shalt  }
0x50: {  	_ =	shalt  }
0x51: {  	_ =	shalt  }
0x52: {  	_ =	shalt  }
0x53: {  	_ =	shalt  }
0x54: {  	_ =	shalt  }
0x55: {  	_ =	shalt  }
0x56: {  	_ =	shalt  }
0x57: {  	_ =	shalt  }
0x58: {  	_ =	shalt  }
0x59: {  	_ =	shalt  }
0x5a: {  	_ =	shalt  }
0x5b: {  	_ =	shalt  }
0x5c: {  	_ =	shalt  }
0x5d: {  	_ =	shalt  }
0x5e: {  	_ =	shalt  }
0x5f: {  	_ =	shalt  }
0x60: {  	_ =	shalt  }
0x61: {  	_ =	shalt  }
0x62: {  	_ =	shalt  }
0x63: {  	_ =	shalt  }
0x64: {  	_ =	shalt  }
0x65: {  	_ =	shalt  }
0x66: {  	_ =	shalt  }
0x67: {  	_ =	shalt  }
0x68: {  	_ =	shalt  }
0x69: {  	_ =	shalt  }
0x6a: {  	_ =	shalt  }
0x6b: {  	_ =	shalt  }
0x6c: {  	_ =	shalt  }
0x6d: {  	_ =	shalt  }
0x6e: {  	_ =	shalt  }
0x6f: {  	_ =	shalt  }
0x70: {  	_ =	shalt  }
0x71: {  	_ =	shalt  }
0x72: {  	_ =	shalt  }
0x73: {  	_ =	shalt  }
0x74: {  	_ =	shalt  }
0x75: {  	_ =	shalt  }
0x76: {  	_ =	shalt  }
0x77: {  	_ =	shalt  }
0x78: {  	_ =	shalt  }
0x79: {  	_ =	shalt  }
0x7a: {  	_ =	shalt  }
0x7b: {  	_ =	shalt  }
0x7c: {  	_ =	shalt  }
0x7d: {  	_ =	shalt  }
0x7e: {  	_ =	shalt  }
0x7f: {  	_ =	shalt  }
0x80: {  	_ =	shalt  }
0x81: {  	_ =	shalt  }
0x82: {  	_ =	shalt  }
0x83: {  	_ =	shalt  }
0x84: {  	_ =	shalt  }
0x85: {  	_ =	shalt  }
0x86: {  	_ =	shalt  }
0x87: {  	_ =	shalt  }
.Lfunc_end0:
.L_simem_size_0:
called_computation.2_lowered:
.L_overlay_start_0:
0x88: {  	s2 =	sld [smem:$0x3FD9]  }
0x89: {  	s3 =	sld [smem:$0x3FFE];
	_ =	sdelay $0x1  }
0x8a: {  	s1 =	srdreg.scid  }
0x8b: {  	s0 =	sand.u32 $0x1, s1  }
0x8c: {  	s16 =	sshll.u32 s0, $0xA;
	s2 =	sadd.s32 s3, s2  }
0x8d: {  	s2 =	sadd.s32 s2, s16  }
0x8e: {  	[smem:$0x3FC3] =	sst s2  }
0x8f: {  	_ = 	snop  }
0x90: {  	(tm) =	ssettm $0x1  }
0x91: {  	s17 =	sld [smem:$0x3FFB];
	_ =	sdelay $0x3  }
0x92: {  	_ =	strace s17  }
0x93: {  	s2 =	sld [smem:$0x3FFC];
	_ =	sdelay $0x3  }
0x94: {  	_ =	strace s2  }
0x95: {  	s2 =	sld [smem:$0x3FFD];
	_ =	sdelay $0x3  }
0x96: {  	_ =	strace s2  }
0x97: {  	_ =	strace $0x8FFFFFFF  }
0x98: {  	s18 =	sld [smem:$0x3FDB];
	_ =	sdelay $0x1  }
0x99: {  	s19 =	simm.s32 $_scs_section_size  }
0x9a: {  	s4 =	simm.s32 $_size__tile_overlayer_lowered;
	s5 =	simm.s32 $_tile_overlayer_lowered  }
0x9b: {  	s22 =	simm.s32 $0x1BFF;
	s21 =	sshll.u32 s5, $0x1;
	s2 =	sadd.s32 s19, s18  }
0x9c: {  	s6 =	simm.s32 $0x0;
	s20 =	sshll.u32 s4, $0x1;
	s4 =	sadd.s32 s21, s2  }
0x9d: {  	[timem:s6], [sflag:s22] =	dma.local [hbm:s4], s20  }
0x9e: {  	_ =	swait.ge [sflag:s22], s20  }
0x9f: {  	s3 =	ssub.s32 $0x0, s20;
	[sflag:s22] =	ssyncset.done $0x0  }
0xa0: {  	[sflag:s22] =	ssyncadd.s32 s3;
	_ =	sdelay $0x1  }
0xa1: {  	s23 =	simm.s32 $0x1B8B  }
0xa2: {  	_ =	swait.ge [sflag:s23], $0x1  }
0xa3: {  	[sflag:s23] =	ssyncset.done $0x0  }
0xa4: {  	s25 =	simm.s32 $0x1B8E;
	s24 =	sld [smem:$0x3FFE];
	[sflag:s23] =	ssyncadd.s32 $0xFFFFFFFF  }
0xa5: {  	s26 =	simm.s32 $execute0_lowered;
	[smem:$0x3FD2] =	sst s25  }
0xa6: {  	s4 =	sshll.u32 s26, $0x1;
	_ =	strace $0x8000004C;
	[dreg:$0x1] =	wrdreg $0xFFFFFFFF  }
0xa7: {  	s28 =	simm.s32 $_size_execute0_lowered;
	s2 =	sadd.s32 s2, s4;
	[dreg:$0x0] =	wrdreg $0x0  }
0xa8: {  	s4 =	sshll.u32 s28, $0x1;
	[dreg:$0x2] =	wrdreg s2  }
0xa9: {  	[dreg:$0x3] =	wrdreg s4  }
0xaa: {  	[dreg:$0x4] =	wrdreg $0xC0  }
0xab: {  	_ =	task [dreg:s6], $0x5FFFF  }
0xac: {  	[dreg:$0x1] =	wrdreg $0xFFFFFFFF  }
0xad: {  	[dreg:$0x0] =	wrdreg $0x60  }
0xae: {  	[dreg:$0x2] =	wrdreg s24  }
0xaf: {  	[dreg:$0x3] =	wrdreg $0x134000  }
0xb0: {  	[dreg:$0x4] =	wrdreg $0x9  }
0xb1: {  	_ =	task.clear_ibuf [dreg:s6], $0x5FFFF;
	_ =	strace $0x9000004C  }
0xb2: {  	s29 =	simm.s32 $0x9;
	_ =	strace $0x8000004E  }
0xb3: {  	_ =	swait.ge [sflag:s29], $0x1  }
0xb4: {  	[sflag:s29] =	ssyncadd.s32 $0xFFFFFFFF  }
0xb5: {  	_ =	strace $0x9000004E  }
0xb6: {  	_ =	sfence  }
0xb7: {  	s30 =	sld [smem:$0x0];
	_ =	sdelay $0x2  }
0xb8: {  	s31 =	sshll.u32 s1, $0xD;
	s1 =	sshrl.u32 s1, $0x2  }
0xb9: {  	s3 =	sand.u32 $0x4000, s31;
	s1 =	sadd.s32 s1, s30  }
0xba: {  	s0 =	sor.u32 s3, s0;
	s1 =	sshll.u32 s1, $0x11  }
0xbb: {  	s0 =	sor.u32 s1, s0  }
0xbc: {  	s0 =	sadd.s32 $0x8F2B, s0  }
0xbd: {  	[sflag:s0] =	ssyncadd.remote.s32 $0x1  }
0xbe: {  	_ =	sfence.sel $0xFFFF  }
0xbf: {  	[dreg:$0x0] =	wrdreg $0xFFFFFFFF;
	(pc) =	sbr.abs _section_cstart, $3  }
0xc0: {  	[dreg:$0x1] =	wrdreg $0xFFFFFFFF  }
0xc1: {  	_ =	task.clear_ibuf [dreg:s6], $0x2FFFF;
	_ =	strace $0x9FFFFFFF  }
0xc2: {  	(tm) =	ssettm $0x7FFFFFFF  }
0xc3: {  	_ =	shalt  }
tec
execute0_lowered:
.L_overlay_start_1:
0x0: {  	(tag) =	ssettag $0x1  }
0x1: {  	s1 =	srdreg.scid;
	s8 =	rddreg [dreg:$0x0]  }
0x2: {  	s0 =	stileid.u32;
	s10 =	rddreg [dreg:$0x1];
	s3 =	simm.s32 $0x0  }
0x3: {  	s18 =	simm.s32 $0x10300;
	s19 =	simm.s32 $0x0;
	s6 =	sand.u32 $0x1, s1  }
0x4: {  	s7 =	sand.u32 $0x3, s0;
	s9 =	sshrl.u32 s0, $0x2;
	s15 =	smul.u32 $0x31000, s0  }
0x5: {  	[smem:$0x7FF] =	sst s3;
	s5 =	sadd.s32 $0x30E200, s8;
	s2 =	smul.u32 $0x3100, s9  }
0x6: {  	s1 =	sshll.u32 s6, $0x2;
	s23 =	ssub.s32 $0x2, s6;
	s6 =	smul.u32 $0xC3500, s6  }
0x7: {  	s16 =	sadd.s32 $0xC, s0;
	s17 =	sxor.u32 $0x8, s0;
	s14 =	smul.u32 $0x30D40, s9  }
0x8: {  	s24 =	sadd.s32 $0x4, s0;
	s16 =	sand.u32 $0xC, s16;
	s17 =	smul.u32 $0x31000, s17  }
0x9: {  	s30 =	smul.u32 $0xC400, s9;
	s1 =	sor.u32 s7, s1;
	s13 =	sshrl.u32 s23, $0x1  }
0xa: {  	s25 =	sor.u32 s7, s16;
	s26 =	sshrl.u32 s15, $0x2;
	s4 =	smul.u32 $0xC400, s1  }
0xb: {  	s16 =	simm.s32 $0x1;
	s1 =	rddreg [dreg:$0x2];
	_ =	strace $0x8000004D  }
0xc: {  	s13 =	ssub.s32 s23, s13;
	s6 =	sadd.s32 s6, s14;
	s4 =	sadd.s32 s2, s4  }
0xd: {  	s28 =	smul.u32 $0x31000, s25;
	s29 =	sshrl.u32 s17, $0x2;
	s11 =	sshrl.u32 s4, $0x3  }
0xe: {  	s31 =	sshrl.u32 s30, $0x2;
	s12 =	sadd.s32 s11, s8;
	s11 =	sand.u32 $0xC, s24  }
0xf: {  	s17 =	simm.s32 $0xE380;
	s14 =	sadd.s32 s29, s10;
	s11 =	sor.u32 s7, s11  }
0x10: {  	s13 =	smax.u32 s13, $0x1;
	s15 =	sshrl.u32 s28, $0x2;
	s11 =	smul.u32 $0x31000, s11  }
0x11: {  	s4 =	sadd.s32 $0x7000, s8;
	s15 =	sadd.s32 s15, s10;
	s8 =	sadd.s32 s26, s10  }
0x12: {  	s7 =	smul.u32 $0x186A00, s7;
	s12 =	sadd.s32 $0xCA600, s12;
	s11 =	sshrl.u32 s11, $0x2  }
0x13: {  	s11 =	sadd.s32 s11, s10;
	s10 =	sadd.s32 s2, s14;
	s14 =	sor.u32 $0x40, s31  }
0x14: {  	v0 =	vimm.f32 $-Inf;
	v1 =	vimm.s32 $0x0;
	s9 =	sadd.s32 s2, s11;
	s11 =	sadd.s32 s2, s15;
	s15 =	simm.s32 $0xC400  }
.LBB2_1:
0x15: {  	s20 =	simm.s32 $0x40  }
0x16: {  	[tilespmem:s20+$0xFFFFFFC0] =	vst v0  }
0x17: {  	[tilespmem:s20+$0x30] =	vst v0  }
0x18: {  	[tilespmem:s20+$0x20] =	vst v0  }
0x19: {  	[tilespmem:s20+$0x10] =	vst v0  }
0x1a: {  	[tilespmem:s20+$0x0] =	vst v0  }
0x1b: {  	[tilespmem:s20+$0xFFFFFFF0] =	vst v0  }
0x1c: {  	s21 =	simm.s32 $0x0;
	[tilespmem:s20+$0xFFFFFFE0] =	vst v0  }
.LBB2_2:
0x1d: {  	s21 =	sadd.s32 $0x8, s21;
	[tilespmem:s20+$0xFFFFFFD0] =	vst v0;
	s20 =	sadd.s32 $0x80, s20  }
0x1e: {  	[tilespmem:s20+$0xFFFFFFC0] =	vst v0;
	p0 =	slt.u32 s21, $0xC38  }
0x1f: {  	[tilespmem:s20+$0x30] =	vst v0  }
.Ltmp0:
0x20: {  	[tilespmem:s20+$0x20] =	vst v0;
	(pc) =	sbr.rel @p0 .LBB2_2-.Ltmp0, $4  }
0x21: {  	[tilespmem:s20+$0x10] =	vst v0  }
0x22: {  	[tilespmem:s20+$0x0] =	vst v0  }
0x23: {  	[tilespmem:s20+$0xFFFFFFF0] =	vst v0  }
0x24: {  	[tilespmem:s20+$0xFFFFFFE0] =	vst v0  }
0x25: {  	[tilespmem:s20+$0xFFFFFFD0] =	vst v0;
	s20 =	simm.s32 $0x0;
	s21 =	simm.s32 $0x0  }
.LBB2_4:
0x26: {  	s22 =	smul.u32 $0x1F40, s21;
	_ =	sdelay $0x1  }
0x27: {  	s22 =	sadd.s32 s22, s6  }
0x28: {  	s23 =	sshrl.u32 s22, $0x3  }
0x29: {  	s23 =	sadd.s32 s5, s23  }
0x2a: {  	[tilespmem:s15], [sflag:$0x1] =	stream.linear.gather [hbm4b:s23+s20], $0x1F40, $0x38;
	[tilespmem:$0x1F800] =	vst v63  }
0x2b: {  	s22 =	sadd.s32 s7, s22;
	_ =	swait.ge [sflag:s16], $0x1F40  }
0x2c: {  	s22 =	sshrl.u32 s22, $0x3;
	[sflag:s16] =	ssyncset.done $0x0  }
0x2d: {  	s22 =	sadd.s32 s4, s22;
	[sflag:s16] =	ssyncadd.s32 $0xFFFFE0C0  }
0x2e: {  	[tilespmem:s17], [sflag:$0x1] =	stream.linear.gather [hbm4b:s22+s20], $0x1F40, $0x38;
	[tilespmem:$0x1F800] =	vst v63  }
0x2f: {  	_ =	swait.ge [sflag:s16], $0x1F40  }
0x30: {  	[sflag:s16] =	ssyncset.done $0x0  }
0x31: {  	s22 =	simm.s32 $0x0;
	[sflag:s16] =	ssyncadd.s32 $0xFFFFE0C0  }
.LBB2_5:
0x32: {  	s23 =	sshll.u32 s22, $0x4  }
0x33: {  	v2 =	vld [tilespmem:s23+$0xC400];
	_ =	sdelay $0x6  }
0x34: {  	v3 =	vld [tilespmem:s23+$0xE380]  }
.LBB2_6:
0x35: {  	v4 =	vld.idx.msk [tilespmem:v2+s3+$0x0], $0xffff;
	_ =	sdelay $0x4  }
0x36: {  	vm0 =	vgt.f32 v3, v4;
	_ =	sdelay $0x4  }
0x37: {  	v4 =	vmax.f32 v4, v3  }
0x38: {  	[tilespmem:v2+s3+$0x0] =	vst.idx.msk vm0, v4  }
0x39: {  	v4 =	vld.idx.msk [tilespmem:v2+s3+$0x0], $0xffff;
	_ =	sdelay $0x4  }
0x3a: {  	vm15 =	vgt.f32 v3, v4  }
0x3b: {  	v4 =	vsel vm15, $0x1, v1  }
0x3c: {  	(xrf0) =	vadd.scan.msk.s32 $0xffff, v4;
	_ =	sdelay $0x5  }
0x3d: {  	v4, _, _ =	vpop (xrf0)  }
0x3e: {  	(v2sf) =	vpush v4, $0xF;
	_ =	sdelay $0xe  }
0x3f: {  	s23 =	spop (v2sf)  }
0x40: {  	p0 =	sgt.s32 s23, $0x0  }
.Ltmp1:
0x41: {  	_ = 	snop;
	(pc) =	sbr.rel @p0 .LBB2_6-.Ltmp1, $1  }
0x42: {  	_ =	sdelay $0x3  }
0x43: {  	s22 =	sadd.s32 $0x1, s22  }
0x44: {  	p0 =	sne.s32 s22, $0x1F4  }
.Ltmp2:
0x45: {  	_ = 	snop;
	(pc) =	sbr.rel @p0 .LBB2_5-.Ltmp2, $1  }
0x46: {  	_ =	sdelay $0x3  }
0x47: {  	s21 =	sadd.s32 $0x1, s21  }
0x48: {  	p0 =	sne.s32 s21, $0x19  }
.Ltmp3:
0x49: {  	_ = 	snop;
	(pc) =	sbr.rel @p0 .LBB2_4-.Ltmp3, $1  }
0x4a: {  	_ =	sdelay $0x3  }
0x4b: {  	[spmem:s8] =	stream.linear.scatter [tilespmem:s3], [sflag:$0x1], $0xC400, $0x38;
	[tilespmem:$0x1F800] =	vst v63  }
0x4c: {  	_ =	swait.ge [sflag:s16], $0xC400  }
0x4d: {  	[sflag:s16] =	ssyncset.done $0x0  }
0x4e: {  	[sflag:s16] =	ssyncadd.s32 $0xFFFF3C00  }
0x4f: {  	[bflag:$0x0] =	sbarrier.arrive $0xFFFF  }
0x50: {  	[tilespmem:s18], [sflag:$0x1] =	stream.linear.gather [spmem:s9], $0x3100, $0x38;
	[tilespmem:$0x1F800] =	vst v63  }
0x51: {  	_ =	swait.ge [sflag:s16], $0x3100  }
0x52: {  	[sflag:s16] =	ssyncset.done $0x0  }
0x53: {  	[sflag:s16] =	ssyncadd.s32 $0xFFFFCF00  }
0x54: {  	s20 =	simm.s32 $0x10340;
	v3 =	vld [tilespmem:s14+$0x30]  }
0x55: {  	v4 =	vld [tilespmem:s20+$0x30]  }
0x56: {  	v2 =	vld [tilespmem:s20+$0xFFFFFFC0]  }
0x57: {  	v5 =	vld [tilespmem:s14+$0xFFFFFFD0]  }
0x58: {  	v6 =	vld [tilespmem:s20+$0xFFFFFFD0]  }
0x59: {  	v7 =	vld [tilespmem:s14+$0xFFFFFFE0]  }
0x5a: {  	v8 =	vld [tilespmem:s20+$0xFFFFFFE0]  }
0x5b: {  	v9 =	vld [tilespmem:s14+$0xFFFFFFF0]  }
0x5c: {  	v10 =	vld [tilespmem:s20+$0xFFFFFFF0]  }
0x5d: {  	v11 =	vld [tilespmem:s14+$0x0]  }
0x5e: {  	v12 =	vld [tilespmem:s20+$0x0]  }
0x5f: {  	v4 =	vmax.f32 v3, v4;
	v3 =	vld [tilespmem:s14+$0x10]  }
0x60: {  	[tilespmem:s14+$0x30] =	vst v4;
	v4 =	vmax.f32 v5, v6;
	v5 =	vld [tilespmem:s20+$0x10]  }
0x61: {  	v6 =	vmax.f32 v7, v8;
	[tilespmem:s14+$0xFFFFFFD0] =	vst v4;
	v4 =	vld [tilespmem:s14+$0x20]  }
0x62: {  	v7 =	vmax.f32 v9, v10;
	[tilespmem:s14+$0xFFFFFFE0] =	vst v6;
	v6 =	vld [tilespmem:s20+$0x20]  }
0x63: {  	s22 =	simm.s32 $0x0;
	s23 =	sadd.s32 $0x80, s14;
	s21 =	smov.u32 s14;
	v8 =	vmax.f32 v11, v12;
	[tilespmem:s14+$0xFFFFFFF0] =	vst v7;
	v7 =	vld [tilespmem:s14+$0xFFFFFFC0]  }
.LBB2_10:
0x64: {  	v9 =	vld [tilespmem:s23+$0x30];
	[tilespmem:s21+$0x0] =	vst v8;
	s20 =	sadd.s32 $0x80, s20  }
0x65: {  	s22 =	sadd.s32 $0x8, s22;
	v8 =	vld [tilespmem:s20+$0x30];
	v3 =	vmax.f32 v3, v5  }
0x66: {  	p0 =	slt.u32 s22, $0x308;
	v5 =	vld [tilespmem:s20+$0xFFFFFFC0];
	[tilespmem:s21+$0x10] =	vst v3  }
0x67: {  	v3 =	vld [tilespmem:s23+$0xFFFFFFD0];
	v4 =	vmax.f32 v4, v6  }
0x68: {  	v6 =	vld [tilespmem:s20+$0xFFFFFFD0];
	v2 =	vmax.f32 v7, v2;
	[tilespmem:s21+$0x20] =	vst v4  }
0x69: {  	v4 =	vld [tilespmem:s23+$0xFFFFFFE0];
	[tilespmem:s21+$0xFFFFFFC0] =	vst v2;
	s21 =	smov.u32 s23  }
0x6a: {  	v7 =	vld [tilespmem:s20+$0xFFFFFFE0];
	v9 =	vmax.f32 v9, v8  }
0x6b: {  	v8 =	vld [tilespmem:s23+$0xFFFFFFF0];
	[tilespmem:s23+$0x30] =	vst v9;
	v2 =	vmov v5  }
0x6c: {  	v9 =	vld [tilespmem:s20+$0xFFFFFFF0]  }
0x6d: {  	v3 =	vmax.f32 v3, v6;
	v10 =	vld [tilespmem:s23+$0x0]  }
0x6e: {  	[tilespmem:s23+$0xFFFFFFD0] =	vst v3;
	v11 =	vld [tilespmem:s20+$0x0]  }
.Ltmp4:
0x6f: {  	v4 =	vmax.f32 v4, v7;
	v3 =	vld [tilespmem:s23+$0x10];
	(pc) =	sbr.rel @p0 .LBB2_10-.Ltmp4, $4  }
0x70: {  	[tilespmem:s23+$0xFFFFFFE0] =	vst v4;
	v5 =	vld [tilespmem:s20+$0x10]  }
0x71: {  	v6 =	vmax.f32 v8, v9;
	v4 =	vld [tilespmem:s23+$0x20]  }
0x72: {  	[tilespmem:s23+$0xFFFFFFF0] =	vst v6;
	v6 =	vld [tilespmem:s20+$0x20]  }
0x73: {  	s23 =	sadd.s32 $0x80, s23;
	v7 =	vld [tilespmem:s21+$0xFFFFFFC0];
	v8 =	vmax.f32 v10, v11  }
0x74: {  	_ =	sdelay $0x1  }
0x75: {  	[tilespmem:s21+$0x0] =	vst v8;
	v3 =	vmax.f32 v3, v5  }
0x76: {  	[tilespmem:s21+$0x10] =	vst v3;
	v3 =	vmax.f32 v4, v6  }
0x77: {  	v2 =	vmax.f32 v7, v2;
	[tilespmem:s21+$0x20] =	vst v3  }
0x78: {  	[tilespmem:s21+$0xFFFFFFC0] =	vst v2  }
0x79: {  	[tilespmem:s18], [sflag:$0x1] =	stream.linear.gather [spmem:s10], $0x3100, $0x38;
	[tilespmem:$0x1F800] =	vst v63  }
0x7a: {  	_ =	swait.ge [sflag:s16], $0x3100  }
0x7b: {  	[sflag:s16] =	ssyncset.done $0x0  }
0x7c: {  	[sflag:s16] =	ssyncadd.s32 $0xFFFFCF00  }
0x7d: {  	s20 =	simm.s32 $0x10340;
	v3 =	vld [tilespmem:s14+$0x30]  }
0x7e: {  	v4 =	vld [tilespmem:s20+$0x30]  }
0x7f: {  	v2 =	vld [tilespmem:s20+$0xFFFFFFC0]  }
0x80: {  	v5 =	vld [tilespmem:s14+$0xFFFFFFD0]  }
0x81: {  	v6 =	vld [tilespmem:s20+$0xFFFFFFD0]  }
0x82: {  	v7 =	vld [tilespmem:s14+$0xFFFFFFE0]  }
0x83: {  	v8 =	vld [tilespmem:s20+$0xFFFFFFE0]  }
0x84: {  	v9 =	vld [tilespmem:s14+$0xFFFFFFF0]  }
0x85: {  	v10 =	vld [tilespmem:s20+$0xFFFFFFF0]  }
0x86: {  	v11 =	vld [tilespmem:s14+$0x0]  }
0x87: {  	v12 =	vld [tilespmem:s20+$0x0]  }
0x88: {  	v4 =	vmax.f32 v3, v4;
	v3 =	vld [tilespmem:s14+$0x10]  }
0x89: {  	[tilespmem:s14+$0x30] =	vst v4;
	v4 =	vmax.f32 v5, v6;
	v5 =	vld [tilespmem:s20+$0x10]  }
0x8a: {  	v6 =	vmax.f32 v7, v8;
	[tilespmem:s14+$0xFFFFFFD0] =	vst v4;
	v4 =	vld [tilespmem:s14+$0x20]  }
0x8b: {  	v7 =	vmax.f32 v9, v10;
	[tilespmem:s14+$0xFFFFFFE0] =	vst v6;
	v6 =	vld [tilespmem:s20+$0x20]  }
0x8c: {  	s22 =	simm.s32 $0x0;
	s23 =	sadd.s32 $0x80, s14;
	s21 =	smov.u32 s14;
	v8 =	vmax.f32 v11, v12;
	[tilespmem:s14+$0xFFFFFFF0] =	vst v7;
	v7 =	vld [tilespmem:s14+$0xFFFFFFC0]  }
.LBB2_12:
0x8d: {  	v9 =	vld [tilespmem:s23+$0x30];
	[tilespmem:s21+$0x0] =	vst v8;
	s20 =	sadd.s32 $0x80, s20  }
0x8e: {  	s22 =	sadd.s32 $0x8, s22;
	v8 =	vld [tilespmem:s20+$0x30];
	v3 =	vmax.f32 v3, v5  }
0x8f: {  	p0 =	slt.u32 s22, $0x308;
	v5 =	vld [tilespmem:s20+$0xFFFFFFC0];
	[tilespmem:s21+$0x10] =	vst v3  }
0x90: {  	v3 =	vld [tilespmem:s23+$0xFFFFFFD0];
	v4 =	vmax.f32 v4, v6  }
0x91: {  	v6 =	vld [tilespmem:s20+$0xFFFFFFD0];
	v2 =	vmax.f32 v7, v2;
	[tilespmem:s21+$0x20] =	vst v4  }
0x92: {  	v4 =	vld [tilespmem:s23+$0xFFFFFFE0];
	[tilespmem:s21+$0xFFFFFFC0] =	vst v2;
	s21 =	smov.u32 s23  }
0x93: {  	v7 =	vld [tilespmem:s20+$0xFFFFFFE0];
	v9 =	vmax.f32 v9, v8  }
0x94: {  	v8 =	vld [tilespmem:s23+$0xFFFFFFF0];
	[tilespmem:s23+$0x30] =	vst v9;
	v2 =	vmov v5  }
0x95: {  	v9 =	vld [tilespmem:s20+$0xFFFFFFF0]  }
0x96: {  	v3 =	vmax.f32 v3, v6;
	v10 =	vld [tilespmem:s23+$0x0]  }
0x97: {  	[tilespmem:s23+$0xFFFFFFD0] =	vst v3;
	v11 =	vld [tilespmem:s20+$0x0]  }
.Ltmp5:
0x98: {  	v4 =	vmax.f32 v4, v7;
	v3 =	vld [tilespmem:s23+$0x10];
	(pc) =	sbr.rel @p0 .LBB2_12-.Ltmp5, $4  }
0x99: {  	[tilespmem:s23+$0xFFFFFFE0] =	vst v4;
	v5 =	vld [tilespmem:s20+$0x10]  }
0x9a: {  	v6 =	vmax.f32 v8, v9;
	v4 =	vld [tilespmem:s23+$0x20]  }
0x9b: {  	[tilespmem:s23+$0xFFFFFFF0] =	vst v6;
	v6 =	vld [tilespmem:s20+$0x20]  }
0x9c: {  	s23 =	sadd.s32 $0x80, s23;
	v7 =	vld [tilespmem:s21+$0xFFFFFFC0];
	v8 =	vmax.f32 v10, v11  }
0x9d: {  	_ =	sdelay $0x1  }
0x9e: {  	[tilespmem:s21+$0x0] =	vst v8;
	v3 =	vmax.f32 v3, v5  }
0x9f: {  	[tilespmem:s21+$0x10] =	vst v3;
	v3 =	vmax.f32 v4, v6  }
0xa0: {  	v2 =	vmax.f32 v7, v2;
	[tilespmem:s21+$0x20] =	vst v3  }
0xa1: {  	[tilespmem:s21+$0xFFFFFFC0] =	vst v2  }
0xa2: {  	[tilespmem:s18], [sflag:$0x1] =	stream.linear.gather [spmem:s11], $0x3100, $0x38;
	[tilespmem:$0x1F800] =	vst v63  }
0xa3: {  	_ =	swait.ge [sflag:s16], $0x3100  }
0xa4: {  	[sflag:s16] =	ssyncset.done $0x0  }
0xa5: {  	[sflag:s16] =	ssyncadd.s32 $0xFFFFCF00  }
0xa6: {  	s20 =	simm.s32 $0x10340;
	v3 =	vld [tilespmem:s14+$0x30]  }
0xa7: {  	v4 =	vld [tilespmem:s20+$0x30]  }
0xa8: {  	v2 =	vld [tilespmem:s20+$0xFFFFFFC0]  }
0xa9: {  	v5 =	vld [tilespmem:s14+$0xFFFFFFD0]  }
0xaa: {  	v6 =	vld [tilespmem:s20+$0xFFFFFFD0]  }
0xab: {  	v7 =	vld [tilespmem:s14+$0xFFFFFFE0]  }
0xac: {  	v8 =	vld [tilespmem:s20+$0xFFFFFFE0]  }
0xad: {  	v9 =	vld [tilespmem:s14+$0xFFFFFFF0]  }
0xae: {  	v10 =	vld [tilespmem:s20+$0xFFFFFFF0]  }
0xaf: {  	v11 =	vld [tilespmem:s14+$0x0]  }
0xb0: {  	v12 =	vld [tilespmem:s20+$0x0]  }
0xb1: {  	v4 =	vmax.f32 v3, v4;
	v3 =	vld [tilespmem:s14+$0x10]  }
0xb2: {  	[tilespmem:s14+$0x30] =	vst v4;
	v4 =	vmax.f32 v5, v6;
	v5 =	vld [tilespmem:s20+$0x10]  }
0xb3: {  	v6 =	vmax.f32 v7, v8;
	[tilespmem:s14+$0xFFFFFFD0] =	vst v4;
	v4 =	vld [tilespmem:s14+$0x20]  }
0xb4: {  	v7 =	vmax.f32 v9, v10;
	[tilespmem:s14+$0xFFFFFFE0] =	vst v6;
	v6 =	vld [tilespmem:s20+$0x20]  }
0xb5: {  	s22 =	simm.s32 $0x0;
	s23 =	sadd.s32 $0x80, s14;
	s21 =	smov.u32 s14;
	v8 =	vmax.f32 v11, v12;
	[tilespmem:s14+$0xFFFFFFF0] =	vst v7;
	v7 =	vld [tilespmem:s14+$0xFFFFFFC0]  }
.LBB2_14:
0xb6: {  	v9 =	vld [tilespmem:s23+$0x30];
	[tilespmem:s21+$0x0] =	vst v8;
	s20 =	sadd.s32 $0x80, s20  }
0xb7: {  	s22 =	sadd.s32 $0x8, s22;
	v8 =	vld [tilespmem:s20+$0x30];
	v3 =	vmax.f32 v3, v5  }
0xb8: {  	p0 =	slt.u32 s22, $0x308;
	v5 =	vld [tilespmem:s20+$0xFFFFFFC0];
	[tilespmem:s21+$0x10] =	vst v3  }
0xb9: {  	v3 =	vld [tilespmem:s23+$0xFFFFFFD0];
	v4 =	vmax.f32 v4, v6  }
0xba: {  	v6 =	vld [tilespmem:s20+$0xFFFFFFD0];
	v2 =	vmax.f32 v7, v2;
	[tilespmem:s21+$0x20] =	vst v4  }
0xbb: {  	v4 =	vld [tilespmem:s23+$0xFFFFFFE0];
	[tilespmem:s21+$0xFFFFFFC0] =	vst v2;
	s21 =	smov.u32 s23  }
0xbc: {  	v7 =	vld [tilespmem:s20+$0xFFFFFFE0];
	v9 =	vmax.f32 v9, v8  }
0xbd: {  	v8 =	vld [tilespmem:s23+$0xFFFFFFF0];
	[tilespmem:s23+$0x30] =	vst v9;
	v2 =	vmov v5  }
0xbe: {  	v9 =	vld [tilespmem:s20+$0xFFFFFFF0]  }
0xbf: {  	v3 =	vmax.f32 v3, v6;
	v10 =	vld [tilespmem:s23+$0x0]  }
0xc0: {  	[tilespmem:s23+$0xFFFFFFD0] =	vst v3;
	v11 =	vld [tilespmem:s20+$0x0]  }
.Ltmp6:
0xc1: {  	v4 =	vmax.f32 v4, v7;
	v3 =	vld [tilespmem:s23+$0x10];
	(pc) =	sbr.rel @p0 .LBB2_14-.Ltmp6, $4  }
0xc2: {  	[tilespmem:s23+$0xFFFFFFE0] =	vst v4;
	v5 =	vld [tilespmem:s20+$0x10]  }
0xc3: {  	v6 =	vmax.f32 v8, v9;
	v4 =	vld [tilespmem:s23+$0x20]  }
0xc4: {  	[tilespmem:s23+$0xFFFFFFF0] =	vst v6;
	v6 =	vld [tilespmem:s20+$0x20]  }
0xc5: {  	s23 =	sadd.s32 $0x80, s23;
	v7 =	vld [tilespmem:s21+$0xFFFFFFC0];
	v8 =	vmax.f32 v10, v11  }
0xc6: {  	_ =	sdelay $0x1  }
0xc7: {  	[tilespmem:s21+$0x0] =	vst v8;
	v3 =	vmax.f32 v3, v5  }
0xc8: {  	s19 =	sadd.s32 $0x1, s19;
	[tilespmem:s21+$0x10] =	vst v3;
	v3 =	vmax.f32 v4, v6  }
0xc9: {  	p0 =	sne.s32 s19, s13;
	v2 =	vmax.f32 v7, v2;
	[tilespmem:s21+$0x20] =	vst v3  }
.Ltmp7:
0xca: {  	[tilespmem:s21+$0xFFFFFFC0] =	vst v2;
	(pc) =	sbr.rel @p0 .LBB2_1-.Ltmp7, $4  }
0xcb: {  	[hbm4b:s12+s3] =	stream.linear.scatter [tilespmem:s2], [sflag:$0x1], $0x3100, $0x38;
	[tilespmem:$0x1F800] =	vst v63  }
0xcc: {  	_ =	swait.ge [sflag:s16], $0x3100  }
0xcd: {  	[sflag:s16] =	ssyncset.done $0x0  }
0xce: {  	[sflag:s16] =	ssyncadd.s32 $0xFFFFCF00  }
0xcf: {  	_ =	sfence.sel $0x180000  }
0xd0: {  	[bflag:$0x0] =	sbarrier.arrive $0xFFFF  }
0xd1: {  	p0 =	sne.s32 s0, $0x0;
	_ =	strace $0x9000004D  }
0xd2: {  	s0 =	sadd.s32 @!p0 $0x100000, s1;
	[bflag:$0x2] =	sbarrier.arrive $0xFFFF  }
0xd3: {  	[sflag:s0] =	ssyncadd.tile.s32 @!p0 $0x1;
	_ =	shalt  }
.Lfunc_end2:
_tile_overlayer_lowered:
.L_overlay_start_2:
0xd4: {  	(tag) =	ssettag $0x2  }
0xd5: {  	s0 =	rddreg [dreg:$0x0];
	s2 =	stileid.u32  }
0xd6: {  	s1 =	rddreg [dreg:$0x1];
	p0 =	sne.s32 s2, $0x0  }
0xd7: {  	s3 =	rddreg [dreg:$0x2];
	[bflag:$0x3] =	sbarrier.arrive $0xFFFF;
	s2 =	simm.s32 @!p0 $0x1C01  }
0xd8: {  	[timem:s3], [sflag:s2] =	dma.local @!p0 [hbm:s0], s1  }
0xd9: {  	s0 =	simm.s32 @!p0 $0x1  }
0xda: {  	_ =	swait.ge @!p0 [sflag:s0], s1  }
0xdb: {  	s1 =	ssub.s32 @!p0 $0x0, s1;
	[sflag:s0] =	ssyncset.done @!p0 $0x0  }
0xdc: {  	[sflag:s0] =	ssyncadd.s32 @!p0 s1  }
0xdd: {  	[bflag:$0x3] =	sbarrier.arrive $0xFFFF  }
0xde: {  	_ =	shalt  }

// kernel: sparse-core-data-format-call.cloned.1.call-start
scs
called_computation_lowered:
.L_overlay_start_0:
0x0: {  	s2 =	sld [smem:$0x3FD9]  }
0x1: {  	s3 =	sld [smem:$0x3FFE];
	_ =	sdelay $0x1  }
0x2: {  	s1 =	srdreg.scid  }
0x3: {  	s0 =	sand.u32 $0x1, s1  }
0x4: {  	s18 =	sshll.u32 s0, $0xA;
	s2 =	sadd.s32 s3, s2  }
0x5: {  	s2 =	sadd.s32 s2, s18  }
0x6: {  	[smem:$0x3FC3] =	sst s2  }
0x7: {  	_ = 	snop  }
0x8: {  	s2 =	sld [smem:$0x3FC9];
	(tm) =	ssettm $0x1  }
0x9: {  	s19 =	sld [smem:$0x3FFB];
	_ =	sdelay $0x3  }
0xa: {  	_ =	strace s19  }
0xb: {  	s3 =	sld [smem:$0x3FFC];
	_ =	sdelay $0x3  }
0xc: {  	_ =	strace s3  }
0xd: {  	s3 =	sld [smem:$0x3FFD];
	_ =	sdelay $0x3  }
0xe: {  	_ =	strace s3  }
0xf: {  	_ =	strace $0x8FFFFFFF  }
0x10: {  	s20 =	sld [smem:$0x3FDB];
	_ =	sdelay $0x1  }
0x11: {  	s4 =	simm.s32 $_scs_section_size  }
0x12: {  	s5 =	simm.s32 $_size__tile_overlayer_lowered;
	s6 =	simm.s32 $_tile_overlayer_lowered  }
0x13: {  	s23 =	simm.s32 $0x1BFF;
	s22 =	sshll.u32 s6, $0x1;
	s3 =	sadd.s32 s4, s20  }
0x14: {  	s7 =	simm.s32 $0x0;
	s21 =	sshll.u32 s5, $0x1;
	s5 =	sadd.s32 s22, s3  }
0x15: {  	[timem:s7], [sflag:s23] =	dma.local [hbm:s5], s21  }
0x16: {  	_ =	swait.ge [sflag:s23], s21  }
0x17: {  	s4 =	ssub.s32 $0x0, s21;
	[sflag:s23] =	ssyncset.done $0x0  }
0x18: {  	[sflag:s23] =	ssyncadd.s32 s4;
	_ =	sdelay $0x1  }
0x19: {  	s24 =	simm.s32 $0x1B8B  }
0x1a: {  	_ =	swait.ge [sflag:s24], $0x1  }
0x1b: {  	[sflag:s24] =	ssyncset.done $0x0  }
0x1c: {  	s26 =	simm.s32 $0x1B8E;
	s25 =	sld [smem:$0x3FFE];
	[sflag:s24] =	ssyncadd.s32 $0xFFFFFFFF  }
0x1d: {  	s27 =	simm.s32 $execute0_lowered;
	[smem:$0x3FD2] =	sst s26  }
0x1e: {  	s5 =	sshll.u32 s27, $0x1;
	_ =	strace $0x80000046;
	[dreg:$0x1] =	wrdreg $0xFFFFFFFF  }
0x1f: {  	s28 =	simm.s32 $_size_execute0_lowered;
	s3 =	sadd.s32 s3, s5;
	[dreg:$0x0] =	wrdreg $0x0  }
0x20: {  	s5 =	sshll.u32 s28, $0x1;
	[dreg:$0x2] =	wrdreg s3  }
0x21: {  	[dreg:$0x3] =	wrdreg s5  }
0x22: {  	[dreg:$0x4] =	wrdreg $0xC0  }
0x23: {  	_ =	task [dreg:s7], $0x5FFFF  }
0x24: {  	[dreg:$0x1] =	wrdreg $0xFFFFFFFF  }
0x25: {  	[dreg:$0x0] =	wrdreg $0x60  }
0x26: {  	[dreg:$0x2] =	wrdreg s2  }
0x27: {  	[dreg:$0x3] =	wrdreg s25  }
0x28: {  	[dreg:$0x4] =	wrdreg $0x9  }
0x29: {  	_ =	task.clear_ibuf [dreg:s7], $0x5FFFF;
	_ =	strace $0x90000046  }
0x2a: {  	s29 =	simm.s32 $0x9;
	_ =	strace $0x80000048  }
0x2b: {  	_ =	swait.ge [sflag:s29], $0x1  }
0x2c: {  	[sflag:s29] =	ssyncadd.s32 $0xFFFFFFFF  }
0x2d: {  	_ =	strace $0x90000048  }
0x2e: {  	_ =	sfence  }
0x2f: {  	s30 =	sld [smem:$0x0];
	_ =	sdelay $0x2  }
0x30: {  	s31 =	sshll.u32 s1, $0xD;
	s1 =	sshrl.u32 s1, $0x2  }
0x31: {  	s3 =	sand.u32 $0x4000, s31;
	s1 =	sadd.s32 s1, s30  }
0x32: {  	s0 =	sor.u32 s3, s0;
	s1 =	sshll.u32 s1, $0x11  }
0x33: {  	s0 =	sor.u32 s1, s0  }
0x34: {  	s0 =	sadd.s32 $0x8F2B, s0  }
0x35: {  	[sflag:s0] =	ssyncadd.remote.s32 $0x1  }
0x36: {  	_ =	sfence.sel $0xFFFF  }
0x37: {  	[dreg:$0x0] =	wrdreg $0xFFFFFFFF;
	(pc) =	sbr.abs _section_cstart, $3  }
0x38: {  	[dreg:$0x1] =	wrdreg $0xFFFFFFFF  }
0x39: {  	_ =	task.clear_ibuf [dreg:s7], $0x2FFFF;
	_ =	strace $0x9FFFFFFF  }
0x3a: {  	(tm) =	ssettm $0x7FFFFFFF  }
0x3b: {  	_ =	shalt  }
tec
execute0_lowered:
.L_overlay_start_1:
0x0: {  	(tag) =	ssettag $0x1  }
0x1: {  	s0 =	srdreg.scid;
	s2 =	rddreg [dreg:$0x0]  }
0x2: {  	s5 =	rddreg [dreg:$0x1];
	s1 =	stileid.u32  }
0x3: {  	s4 =	simm.s32 $0x1;
	s6 =	simm.s32 $0x2;
	s0 =	sshll.u32 s0, $0x4  }
0x4: {  	s8 =	simm.s32 $0x0;
	s9 =	simm.s32 $0x0;
	s3 =	sand.u32 $0x10, s0  }
.Ltmp0:
0x5: {  	s13 =	simm.s32 $0x0;
	s3 =	sor.u32 s1, s3;
	(pc) =	sbr.rel .LBB1_1-.Ltmp0, $4  }
0x6: {  	s0 =	rddreg [dreg:$0x2];
	_ =	strace $0x80000047;
	s3 =	sshll.u32 s3, $0x2  }
0x7: {  	s10 =	simm.s32 $0x0;
	[sflag:s4] =	ssyncpa.u1 $0x0;
	s7 =	ssub.s32 $0x1868, s3  }
0x8: {  	s12 =	simm.s32 $0x0;
	[sflag:s6] =	ssyncpa.u1 $0x0;
	s6 =	sshrl.u32 s7, $0x7  }
0x9: {  	s5 =	sadd.s32 $0xE00, s5;
	s11 =	smov.u32 s3;
	s7 =	sadd.s32 $0x2, s6  }
.LBB1_9:
0xa: {  	s15 =	sshll.u32 s12, $0xE  }
0xb: {  	s16 =	sshll.u32 s10, $0x9;
	s15 =	sand.u32 $0x4000, s15  }
0xc: {  	s16 =	sadd.s32 s5, s16;
	s15 =	sor.u32 $0x8000, s15  }
0xd: {  	[hbm4b:s16+s8] =	stream.linear.scatter [tilespmem:s15], [sflag:$0x2], s14, $0x38;
	[tilespmem:$0x10000] =	vst v63  }
.LBB1_10:
0xe: {  	p0 =	slt.u32 s12, $0x2  }
0xf: {  	p1 =	sgt.s32 @!p0 s13, $0x1866  }
0x10: {  	s14 =	smov.u32 s13;
	s15 =	sshra.s32 @!p0 s13, $0x1F;
	p1 =	por !p1, p0  }
0x11: {  	s13 =	sand.u32 @!p0 s15, s13;
	s14 =	simm.s32 @p1 $0x1866  }
0x12: {  	s13 =	ssub.s32 @!p0 s14, s13  }
0x13: {  	s13 =	sadd.s32 @!p0 $0xFFFFE79A, s13  }
0x14: {  	s14 =	sshll.u32 @!p0 s13, $0xE  }
0x15: {  	p1 =	sgt.s32 @!p0 s13, $0x3;
	s13 =	ssub.s32 @!p0 $0x10000, s14  }
0x16: {  	s15 =	sadd.s32 $0x80, s11;
	p1 =	por !p1, p0;
	s13 =	sshrl.u32 @!p0 s13, $0x2  }
0x17: {  	s13 =	simm.s32 @!p1 $0x0;
	p1 =	sgt.s32 s15, $0x1869  }
0x18: {  	s15 =	smov.u32 @p1 s3;
	p1 =	sne.s32 s12, s7  }
.Ltmp1:
0x19: {  	_ = 	snop;
	(pc) =	sbr.rel @!p1 .LBB1_11-.Ltmp1, $4  }
0x1a: {  	s14 =	simm.s32 @!p0 $0x2  }
0x1b: {  	s9 =	sadd.s32 $0x4000, s9;
	_ =	swait.ge @!p0 [sflag:s14], s13;
	s16 =	ssub.s32 @!p0 $0x0, s13  }
0x1c: {  	s13 =	smov.u32 s10;
	s12 =	sadd.s32 $0x1, s12;
	[sflag:s14] =	ssyncset.done @!p0 $0x0  }
0x1d: {  	s10 =	smov.u32 s11;
	s11 =	smov.u32 s15;
	[sflag:s14] =	ssyncadd.s32 @!p0 s16  }
.LBB1_1:
0x1e: {  	p0 =	sgt.u32 s12, s6  }
0x1f: {  	p1 =	sgt.s32 @!p0 s11, $0x1866  }
0x20: {  	s14 =	smov.u32 s11;
	s15 =	sshra.s32 @!p0 s11, $0x1F;
	p1 =	por !p1, p0  }
0x21: {  	s15 =	sand.u32 @!p0 s15, s11;
	s14 =	simm.s32 @p1 $0x1866  }
0x22: {  	s14 =	ssub.s32 @!p0 s14, s15  }
0x23: {  	s14 =	sadd.s32 @!p0 $0xFFFFE79A, s14  }
0x24: {  	s17 =	simm.s32 @!p0 $0x0;
	s15 =	sxor.u32 @!p0 $0xFFFFFFFF, s12;
	s16 =	sshll.u32 @!p0 s14, $0xE  }
0x25: {  	s15 =	sshll.u32 @!p0 s15, $0xE;
	p1 =	sgt.s32 @!p0 s14, $0x3;
	s14 =	ssub.s32 @!p0 $0x10000, s16  }
0x26: {  	p1 =	por !p1, p0;
	s16 =	sshll.u32 @!p0 s11, $0x9;
	s14 =	sshrl.u32 @!p0 s14, $0x2  }
0x27: {  	s15 =	sand.u32 @!p0 $0x4000, s15;
	s16 =	sadd.s32 @!p0 s2, s16;
	s14 =	simm.s32 @!p1 $0x0  }
0x28: {  	[tilespmem:s15], [sflag:$0x1] =	stream.linear.gather @!p0 [hbm4b:s16+s17], s14, $0x38;
	[tilespmem:$0x10000] =	vst v63  }
0x29: {  	p0 =	seq.s32 s12, $0x0  }
0x2a: {  	p1 =	sge.u32 @!p0 s12, s7  }
0x2b: {  	p0 =	por p0, p1  }
.Ltmp2:
0x2c: {  	_ = 	snop;
	(pc) =	sbr.rel @p0 .LBB1_10-.Ltmp2, $1  }
0x2d: {  	_ =	sdelay $0x3  }
0x2e: {  	p0 =	sgt.s32 s10, $0x1866;
	s14 =	smov.u32 s10;
	s15 =	sshra.s32 s10, $0x1F  }
0x2f: {  	s14 =	simm.s32 @!p0 $0x1866;
	s15 =	sand.u32 s15, s10  }
0x30: {  	s14 =	ssub.s32 s14, s15  }
0x31: {  	s16 =	sadd.s32 $0x4, s10;
	s14 =	sadd.s32 $0xFFFFE79A, s14  }
0x32: {  	p1 =	slt.s32 s16, $0x186A;
	s30 =	sshll.u32 s14, $0xE  }
0x33: {  	s16 =	simm.s32 @!p1 $0x186A;
	s15 =	ssub.s32 $0x10000, s30  }
0x34: {  	p0 =	sgt.s32 s14, $0x3;
	s14 =	sshrl.u32 s15, $0x2;
	s15 =	ssub.s32 s16, s10  }
0x35: {  	s14 =	simm.s32 @p0 $0x0;
	p0 =	slt.s32 s15, $0x1  }
.Ltmp3:
0x36: {  	_ = 	snop;
	(pc) =	sbr.rel @p0 .LBB1_9-.Ltmp3, $4  }
0x37: {  	_ = 	snop  }
0x38: {  	_ =	swait.ge [sflag:s4], s14  }
0x39: {  	s31 =	ssub.s32 $0x0, s14;
	[sflag:s4] =	ssyncset.done $0x0  }
0x3a: {  	[sflag:s4] =	ssyncadd.s32 s31  }
0x3b: {  	s17 =	sand.u32 $0x4000, s9  }
0x3c: {  	s18 =	simm.s32 $0x0;
	s16 =	sor.u32 $0x8040, s17;
	s17 =	sor.u32 $0x40, s17  }
.LBB1_4:
0x3d: {  	s19 =	smov.u32 s17;
	s20 =	smov.u32 s16;
	s21 =	simm.s32 $0x0  }
.LBB1_5:
0x3e: {  	v0 =	vmov s19;
	_ =	sdelay $0x3  }
0x3f: {  	s23 =	simm.s32 $0x0  }
0x40: {  	v6 =	vld.idx.msk [tilespmem:v0+s23+$0x30 ss:$0x1], $0xffff  }
0x41: {  	v7 =	vld.idx.msk [tilespmem:v0+s23+$0xFFFFFFC0 ss:$0x1], $0xffff  }
0x42: {  	v5 =	vld.idx.msk [tilespmem:v0+s23+$0xFFFFFFD0 ss:$0x1], $0xffff  }
0x43: {  	v4 =	vld.idx.msk [tilespmem:v0+s23+$0xFFFFFFE0 ss:$0x1], $0xffff  }
0x44: {  	v3 =	vld.idx.msk [tilespmem:v0+s23+$0xFFFFFFF0 ss:$0x1], $0xffff  }
0x45: {  	v1 =	vld.idx.msk [tilespmem:v0+s23+$0x0 ss:$0x1], $0xffff  }
0x46: {  	v2 =	vld.idx.msk [tilespmem:v0+s23+$0x10 ss:$0x1], $0xffff;
	[tilespmem:s20+$0x30] =	vst v6  }
0x47: {  	s22 =	simm.s32 $0x80;
	s24 =	simm.s32 $0x400;
	[tilespmem:s20+$0xFFFFFFC0] =	vst v7;
	v6 =	vld.idx.msk [tilespmem:v0+s23+$0x20 ss:$0x1], $0xffff;
	s23 =	smov.u32 s20  }
.LBB1_6:
0x48: {  	p0 =	sne.s32 s24, $0x600;
	v7 =	vld.idx.msk [tilespmem:v0+s22+$0x30 ss:$0x1], $0xffff;
	[tilespmem:s23+$0xFFFFFFD0] =	vst v5  }
0x49: {  	v8 =	vld.idx.msk [tilespmem:v0+s22+$0xFFFFFFC0 ss:$0x1], $0xffff;
	[tilespmem:s23+$0xFFFFFFE0] =	vst v4  }
0x4a: {  	v5 =	vld.idx.msk [tilespmem:v0+s22+$0xFFFFFFD0 ss:$0x1], $0xffff;
	[tilespmem:s23+$0xFFFFFFF0] =	vst v3  }
.Ltmp4:
0x4b: {  	v4 =	vld.idx.msk [tilespmem:v0+s22+$0xFFFFFFE0 ss:$0x1], $0xffff;
	[tilespmem:s23+$0x0] =	vst v1;
	(pc) =	sbr.rel @p0 .LBB1_6-.Ltmp4, $4  }
0x4c: {  	v3 =	vld.idx.msk [tilespmem:v0+s22+$0xFFFFFFF0 ss:$0x1], $0xffff;
	[tilespmem:s23+$0x10] =	vst v2  }
0x4d: {  	v1 =	vld.idx.msk [tilespmem:v0+s22+$0x0 ss:$0x1], $0xffff;
	[tilespmem:s23+$0x20] =	vst v6;
	s23 =	sadd.s32 $0x400, s23  }
0x4e: {  	v2 =	vld.idx.msk [tilespmem:v0+s22+$0x10 ss:$0x1], $0xffff;
	[tilespmem:s23+$0x30] =	vst v7  }
0x4f: {  	[tilespmem:s23+$0xFFFFFFC0] =	vst v8;
	v6 =	vld.idx.msk [tilespmem:v0+s22+$0x20 ss:$0x1], $0xffff;
	s22 =	sshra.s32 s24, $0x2;
	s24 =	sadd.s32 $0x200, s24  }
0x50: {  	_ =	sdelay $0x2  }
0x51: {  	[tilespmem:s23+$0xFFFFFFD0] =	vst v5  }
0x52: {  	v56 =	vld.idx.msk [tilespmem:v0+s22+$0x30 ss:$0x1], $0xffff;
	[tilespmem:s23+$0xFFFFFFE0] =	vst v4  }
0x53: {  	v57 =	vld.idx.msk [tilespmem:v0+s22+$0xFFFFFFC0 ss:$0x1], $0xffff;
	[tilespmem:s23+$0xFFFFFFF0] =	vst v3  }
0x54: {  	v58 =	vld.idx.msk [tilespmem:v0+s22+$0xFFFFFFD0 ss:$0x1], $0xffff;
	[tilespmem:s23+$0x0] =	vst v1  }
0x55: {  	v59 =	vld.idx.msk [tilespmem:v0+s22+$0xFFFFFFE0 ss:$0x1], $0xffff;
	[tilespmem:s23+$0x10] =	vst v2  }
0x56: {  	v60 =	vld.idx.msk [tilespmem:v0+s22+$0xFFFFFFF0 ss:$0x1], $0xffff;
	s31 =	sadd.s32 $0x400, s23;
	[tilespmem:s23+$0x20] =	vst v6  }
0x57: {  	v61 =	vld.idx.msk [tilespmem:v0+s22+$0x0 ss:$0x1], $0xffff;
	[tilespmem:s31+$0x30] =	vst v56  }
0x58: {  	v62 =	vld.idx.msk [tilespmem:v0+s22+$0x10 ss:$0x1], $0xffff;
	s21 =	sadd.s32 $0x1, s21;
	[tilespmem:s31+$0xFFFFFFC0] =	vst v57  }
0x59: {  	v63 =	vld.idx.msk [tilespmem:v0+s22+$0x20 ss:$0x1], $0xffff;
	p0 =	sne.s32 s21, $0x8;
	[tilespmem:s31+$0xFFFFFFD0] =	vst v58  }
.Ltmp5:
0x5a: {  	[tilespmem:s31+$0xFFFFFFE0] =	vst v59;
	(pc) =	sbr.rel @p0 .LBB1_5-.Ltmp5, $4  }
0x5b: {  	[tilespmem:s31+$0xFFFFFFF0] =	vst v60  }
0x5c: {  	[tilespmem:s31+$0x0] =	vst v61  }
0x5d: {  	[tilespmem:s31+$0x10] =	vst v62  }
0x5e: {  	s20 =	sadd.s32 $0x80, s20;
	s19 =	sadd.s32 $0x200, s19;
	[tilespmem:s31+$0x20] =	vst v63  }
0x5f: {  	s18 =	sadd.s32 $0x1, s18  }
0x60: {  	p0 =	sne.s32 s18, s15  }
.Ltmp6:
0x61: {  	_ = 	snop;
	(pc) =	sbr.rel @p0 .LBB1_4-.Ltmp6, $4  }
.Ltmp7:
0x62: {  	_ = 	snop;
	(pc) =	sbr.rel @!p0 .LBB1_9-.Ltmp7, $4  }
0x63: {  	_ = 	snop  }
0x64: {  	_ = 	snop  }
0x65: {  	s16 =	sadd.s32 $0x1000, s16;
	s17 =	sadd.s32 $0x1000, s17  }
0x66: {  	_ = 	snop  }
.LBB1_11:
0x67: {  	_ =	sfence.sel $0x180000  }
0x68: {  	s2 =	simm.s32 $0x1;
	[bflag:$0x0] =	sbarrier.arrive $0xFFFF  }
0x69: {  	s31 =	simm.s32 $0x2;
	[sflag:s2] =	ssyncpa.u1 $0x1  }
0x6a: {  	[sflag:s31] =	ssyncpa.u1 $0x1  }
0x6b: {  	p0 =	sne.s32 s1, $0x0;
	_ =	strace $0x90000047  }
0x6c: {  	s0 =	sadd.s32 @!p0 $0x100000, s0;
	[bflag:$0x2] =	sbarrier.arrive $0xFFFF  }
0x6d: {  	[sflag:s0] =	ssyncadd.tile.s32 @!p0 $0x1;
	_ =	shalt  }
.Lfunc_end1:
_tile_overlayer_lowered:
.L_overlay_start_2:
0x6e: {  	(tag) =	ssettag $0x2  }
0x6f: {  	s0 =	rddreg [dreg:$0x0];
	s2 =	stileid.u32  }
0x70: {  	s1 =	rddreg [dreg:$0x1];
	p0 =	sne.s32 s2, $0x0  }
0x71: {  	s3 =	rddreg [dreg:$0x2];
	[bflag:$0x3] =	sbarrier.arrive $0xFFFF;
	s2 =	simm.s32 @!p0 $0x1C01  }
0x72: {  	[timem:s3], [sflag:s2] =	dma.local @!p0 [hbm:s0], s1  }
0x73: {  	s0 =	simm.s32 @!p0 $0x1  }
0x74: {  	_ =	swait.ge @!p0 [sflag:s0], s1  }
0x75: {  	s1 =	ssub.s32 @!p0 $0x0, s1;
	[sflag:s0] =	ssyncset.done @!p0 $0x0  }
0x76: {  	[sflag:s0] =	ssyncadd.s32 @!p0 s1  }
0x77: {  	[bflag:$0x3] =	sbarrier.arrive $0xFFFF  }
0x78: {  	_ =	shalt  }

</sc_bundles>
